<compile_context>
chip_gen: v7x
topology: tpu7x:2x2x1
jax: 0.10.2.dev20260603
libtpu: 0.0.44.dev20260713+nightly
codegen_flags: <defaults>
</compile_context>

<pallas_src>
import jax
import jax.numpy as jnp
from jax import lax
from jax.experimental import pallas as pl
from jax.experimental.pallas import tpu as pltpu
from jax.experimental.pallas import tpu_sc as plsc

N = 10000
E = 320000
MAX_LEN = 20
E_DIM = 8
VOCAB = 16
H = 128
NREL = 16
NB = 16

NC = 2
NS = 16
NW = NC * NS
EPW = E // NW
CH = 80
NCHUNK = EPW // CH
NCHT = E // CH
UNR = 5
NP = 10240
RPT = NP // NS

NBLK = 10
BN = N // NBLK



def _prep_body(feat_ref, a2_ref, bsz_ref, bd_ref, loop_ref, bias_ref,
               src_ref, et_ref, t_ref, xl_ref, g_ref, oh_ref):
    f = feat_ref[...]
    for j in range(MAX_LEN):
        oh_ref[:, j * VOCAB:(j + 1) * VOCAB] = (
            f[:, j:j + 1] == lax.broadcasted_iota(jnp.int32, (BN, VOCAB), 1)
        ).astype(jnp.float32)
    x = jnp.dot(oh_ref[...], a2_ref[...],
                preferred_element_type=jnp.float32) + bsz_ref[...]
    for r in range(NREL):
        t_ref[r] = jnp.dot(x, bd_ref[r], preferred_element_type=jnp.float32)
    xl_ref[...] = jnp.dot(x, loop_ref[...],
                          preferred_element_type=jnp.float32) + bias_ref[...]
    g_ref[...] = et_ref[...] * N + src_ref[...]


def _mid_body(p0_ref, p1_ref, xl_ref, bd_ref, loop_ref, bias_ref,
              t_ref, xl2_ref):
    h = jnp.maximum(p0_ref[0] + p1_ref[0] + xl_ref[...], 0.0)
    for r in range(NREL):
        t_ref[r] = jnp.dot(h, bd_ref[r], preferred_element_type=jnp.float32)
    xl2_ref[...] = jnp.dot(h, loop_ref[...],
                           preferred_element_type=jnp.float32) + bias_ref[...]


def _final_body(p0_ref, p1_ref, xl_ref, out_ref):
    out_ref[...] = p0_ref[0] + p1_ref[0] + xl_ref[...]


def _full(shape):
    return pl.BlockSpec(shape, lambda i: (0,) * len(shape))


ERC = 1000
ER = E // ERC
ERB = ER // NBLK

_prep_call = pl.pallas_call(
    _prep_body,
    grid=(NBLK,),
    in_specs=[
        pl.BlockSpec((BN, MAX_LEN), lambda i: (i, 0)),
        _full((MAX_LEN * VOCAB, H)),
        _full((1, H)),
        _full((NREL, H, H)),
        _full((H, H)),
        _full((1, H)),
        pl.BlockSpec((ERB, ERC), lambda i: (i, 0)),
        pl.BlockSpec((ERB, ERC), lambda i: (i, 0)),
    ],
    out_specs=[
        pl.BlockSpec((NREL, BN, H), lambda i: (0, i, 0)),
        pl.BlockSpec((BN, H), lambda i: (i, 0)),
        pl.BlockSpec((ERB, ERC), lambda i: (i, 0)),
    ],
    out_shape=[
        jax.ShapeDtypeStruct((NREL, N, H), jnp.float32),
        jax.ShapeDtypeStruct((N, H), jnp.float32),
        jax.ShapeDtypeStruct((ER, ERC), jnp.int32),
    ],
    scratch_shapes=[pltpu.VMEM((BN, MAX_LEN * VOCAB), jnp.float32)],
)

_mid_call = pl.pallas_call(
    _mid_body,
    grid=(NBLK,),
    in_specs=[
        pl.BlockSpec((1, BN, H), lambda i: (0, i, 0)),
        pl.BlockSpec((1, BN, H), lambda i: (1, i, 0)),
        pl.BlockSpec((BN, H), lambda i: (i, 0)),
        _full((NREL, H, H)),
        _full((H, H)),
        _full((1, H)),
    ],
    out_specs=[
        pl.BlockSpec((NREL, BN, H), lambda i: (0, i, 0)),
        pl.BlockSpec((BN, H), lambda i: (i, 0)),
    ],
    out_shape=[
        jax.ShapeDtypeStruct((NREL, N, H), jnp.float32),
        jax.ShapeDtypeStruct((N, H), jnp.float32),
    ],
)

_final_call = pl.pallas_call(
    _final_body,
    grid=(NBLK,),
    in_specs=[
        pl.BlockSpec((1, BN, H), lambda i: (0, i, 0)),
        pl.BlockSpec((1, BN, H), lambda i: (1, i, 0)),
        pl.BlockSpec((BN, H), lambda i: (i, 0)),
    ],
    out_specs=pl.BlockSpec((BN, H), lambda i: (i, 0)),
    out_shape=jax.ShapeDtypeStruct((N, H), jnp.float32),
)



def _edge_body(t_hbm, pck_hbm, zeros_hbm, out_hbm,
               ib0, ib1, ib2, rf0, rf1, rf2,
               acc, sem0, sem1, sem2):
    c = lax.axis_index("c")
    s = lax.axis_index("s")
    wid = c * NS + s
    cbase = wid * NCHUNK
    rbase = s * RPT
    ibs = (ib0, ib1, ib2)
    rfs = (rf0, rf1, rf2)
    sems = (sem0, sem1, sem2)

    pltpu.sync_copy(zeros_hbm, acc.at[pl.ds(rbase, RPT)])
    plsc.subcore_barrier()

    def _scale(ib, rf):
        def _body(q, _):
            for u in range(UNR):
                e = q * UNR + u
                ni = plsc.load_gather(
                    ib, [jnp.full((16,), 2, jnp.int32),
                         jnp.full((16,), e, jnp.int32)])
                nb = plsc.bitcast(ni, jnp.float32)
                for k in range(H // 16):
                    sl2 = pl.ds(k * 16, 16)
                    rf[e, sl2] = rf[e, sl2] * nb
            return 0
        lax.fori_loop(0, CH // UNR, _body, 0)

    def _step(i, X, first=False, prefetch=True):
        Z = (X + 2) % 3
        pltpu.make_async_copy(t_hbm.at[ibs[X].at[0]], rfs[X],
                              sems[X]).wait()
        pass
        if not first:
            pltpu.make_async_copy(rfs[Z], acc.at[ibs[Z].at[1]],
                                  sems[Z]).wait()
        if prefetch:
            pltpu.sync_copy(pck_hbm.at[i + 2], ibs[Z])
            pltpu.async_copy(t_hbm.at[ibs[Z].at[0]], rfs[Z], sems[Z])
        pltpu.async_copy(rfs[X], acc.at[ibs[X].at[1]], sems[X], add=True)

    pltpu.sync_copy(pck_hbm.at[cbase], ib0)
    pltpu.async_copy(t_hbm.at[ib0.at[0]], rf0, sem0)
    pltpu.sync_copy(pck_hbm.at[cbase + 1], ib1)
    pltpu.async_copy(t_hbm.at[ib1.at[0]], rf1, sem1)

    _step(cbase + 0, 0, first=True)
    _step(cbase + 1, 1)
    _step(cbase + 2, 2)

    def _triple(j, _):
        i0 = cbase + 3 * j
        _step(i0, 0)
        _step(i0 + 1, 1)
        _step(i0 + 2, 2)
        return 0
    lax.fori_loop(1, NCHUNK // 3, _triple, 0)

    _step(cbase + NCHUNK - 2, 0, prefetch=False)
    _step(cbase + NCHUNK - 1, 1, prefetch=False)
    pltpu.make_async_copy(rf1, acc.at[ib1.at[1]], sem1).wait()

    plsc.subcore_barrier()
    pltpu.sync_copy(acc.at[pl.ds(rbase, RPT)],
                    out_hbm.at[c, pl.ds(rbase, RPT)])


_edge_call = pl.kernel(
    _edge_body,
    out_type=jax.ShapeDtypeStruct((NC, NP, H), jnp.float32),
    mesh=plsc.VectorSubcoreMesh(core_axis_name="c", subcore_axis_name="s"),
    compiler_params=pltpu.CompilerParams(needs_layout_passes=False),
    scratch_types=[
        pltpu.VMEM((3, CH), jnp.int32),
        pltpu.VMEM((3, CH), jnp.int32),
        pltpu.VMEM((3, CH), jnp.int32),
        pltpu.VMEM((CH, H), jnp.float32),
        pltpu.VMEM((CH, H), jnp.float32),
        pltpu.VMEM((CH, H), jnp.float32),
        pltpu.VMEM_SHARED((NP, H), jnp.float32),
        pltpu.SemaphoreType.DMA,
        pltpu.SemaphoreType.DMA,
        pltpu.SemaphoreType.DMA,
    ],
)



import numpy as _np

_PERM = _np.empty((H,), _np.int32)
for _k in range(H // 32):
    for _i in range(16):
        _PERM[32 * _k + 2 * _i] = 32 * _k + _i
        _PERM[32 * _k + 2 * _i + 1] = 32 * _k + 16 + _i


def _bdcat(W):
    M = jnp.einsum('rbio,bc->rbico', W, jnp.eye(NB, dtype=W.dtype))
    return M.reshape(NREL, H, H)


def kernel(feat, src, dst, etypes, norm, nids, emb_table, W_size, b_size,
           W1, loop1, bias1, W2, loop2, bias2):
    A2 = jnp.einsum('vd,hjd->jvh', emb_table,
                    W_size.reshape(H, MAX_LEN, E_DIM)
                    ).reshape(MAX_LEN * VOCAB, H)
    bd1 = _bdcat(W1)
    bd2 = _bdcat(W2)
    feat = feat.astype(jnp.int32)
    src = src.astype(jnp.int32)
    dst = dst.astype(jnp.int32)
    etypes = etypes.astype(jnp.int32)
    normf = norm.reshape(E)

    t1, xl1, g2d = _prep_call(feat, A2, b_size.reshape(1, H), bd1, loop1,
                              bias1.reshape(1, H), src.reshape(ER, ERC),
                              etypes.reshape(ER, ERC))
    pck = jnp.stack([g2d.reshape(NCHT, CH), dst.reshape(NCHT, CH),
                     lax.bitcast_convert_type(normf, jnp.int32)
                     .reshape(NCHT, CH)], axis=1)
    zeros = jnp.zeros((RPT, H), jnp.float32)
    p1 = _edge_call(t1.reshape(NREL * N, H), pck, zeros)
    t2, xl2 = _mid_call(p1, p1, xl1, bd2, loop2, bias2.reshape(1, H))
    p2 = _edge_call(t2.reshape(NREL * N, H), pck, zeros)
    return _final_call(p2, p2, xl2)

# --- scband reference (transcript-rebuilt; emitter-appended) ---
"""Pipeline reference for scband-link-predict-32598801776725 (READ-ONLY COPY).

The authoritative reference and input builder live on the scoring server;
editing this copy changes nothing except your own understanding.
"""

import jax, jax.numpy as jnp
import numpy as np

N = 10000
E = 320000
MAX_LEN = 20
E_DIM = 8
VOCAB = 16
H = 128
NREL = 16
NB = 16
DIN = H // NB
DOUT = H // NB


def setup_inputs(seed: int = 0):
    key = jax.random.key(seed)
    ks = jax.random.split(key, 10)
    feat = jax.random.randint(ks[0], (N, MAX_LEN), 0, VOCAB)
    src = jax.random.randint(ks[1], (E,), 0, N)
    dst = jax.random.randint(ks[2], (E,), 0, N)
    etypes = jax.random.randint(ks[3], (E,), 0, NREL)
    norm = jax.random.uniform(ks[4], (E, 1), dtype=jnp.float32)
    nids = jnp.arange(N)
    emb_table = jnp.asarray(np.array([[0.01 * i + 0.001 * j for j in range(E_DIM)] for i in range(VOCAB)], dtype=np.float32))
    W_size = jax.random.normal(ks[5], (H, E_DIM * MAX_LEN), dtype=jnp.float32) * 0.05
    b_size = jnp.zeros((H,), dtype=jnp.float32)
    W1 = jax.random.normal(ks[6], (NREL, NB, DIN, DOUT), dtype=jnp.float32) * 0.05
    loop1 = jax.random.normal(ks[7], (H, H), dtype=jnp.float32) * 0.05
    bias1 = jnp.zeros((H,), dtype=jnp.float32)
    W2 = jax.random.normal(ks[8], (NREL, NB, DIN, DOUT), dtype=jnp.float32) * 0.05
    loop2 = jax.random.normal(ks[9], (H, H), dtype=jnp.float32) * 0.05
    bias2 = jnp.zeros((H,), dtype=jnp.float32)
    return {"feat": feat, "src": src, "dst": dst, "etypes": etypes, "norm": norm, "nids": nids,
            "emb_table": emb_table, "W_size": W_size, "b_size": b_size,
            "W1": W1, "loop1": loop1, "bias1": bias1,
            "W2": W2, "loop2": loop2, "bias2": bias2}


def _relgraphconv_bdd(h, src, dst, etypes, norm, W, loop_w, bias):
    # DGL RelGraphConv with regularizer='bdd' (block-diagonal decomposition), self_loop=True
    hb = h[src].reshape(E, NB, DIN)              # gather source features, split into blocks
    we = W[etypes]                               # per-edge relation weight blocks [E, NB, DIN, DOUT]
    msg = jnp.einsum('ebi,ebio->ebo', hb, we).reshape(E, NB * DOUT)
    msg = msg * norm                             # edge norm
    agg = jax.ops.segment_sum(msg, dst, num_segments=N)  # scatter-add to dst nodes
    return agg + h @ loop_w + bias               # self-loop + bias (activation=None)


def reference(feat, src, dst, etypes, norm, nids, emb_table, W_size, b_size, W1, loop1, bias1, W2, loop2, bias2):
    # RGCN.forward (ns_mode=False): nids unused
    nf = emb_table[feat]                         # [N, MAX_LEN, E_DIM] embedding lookup
    x = nf.reshape(N, MAX_LEN * E_DIM)
    x = x @ W_size.T + b_size                    # size_matcher Linear
    h = _relgraphconv_bdd(x, src, dst, etypes, norm, W1, loop1, bias1)
    h = jax.nn.relu(h)                           # dropout=0.0 -> identity
    h = _relgraphconv_bdd(h, src, dst, etypes, norm, W2, loop2, bias2)
    return h                                     # outer dropout=0.0 -> identity

if __name__ == "__main__":
    import jax
    _d = setup_inputs()
    print(jax.jit(kernel)(*tuple(_d.values())))

</pallas_src>

<mosaic_0001>
#map = affine_map<(d0, d1) -> (0, 0)>
#map1 = affine_map<(d0, d1) -> (0, 0, 0)>
module attributes {stable_mosaic.version = 14 : i64} {
  func.func @_edge_body(%arg0: i32, %arg1: i32, %arg2: memref<160000x128xf32, #tpu.memory_space<hbm>>, %arg3: memref<4000x3x80xi32, #tpu.memory_space<hbm>>, %arg4: memref<640x128xf32, #tpu.memory_space<hbm>>, %arg5: memref<2x10240x128xf32, #tpu.memory_space<hbm>>, %arg6: memref<3x80xi32, #tpu.memory_space<vmem>>, %arg7: memref<3x80xi32, #tpu.memory_space<vmem>>, %arg8: memref<3x80xi32, #tpu.memory_space<vmem>>, %arg9: memref<80x128xf32, #tpu.memory_space<vmem>>, %arg10: memref<80x128xf32, #tpu.memory_space<vmem>>, %arg11: memref<80x128xf32, #tpu.memory_space<vmem>>, %arg12: memref<10240x128xf32, #tpu.memory_space<vmem_shared>>, %arg13: memref<!tpu.dma_semaphore, #tpu.memory_space<semaphore_mem>>, %arg14: memref<!tpu.dma_semaphore, #tpu.memory_space<semaphore_mem>>, %arg15: memref<!tpu.dma_semaphore, #tpu.memory_space<semaphore_mem>>) attributes {dimension_semantics = [#tpu.dimension_semantics<core_parallel>, #tpu.dimension_semantics<subcore_parallel>], iteration_bounds = array<i64: 2, 16>, scalar_prefetch = 0 : i64, scratch_operands = 10 : i64, tpu.core_type = #tpu.core_type<sc_vector_subcore>, window_params = [{transform_indices = #map}, {transform_indices = #map1}, {transform_indices = #map}, {transform_indices = #map1}]} {
    %mul3A = arith.constant 16 : i32
    %mul3A_0 = arith.muli %arg0, %mul3A : i32
    %add3A = arith.addi %mul3A_0, %arg1 : i32
    %mul3A_1 = arith.constant 125 : i32
    %mul3A_2 = arith.muli %add3A, %mul3A_1 : i32
    %mul3A_3 = arith.constant 640 : i32
    %mul3A_4 = arith.muli %arg1, %mul3A_3 : i32
    "tpu.region"() ({
      %run_scoped3A = tpu.sem_alloc : memref<!tpu.dma_semaphore, #tpu.memory_space<semaphore_mem>>
      %dma_start3A_171 = arith.constant 0 : i32
      %dma_start3A_172 = tpu.memref_slice %arg12[%mul3A_4, %dma_start3A_171] : memref<10240x128xf32, #tpu.memory_space<vmem_shared>> -> memref<640x128xf32, #tpu.memory_space<vmem_shared>>
      tpu.enqueue_dma source(%arg4 : memref<640x128xf32, #tpu.memory_space<hbm>>) target(%dma_start3A_172 : memref<640x128xf32, #tpu.memory_space<vmem_shared>>) target_semaphore(%run_scoped3A : memref<!tpu.dma_semaphore, #tpu.memory_space<semaphore_mem>>)
      %dma_wait3A_173 = arith.constant 0 : i32
      %dma_wait3A_174 = tpu.memref_slice %arg12[%mul3A_4, %dma_wait3A_173] : memref<10240x128xf32, #tpu.memory_space<vmem_shared>> -> memref<640x128xf32, #tpu.memory_space<vmem_shared>>
      tpu.wait_dma2 semaphore(%run_scoped3A : memref<!tpu.dma_semaphore, #tpu.memory_space<semaphore_mem>>) src(%arg4 : memref<640x128xf32, #tpu.memory_space<hbm>>) dst(%dma_wait3A_174 : memref<640x128xf32, #tpu.memory_space<vmem_shared>>)
      tpu.yield
    }) : () -> ()
    %barrier3A = arith.constant 0 : index
    tpu.barrier barrier_id(%barrier3A)
    "tpu.region"() ({
      %run_scoped3A = tpu.sem_alloc : memref<!tpu.dma_semaphore, #tpu.memory_space<semaphore_mem>>
      %dma_start3A_171 = arith.constant 0 : i32
      %dma_start3A_172 = arith.constant 0 : i32
      %dma_start3A_173 = tpu.memref_slice %arg3[%mul3A_2, %dma_start3A_171, %dma_start3A_172] : memref<4000x3x80xi32, #tpu.memory_space<hbm>> -> memref<1x3x80xi32, #tpu.memory_space<hbm>>
      %dma_start3A_174 = tpu.memref_squeeze %dma_start3A_173 : memref<1x3x80xi32, #tpu.memory_space<hbm>> -> memref<3x80xi32, #tpu.memory_space<hbm>>
      %dma_start3A_175 = arith.constant 0 : i32
      %dma_start3A_176 = arith.constant 0 : i32
      %dma_start3A_177 = tpu.memref_slice %arg3[%mul3A_2, %dma_start3A_175, %dma_start3A_176] : memref<4000x3x80xi32, #tpu.memory_space<hbm>> -> memref<1x3x80xi32, #tpu.memory_space<hbm>>
      %dma_start3A_178 = tpu.memref_squeeze %dma_start3A_177 : memref<1x3x80xi32, #tpu.memory_space<hbm>> -> memref<3x80xi32, #tpu.memory_space<hbm>>
      tpu.enqueue_dma source(%dma_start3A_178 : memref<3x80xi32, #tpu.memory_space<hbm>>) target(%arg6 : memref<3x80xi32, #tpu.memory_space<vmem>>) target_semaphore(%run_scoped3A : memref<!tpu.dma_semaphore, #tpu.memory_space<semaphore_mem>>)
      %dma_wait3A_179 = arith.constant 0 : i32
      %dma_wait3A_180 = arith.constant 0 : i32
      %dma_wait3A_181 = tpu.memref_slice %arg3[%mul3A_2, %dma_wait3A_179, %dma_wait3A_180] : memref<4000x3x80xi32, #tpu.memory_space<hbm>> -> memref<1x3x80xi32, #tpu.memory_space<hbm>>
      %dma_wait3A_182 = tpu.memref_squeeze %dma_wait3A_181 : memref<1x3x80xi32, #tpu.memory_space<hbm>> -> memref<3x80xi32, #tpu.memory_space<hbm>>
      %dma_wait3A_183 = arith.constant 0 : i32
      %dma_wait3A_184 = arith.constant 0 : i32
      %dma_wait3A_185 = tpu.memref_slice %arg3[%mul3A_2, %dma_wait3A_183, %dma_wait3A_184] : memref<4000x3x80xi32, #tpu.memory_space<hbm>> -> memref<1x3x80xi32, #tpu.memory_space<hbm>>
      %dma_wait3A_186 = tpu.memref_squeeze %dma_wait3A_185 : memref<1x3x80xi32, #tpu.memory_space<hbm>> -> memref<3x80xi32, #tpu.memory_space<hbm>>
      tpu.wait_dma2 semaphore(%run_scoped3A : memref<!tpu.dma_semaphore, #tpu.memory_space<semaphore_mem>>) src(%dma_wait3A_186 : memref<3x80xi32, #tpu.memory_space<hbm>>) dst(%arg6 : memref<3x80xi32, #tpu.memory_space<vmem>>)
      tpu.yield
    }) : () -> ()
    %dma_start3A = arith.constant 0 : i32
    %dma_start3A_5 = arith.constant 0 : i32
    %dma_start3A_6 = tpu.memref_slice %arg6[%dma_start3A, %dma_start3A_5] : memref<3x80xi32, #tpu.memory_space<vmem>> -> memref<1x80xi32, #tpu.memory_space<vmem>>
    %dma_start3A_7 = tpu.memref_squeeze %dma_start3A_6 : memref<1x80xi32, #tpu.memory_space<vmem>> -> memref<80xi32, #tpu.memory_space<vmem>>
    %dma_start3A_8 = arith.constant 0 : i32
    %dma_start3A_9 = arith.constant 0 : i32
    %dma_start3A_10 = tpu.memref_slice %arg2[%dma_start3A_8, %dma_start3A_9] : memref<160000x128xf32, #tpu.memory_space<hbm>> -> memref<160000x128xf32, #tpu.memory_space<hbm>>
    tpu.enqueue_indirect_dma source(%dma_start3A_10 : memref<160000x128xf32, #tpu.memory_space<hbm>>) target(%arg9 : memref<80x128xf32, #tpu.memory_space<vmem>>) offsets(%dma_start3A_7 : memref<80xi32, #tpu.memory_space<vmem>>) semaphore(%arg13 : memref<!tpu.dma_semaphore, #tpu.memory_space<semaphore_mem>>)
    %add3A_11 = arith.constant 1 : i32
    %add3A_12 = arith.addi %mul3A_2, %add3A_11 : i32
    "tpu.region"() ({
      %run_scoped3A = tpu.sem_alloc : memref<!tpu.dma_semaphore, #tpu.memory_space<semaphore_mem>>
      %dma_start3A_171 = arith.constant 0 : i32
      %dma_start3A_172 = arith.constant 0 : i32
      %dma_start3A_173 = tpu.memref_slice %arg3[%add3A_12, %dma_start3A_171, %dma_start3A_172] : memref<4000x3x80xi32, #tpu.memory_space<hbm>> -> memref<1x3x80xi32, #tpu.memory_space<hbm>>
      %dma_start3A_174 = tpu.memref_squeeze %dma_start3A_173 : memref<1x3x80xi32, #tpu.memory_space<hbm>> -> memref<3x80xi32, #tpu.memory_space<hbm>>
      %dma_start3A_175 = arith.constant 0 : i32
      %dma_start3A_176 = arith.constant 0 : i32
      %dma_start3A_177 = tpu.memref_slice %arg3[%add3A_12, %dma_start3A_175, %dma_start3A_176] : memref<4000x3x80xi32, #tpu.memory_space<hbm>> -> memref<1x3x80xi32, #tpu.memory_space<hbm>>
      %dma_start3A_178 = tpu.memref_squeeze %dma_start3A_177 : memref<1x3x80xi32, #tpu.memory_space<hbm>> -> memref<3x80xi32, #tpu.memory_space<hbm>>
      tpu.enqueue_dma source(%dma_start3A_178 : memref<3x80xi32, #tpu.memory_space<hbm>>) target(%arg7 : memref<3x80xi32, #tpu.memory_space<vmem>>) target_semaphore(%run_scoped3A : memref<!tpu.dma_semaphore, #tpu.memory_space<semaphore_mem>>)
      %dma_wait3A_179 = arith.constant 0 : i32
      %dma_wait3A_180 = arith.constant 0 : i32
      %dma_wait3A_181 = tpu.memref_slice %arg3[%add3A_12, %dma_wait3A_179, %dma_wait3A_180] : memref<4000x3x80xi32, #tpu.memory_space<hbm>> -> memref<1x3x80xi32, #tpu.memory_space<hbm>>
      %dma_wait3A_182 = tpu.memref_squeeze %dma_wait3A_181 : memref<1x3x80xi32, #tpu.memory_space<hbm>> -> memref<3x80xi32, #tpu.memory_space<hbm>>
      %dma_wait3A_183 = arith.constant 0 : i32
      %dma_wait3A_184 = arith.constant 0 : i32
      %dma_wait3A_185 = tpu.memref_slice %arg3[%add3A_12, %dma_wait3A_183, %dma_wait3A_184] : memref<4000x3x80xi32, #tpu.memory_space<hbm>> -> memref<1x3x80xi32, #tpu.memory_space<hbm>>
      %dma_wait3A_186 = tpu.memref_squeeze %dma_wait3A_185 : memref<1x3x80xi32, #tpu.memory_space<hbm>> -> memref<3x80xi32, #tpu.memory_space<hbm>>
      tpu.wait_dma2 semaphore(%run_scoped3A : memref<!tpu.dma_semaphore, #tpu.memory_space<semaphore_mem>>) src(%dma_wait3A_186 : memref<3x80xi32, #tpu.memory_space<hbm>>) dst(%arg7 : memref<3x80xi32, #tpu.memory_space<vmem>>)
      tpu.yield
    }) : () -> ()
    %dma_start3A_13 = arith.constant 0 : i32
    %dma_start3A_14 = arith.constant 0 : i32
    %dma_start3A_15 = tpu.memref_slice %arg7[%dma_start3A_13, %dma_start3A_14] : memref<3x80xi32, #tpu.memory_space<vmem>> -> memref<1x80xi32, #tpu.memory_space<vmem>>
    %dma_start3A_16 = tpu.memref_squeeze %dma_start3A_15 : memref<1x80xi32, #tpu.memory_space<vmem>> -> memref<80xi32, #tpu.memory_space<vmem>>
    %dma_start3A_17 = arith.constant 0 : i32
    %dma_start3A_18 = arith.constant 0 : i32
    %dma_start3A_19 = tpu.memref_slice %arg2[%dma_start3A_17, %dma_start3A_18] : memref<160000x128xf32, #tpu.memory_space<hbm>> -> memref<160000x128xf32, #tpu.memory_space<hbm>>
    tpu.enqueue_indirect_dma source(%dma_start3A_19 : memref<160000x128xf32, #tpu.memory_space<hbm>>) target(%arg10 : memref<80x128xf32, #tpu.memory_space<vmem>>) offsets(%dma_start3A_16 : memref<80xi32, #tpu.memory_space<vmem>>) semaphore(%arg14 : memref<!tpu.dma_semaphore, #tpu.memory_space<semaphore_mem>>)
    %add3A_20 = arith.constant 0 : i32
    %add3A_21 = arith.addi %mul3A_2, %add3A_20 : i32
    %dma_wait3A = arith.constant 0 : i32
    %dma_wait3A_22 = arith.constant 0 : i32
    %dma_wait3A_23 = tpu.memref_slice %arg6[%dma_wait3A, %dma_wait3A_22] : memref<3x80xi32, #tpu.memory_space<vmem>> -> memref<1x80xi32, #tpu.memory_space<vmem>>
    %dma_wait3A_24 = tpu.memref_squeeze %dma_wait3A_23 : memref<1x80xi32, #tpu.memory_space<vmem>> -> memref<80xi32, #tpu.memory_space<vmem>>
    %dma_wait3A_25 = arith.constant 0 : i32
    %dma_wait3A_26 = arith.constant 0 : i32
    %dma_wait3A_27 = tpu.memref_slice %arg2[%dma_wait3A_25, %dma_wait3A_26] : memref<160000x128xf32, #tpu.memory_space<hbm>> -> memref<160000x128xf32, #tpu.memory_space<hbm>>
    tpu.wait_indirect_dma semaphore(%arg13 : memref<!tpu.dma_semaphore, #tpu.memory_space<semaphore_mem>>) src(%dma_wait3A_27 : memref<160000x128xf32, #tpu.memory_space<hbm>>) dst(%arg9 : memref<80x128xf32, #tpu.memory_space<vmem>>)
    %add3A_28 = arith.constant 2 : i32
    %add3A_29 = arith.addi %add3A_21, %add3A_28 : i32
    "tpu.region"() ({
      %run_scoped3A = tpu.sem_alloc : memref<!tpu.dma_semaphore, #tpu.memory_space<semaphore_mem>>
      %dma_start3A_171 = arith.constant 0 : i32
      %dma_start3A_172 = arith.constant 0 : i32
      %dma_start3A_173 = tpu.memref_slice %arg3[%add3A_29, %dma_start3A_171, %dma_start3A_172] : memref<4000x3x80xi32, #tpu.memory_space<hbm>> -> memref<1x3x80xi32, #tpu.memory_space<hbm>>
      %dma_start3A_174 = tpu.memref_squeeze %dma_start3A_173 : memref<1x3x80xi32, #tpu.memory_space<hbm>> -> memref<3x80xi32, #tpu.memory_space<hbm>>
      %dma_start3A_175 = arith.constant 0 : i32
      %dma_start3A_176 = arith.constant 0 : i32
      %dma_start3A_177 = tpu.memref_slice %arg3[%add3A_29, %dma_start3A_175, %dma_start3A_176] : memref<4000x3x80xi32, #tpu.memory_space<hbm>> -> memref<1x3x80xi32, #tpu.memory_space<hbm>>
      %dma_start3A_178 = tpu.memref_squeeze %dma_start3A_177 : memref<1x3x80xi32, #tpu.memory_space<hbm>> -> memref<3x80xi32, #tpu.memory_space<hbm>>
      tpu.enqueue_dma source(%dma_start3A_178 : memref<3x80xi32, #tpu.memory_space<hbm>>) target(%arg8 : memref<3x80xi32, #tpu.memory_space<vmem>>) target_semaphore(%run_scoped3A : memref<!tpu.dma_semaphore, #tpu.memory_space<semaphore_mem>>)
      %dma_wait3A_179 = arith.constant 0 : i32
      %dma_wait3A_180 = arith.constant 0 : i32
      %dma_wait3A_181 = tpu.memref_slice %arg3[%add3A_29, %dma_wait3A_179, %dma_wait3A_180] : memref<4000x3x80xi32, #tpu.memory_space<hbm>> -> memref<1x3x80xi32, #tpu.memory_space<hbm>>
      %dma_wait3A_182 = tpu.memref_squeeze %dma_wait3A_181 : memref<1x3x80xi32, #tpu.memory_space<hbm>> -> memref<3x80xi32, #tpu.memory_space<hbm>>
      %dma_wait3A_183 = arith.constant 0 : i32
      %dma_wait3A_184 = arith.constant 0 : i32
      %dma_wait3A_185 = tpu.memref_slice %arg3[%add3A_29, %dma_wait3A_183, %dma_wait3A_184] : memref<4000x3x80xi32, #tpu.memory_space<hbm>> -> memref<1x3x80xi32, #tpu.memory_space<hbm>>
      %dma_wait3A_186 = tpu.memref_squeeze %dma_wait3A_185 : memref<1x3x80xi32, #tpu.memory_space<hbm>> -> memref<3x80xi32, #tpu.memory_space<hbm>>
      tpu.wait_dma2 semaphore(%run_scoped3A : memref<!tpu.dma_semaphore, #tpu.memory_space<semaphore_mem>>) src(%dma_wait3A_186 : memref<3x80xi32, #tpu.memory_space<hbm>>) dst(%arg8 : memref<3x80xi32, #tpu.memory_space<vmem>>)
      tpu.yield
    }) : () -> ()
    %dma_start3A_30 = arith.constant 0 : i32
    %dma_start3A_31 = arith.constant 0 : i32
    %dma_start3A_32 = tpu.memref_slice %arg8[%dma_start3A_30, %dma_start3A_31] : memref<3x80xi32, #tpu.memory_space<vmem>> -> memref<1x80xi32, #tpu.memory_space<vmem>>
    %dma_start3A_33 = tpu.memref_squeeze %dma_start3A_32 : memref<1x80xi32, #tpu.memory_space<vmem>> -> memref<80xi32, #tpu.memory_space<vmem>>
    %dma_start3A_34 = arith.constant 0 : i32
    %dma_start3A_35 = arith.constant 0 : i32
    %dma_start3A_36 = tpu.memref_slice %arg2[%dma_start3A_34, %dma_start3A_35] : memref<160000x128xf32, #tpu.memory_space<hbm>> -> memref<160000x128xf32, #tpu.memory_space<hbm>>
    tpu.enqueue_indirect_dma source(%dma_start3A_36 : memref<160000x128xf32, #tpu.memory_space<hbm>>) target(%arg11 : memref<80x128xf32, #tpu.memory_space<vmem>>) offsets(%dma_start3A_33 : memref<80xi32, #tpu.memory_space<vmem>>) semaphore(%arg15 : memref<!tpu.dma_semaphore, #tpu.memory_space<semaphore_mem>>)
    %dma_start3A_37 = arith.constant 1 : i32
    %dma_start3A_38 = arith.constant 0 : i32
    %dma_start3A_39 = tpu.memref_slice %arg6[%dma_start3A_37, %dma_start3A_38] : memref<3x80xi32, #tpu.memory_space<vmem>> -> memref<1x80xi32, #tpu.memory_space<vmem>>
    %dma_start3A_40 = tpu.memref_squeeze %dma_start3A_39 : memref<1x80xi32, #tpu.memory_space<vmem>> -> memref<80xi32, #tpu.memory_space<vmem>>
    %dma_start3A_41 = arith.constant 0 : i32
    %dma_start3A_42 = arith.constant 0 : i32
    %dma_start3A_43 = tpu.memref_slice %arg12[%dma_start3A_41, %dma_start3A_42] : memref<10240x128xf32, #tpu.memory_space<vmem_shared>> -> memref<10240x128xf32, #tpu.memory_space<vmem_shared>>
    tpu.enqueue_indirect_dma source(%arg9 : memref<80x128xf32, #tpu.memory_space<vmem>>) target(%dma_start3A_43 : memref<10240x128xf32, #tpu.memory_space<vmem_shared>>) offsets(%dma_start3A_40 : memref<80xi32, #tpu.memory_space<vmem>>) semaphore(%arg13 : memref<!tpu.dma_semaphore, #tpu.memory_space<semaphore_mem>>) {add = true}
    %add3A_44 = arith.constant 1 : i32
    %add3A_45 = arith.addi %mul3A_2, %add3A_44 : i32
    %dma_wait3A_46 = arith.constant 0 : i32
    %dma_wait3A_47 = arith.constant 0 : i32
    %dma_wait3A_48 = tpu.memref_slice %arg7[%dma_wait3A_46, %dma_wait3A_47] : memref<3x80xi32, #tpu.memory_space<vmem>> -> memref<1x80xi32, #tpu.memory_space<vmem>>
    %dma_wait3A_49 = tpu.memref_squeeze %dma_wait3A_48 : memref<1x80xi32, #tpu.memory_space<vmem>> -> memref<80xi32, #tpu.memory_space<vmem>>
    %dma_wait3A_50 = arith.constant 0 : i32
    %dma_wait3A_51 = arith.constant 0 : i32
    %dma_wait3A_52 = tpu.memref_slice %arg2[%dma_wait3A_50, %dma_wait3A_51] : memref<160000x128xf32, #tpu.memory_space<hbm>> -> memref<160000x128xf32, #tpu.memory_space<hbm>>
    tpu.wait_indirect_dma semaphore(%arg14 : memref<!tpu.dma_semaphore, #tpu.memory_space<semaphore_mem>>) src(%dma_wait3A_52 : memref<160000x128xf32, #tpu.memory_space<hbm>>) dst(%arg10 : memref<80x128xf32, #tpu.memory_space<vmem>>)
    %dma_wait3A_53 = arith.constant 1 : i32
    %dma_wait3A_54 = arith.constant 0 : i32
    %dma_wait3A_55 = tpu.memref_slice %arg6[%dma_wait3A_53, %dma_wait3A_54] : memref<3x80xi32, #tpu.memory_space<vmem>> -> memref<1x80xi32, #tpu.memory_space<vmem>>
    %dma_wait3A_56 = tpu.memref_squeeze %dma_wait3A_55 : memref<1x80xi32, #tpu.memory_space<vmem>> -> memref<80xi32, #tpu.memory_space<vmem>>
    %dma_wait3A_57 = arith.constant 0 : i32
    %dma_wait3A_58 = arith.constant 0 : i32
    %dma_wait3A_59 = tpu.memref_slice %arg12[%dma_wait3A_57, %dma_wait3A_58] : memref<10240x128xf32, #tpu.memory_space<vmem_shared>> -> memref<10240x128xf32, #tpu.memory_space<vmem_shared>>
    tpu.wait_indirect_dma semaphore(%arg13 : memref<!tpu.dma_semaphore, #tpu.memory_space<semaphore_mem>>) src(%arg9 : memref<80x128xf32, #tpu.memory_space<vmem>>) dst(%dma_wait3A_59 : memref<10240x128xf32, #tpu.memory_space<vmem_shared>>)
    %add3A_60 = arith.constant 2 : i32
    %add3A_61 = arith.addi %add3A_45, %add3A_60 : i32
    "tpu.region"() ({
      %run_scoped3A = tpu.sem_alloc : memref<!tpu.dma_semaphore, #tpu.memory_space<semaphore_mem>>
      %dma_start3A_171 = arith.constant 0 : i32
      %dma_start3A_172 = arith.constant 0 : i32
      %dma_start3A_173 = tpu.memref_slice %arg3[%add3A_61, %dma_start3A_171, %dma_start3A_172] : memref<4000x3x80xi32, #tpu.memory_space<hbm>> -> memref<1x3x80xi32, #tpu.memory_space<hbm>>
      %dma_start3A_174 = tpu.memref_squeeze %dma_start3A_173 : memref<1x3x80xi32, #tpu.memory_space<hbm>> -> memref<3x80xi32, #tpu.memory_space<hbm>>
      %dma_start3A_175 = arith.constant 0 : i32
      %dma_start3A_176 = arith.constant 0 : i32
      %dma_start3A_177 = tpu.memref_slice %arg3[%add3A_61, %dma_start3A_175, %dma_start3A_176] : memref<4000x3x80xi32, #tpu.memory_space<hbm>> -> memref<1x3x80xi32, #tpu.memory_space<hbm>>
      %dma_start3A_178 = tpu.memref_squeeze %dma_start3A_177 : memref<1x3x80xi32, #tpu.memory_space<hbm>> -> memref<3x80xi32, #tpu.memory_space<hbm>>
      tpu.enqueue_dma source(%dma_start3A_178 : memref<3x80xi32, #tpu.memory_space<hbm>>) target(%arg6 : memref<3x80xi32, #tpu.memory_space<vmem>>) target_semaphore(%run_scoped3A : memref<!tpu.dma_semaphore, #tpu.memory_space<semaphore_mem>>)
      %dma_wait3A_179 = arith.constant 0 : i32
      %dma_wait3A_180 = arith.constant 0 : i32
      %dma_wait3A_181 = tpu.memref_slice %arg3[%add3A_61, %dma_wait3A_179, %dma_wait3A_180] : memref<4000x3x80xi32, #tpu.memory_space<hbm>> -> memref<1x3x80xi32, #tpu.memory_space<hbm>>
      %dma_wait3A_182 = tpu.memref_squeeze %dma_wait3A_181 : memref<1x3x80xi32, #tpu.memory_space<hbm>> -> memref<3x80xi32, #tpu.memory_space<hbm>>
      %dma_wait3A_183 = arith.constant 0 : i32
      %dma_wait3A_184 = arith.constant 0 : i32
      %dma_wait3A_185 = tpu.memref_slice %arg3[%add3A_61, %dma_wait3A_183, %dma_wait3A_184] : memref<4000x3x80xi32, #tpu.memory_space<hbm>> -> memref<1x3x80xi32, #tpu.memory_space<hbm>>
      %dma_wait3A_186 = tpu.memref_squeeze %dma_wait3A_185 : memref<1x3x80xi32, #tpu.memory_space<hbm>> -> memref<3x80xi32, #tpu.memory_space<hbm>>
      tpu.wait_dma2 semaphore(%run_scoped3A : memref<!tpu.dma_semaphore, #tpu.memory_space<semaphore_mem>>) src(%dma_wait3A_186 : memref<3x80xi32, #tpu.memory_space<hbm>>) dst(%arg6 : memref<3x80xi32, #tpu.memory_space<vmem>>)
      tpu.yield
    }) : () -> ()
    %dma_start3A_62 = arith.constant 0 : i32
    %dma_start3A_63 = arith.constant 0 : i32
    %dma_start3A_64 = tpu.memref_slice %arg6[%dma_start3A_62, %dma_start3A_63] : memref<3x80xi32, #tpu.memory_space<vmem>> -> memref<1x80xi32, #tpu.memory_space<vmem>>
    %dma_start3A_65 = tpu.memref_squeeze %dma_start3A_64 : memref<1x80xi32, #tpu.memory_space<vmem>> -> memref<80xi32, #tpu.memory_space<vmem>>
    %dma_start3A_66 = arith.constant 0 : i32
    %dma_start3A_67 = arith.constant 0 : i32
    %dma_start3A_68 = tpu.memref_slice %arg2[%dma_start3A_66, %dma_start3A_67] : memref<160000x128xf32, #tpu.memory_space<hbm>> -> memref<160000x128xf32, #tpu.memory_space<hbm>>
    tpu.enqueue_indirect_dma source(%dma_start3A_68 : memref<160000x128xf32, #tpu.memory_space<hbm>>) target(%arg9 : memref<80x128xf32, #tpu.memory_space<vmem>>) offsets(%dma_start3A_65 : memref<80xi32, #tpu.memory_space<vmem>>) semaphore(%arg13 : memref<!tpu.dma_semaphore, #tpu.memory_space<semaphore_mem>>)
    %dma_start3A_69 = arith.constant 1 : i32
    %dma_start3A_70 = arith.constant 0 : i32
    %dma_start3A_71 = tpu.memref_slice %arg7[%dma_start3A_69, %dma_start3A_70] : memref<3x80xi32, #tpu.memory_space<vmem>> -> memref<1x80xi32, #tpu.memory_space<vmem>>
    %dma_start3A_72 = tpu.memref_squeeze %dma_start3A_71 : memref<1x80xi32, #tpu.memory_space<vmem>> -> memref<80xi32, #tpu.memory_space<vmem>>
    %dma_start3A_73 = arith.constant 0 : i32
    %dma_start3A_74 = arith.constant 0 : i32
    %dma_start3A_75 = tpu.memref_slice %arg12[%dma_start3A_73, %dma_start3A_74] : memref<10240x128xf32, #tpu.memory_space<vmem_shared>> -> memref<10240x128xf32, #tpu.memory_space<vmem_shared>>
    tpu.enqueue_indirect_dma source(%arg10 : memref<80x128xf32, #tpu.memory_space<vmem>>) target(%dma_start3A_75 : memref<10240x128xf32, #tpu.memory_space<vmem_shared>>) offsets(%dma_start3A_72 : memref<80xi32, #tpu.memory_space<vmem>>) semaphore(%arg14 : memref<!tpu.dma_semaphore, #tpu.memory_space<semaphore_mem>>) {add = true}
    %add3A_76 = arith.constant 2 : i32
    %add3A_77 = arith.addi %mul3A_2, %add3A_76 : i32
    %dma_wait3A_78 = arith.constant 0 : i32
    %dma_wait3A_79 = arith.constant 0 : i32
    %dma_wait3A_80 = tpu.memref_slice %arg8[%dma_wait3A_78, %dma_wait3A_79] : memref<3x80xi32, #tpu.memory_space<vmem>> -> memref<1x80xi32, #tpu.memory_space<vmem>>
    %dma_wait3A_81 = tpu.memref_squeeze %dma_wait3A_80 : memref<1x80xi32, #tpu.memory_space<vmem>> -> memref<80xi32, #tpu.memory_space<vmem>>
    %dma_wait3A_82 = arith.constant 0 : i32
    %dma_wait3A_83 = arith.constant 0 : i32
    %dma_wait3A_84 = tpu.memref_slice %arg2[%dma_wait3A_82, %dma_wait3A_83] : memref<160000x128xf32, #tpu.memory_space<hbm>> -> memref<160000x128xf32, #tpu.memory_space<hbm>>
    tpu.wait_indirect_dma semaphore(%arg15 : memref<!tpu.dma_semaphore, #tpu.memory_space<semaphore_mem>>) src(%dma_wait3A_84 : memref<160000x128xf32, #tpu.memory_space<hbm>>) dst(%arg11 : memref<80x128xf32, #tpu.memory_space<vmem>>)
    %dma_wait3A_85 = arith.constant 1 : i32
    %dma_wait3A_86 = arith.constant 0 : i32
    %dma_wait3A_87 = tpu.memref_slice %arg7[%dma_wait3A_85, %dma_wait3A_86] : memref<3x80xi32, #tpu.memory_space<vmem>> -> memref<1x80xi32, #tpu.memory_space<vmem>>
    %dma_wait3A_88 = tpu.memref_squeeze %dma_wait3A_87 : memref<1x80xi32, #tpu.memory_space<vmem>> -> memref<80xi32, #tpu.memory_space<vmem>>
    %dma_wait3A_89 = arith.constant 0 : i32
    %dma_wait3A_90 = arith.constant 0 : i32
    %dma_wait3A_91 = tpu.memref_slice %arg12[%dma_wait3A_89, %dma_wait3A_90] : memref<10240x128xf32, #tpu.memory_space<vmem_shared>> -> memref<10240x128xf32, #tpu.memory_space<vmem_shared>>
    tpu.wait_indirect_dma semaphore(%arg14 : memref<!tpu.dma_semaphore, #tpu.memory_space<semaphore_mem>>) src(%arg10 : memref<80x128xf32, #tpu.memory_space<vmem>>) dst(%dma_wait3A_91 : memref<10240x128xf32, #tpu.memory_space<vmem_shared>>)
    %add3A_92 = arith.constant 2 : i32
    %add3A_93 = arith.addi %add3A_77, %add3A_92 : i32
    "tpu.region"() ({
      %run_scoped3A = tpu.sem_alloc : memref<!tpu.dma_semaphore, #tpu.memory_space<semaphore_mem>>
      %dma_start3A_171 = arith.constant 0 : i32
      %dma_start3A_172 = arith.constant 0 : i32
      %dma_start3A_173 = tpu.memref_slice %arg3[%add3A_93, %dma_start3A_171, %dma_start3A_172] : memref<4000x3x80xi32, #tpu.memory_space<hbm>> -> memref<1x3x80xi32, #tpu.memory_space<hbm>>
      %dma_start3A_174 = tpu.memref_squeeze %dma_start3A_173 : memref<1x3x80xi32, #tpu.memory_space<hbm>> -> memref<3x80xi32, #tpu.memory_space<hbm>>
      %dma_start3A_175 = arith.constant 0 : i32
      %dma_start3A_176 = arith.constant 0 : i32
      %dma_start3A_177 = tpu.memref_slice %arg3[%add3A_93, %dma_start3A_175, %dma_start3A_176] : memref<4000x3x80xi32, #tpu.memory_space<hbm>> -> memref<1x3x80xi32, #tpu.memory_space<hbm>>
      %dma_start3A_178 = tpu.memref_squeeze %dma_start3A_177 : memref<1x3x80xi32, #tpu.memory_space<hbm>> -> memref<3x80xi32, #tpu.memory_space<hbm>>
      tpu.enqueue_dma source(%dma_start3A_178 : memref<3x80xi32, #tpu.memory_space<hbm>>) target(%arg7 : memref<3x80xi32, #tpu.memory_space<vmem>>) target_semaphore(%run_scoped3A : memref<!tpu.dma_semaphore, #tpu.memory_space<semaphore_mem>>)
      %dma_wait3A_179 = arith.constant 0 : i32
      %dma_wait3A_180 = arith.constant 0 : i32
      %dma_wait3A_181 = tpu.memref_slice %arg3[%add3A_93, %dma_wait3A_179, %dma_wait3A_180] : memref<4000x3x80xi32, #tpu.memory_space<hbm>> -> memref<1x3x80xi32, #tpu.memory_space<hbm>>
      %dma_wait3A_182 = tpu.memref_squeeze %dma_wait3A_181 : memref<1x3x80xi32, #tpu.memory_space<hbm>> -> memref<3x80xi32, #tpu.memory_space<hbm>>
      %dma_wait3A_183 = arith.constant 0 : i32
      %dma_wait3A_184 = arith.constant 0 : i32
      %dma_wait3A_185 = tpu.memref_slice %arg3[%add3A_93, %dma_wait3A_183, %dma_wait3A_184] : memref<4000x3x80xi32, #tpu.memory_space<hbm>> -> memref<1x3x80xi32, #tpu.memory_space<hbm>>
      %dma_wait3A_186 = tpu.memref_squeeze %dma_wait3A_185 : memref<1x3x80xi32, #tpu.memory_space<hbm>> -> memref<3x80xi32, #tpu.memory_space<hbm>>
      tpu.wait_dma2 semaphore(%run_scoped3A : memref<!tpu.dma_semaphore, #tpu.memory_space<semaphore_mem>>) src(%dma_wait3A_186 : memref<3x80xi32, #tpu.memory_space<hbm>>) dst(%arg7 : memref<3x80xi32, #tpu.memory_space<vmem>>)
      tpu.yield
    }) : () -> ()
    %dma_start3A_94 = arith.constant 0 : i32
    %dma_start3A_95 = arith.constant 0 : i32
    %dma_start3A_96 = tpu.memref_slice %arg7[%dma_start3A_94, %dma_start3A_95] : memref<3x80xi32, #tpu.memory_space<vmem>> -> memref<1x80xi32, #tpu.memory_space<vmem>>
    %dma_start3A_97 = tpu.memref_squeeze %dma_start3A_96 : memref<1x80xi32, #tpu.memory_space<vmem>> -> memref<80xi32, #tpu.memory_space<vmem>>
    %dma_start3A_98 = arith.constant 0 : i32
    %dma_start3A_99 = arith.constant 0 : i32
    %dma_start3A_100 = tpu.memref_slice %arg2[%dma_start3A_98, %dma_start3A_99] : memref<160000x128xf32, #tpu.memory_space<hbm>> -> memref<160000x128xf32, #tpu.memory_space<hbm>>
    tpu.enqueue_indirect_dma source(%dma_start3A_100 : memref<160000x128xf32, #tpu.memory_space<hbm>>) target(%arg10 : memref<80x128xf32, #tpu.memory_space<vmem>>) offsets(%dma_start3A_97 : memref<80xi32, #tpu.memory_space<vmem>>) semaphore(%arg14 : memref<!tpu.dma_semaphore, #tpu.memory_space<semaphore_mem>>)
    %dma_start3A_101 = arith.constant 1 : i32
    %dma_start3A_102 = arith.constant 0 : i32
    %dma_start3A_103 = tpu.memref_slice %arg8[%dma_start3A_101, %dma_start3A_102] : memref<3x80xi32, #tpu.memory_space<vmem>> -> memref<1x80xi32, #tpu.memory_space<vmem>>
    %dma_start3A_104 = tpu.memref_squeeze %dma_start3A_103 : memref<1x80xi32, #tpu.memory_space<vmem>> -> memref<80xi32, #tpu.memory_space<vmem>>
    %dma_start3A_105 = arith.constant 0 : i32
    %dma_start3A_106 = arith.constant 0 : i32
    %dma_start3A_107 = tpu.memref_slice %arg12[%dma_start3A_105, %dma_start3A_106] : memref<10240x128xf32, #tpu.memory_space<vmem_shared>> -> memref<10240x128xf32, #tpu.memory_space<vmem_shared>>
    tpu.enqueue_indirect_dma source(%arg11 : memref<80x128xf32, #tpu.memory_space<vmem>>) target(%dma_start3A_107 : memref<10240x128xf32, #tpu.memory_space<vmem_shared>>) offsets(%dma_start3A_104 : memref<80xi32, #tpu.memory_space<vmem>>) semaphore(%arg15 : memref<!tpu.dma_semaphore, #tpu.memory_space<semaphore_mem>>) {add = true}
    %scan3A = arith.constant 0 : i32
    %scan3A_108 = arith.constant 1 : i32
    %scan3A_109 = arith.constant 40 : i32
    %scan3A_110 = arith.addi %scan3A_108, %scan3A_109 : i32
    %scan3A_111 = arith.constant 1 : i32
    %scan3A_112 = scf.for %scan3A_171 = %scan3A_108 to %scan3A_110 step %scan3A_111 iter_args(%scan3A_172 = %scan3A) -> (i32)  : i32 {
      %mul3A_173 = arith.constant 3 : i32
      %mul3A_174 = arith.muli %mul3A_173, %scan3A_171 : i32
      %add3A_175 = arith.addi %mul3A_2, %mul3A_174 : i32
      %dma_wait3A_176 = arith.constant 0 : i32
      %dma_wait3A_177 = arith.constant 0 : i32
      %dma_wait3A_178 = tpu.memref_slice %arg6[%dma_wait3A_176, %dma_wait3A_177] : memref<3x80xi32, #tpu.memory_space<vmem>> -> memref<1x80xi32, #tpu.memory_space<vmem>>
      %dma_wait3A_179 = tpu.memref_squeeze %dma_wait3A_178 : memref<1x80xi32, #tpu.memory_space<vmem>> -> memref<80xi32, #tpu.memory_space<vmem>>
      %dma_wait3A_180 = arith.constant 0 : i32
      %dma_wait3A_181 = arith.constant 0 : i32
      %dma_wait3A_182 = tpu.memref_slice %arg2[%dma_wait3A_180, %dma_wait3A_181] : memref<160000x128xf32, #tpu.memory_space<hbm>> -> memref<160000x128xf32, #tpu.memory_space<hbm>>
      tpu.wait_indirect_dma semaphore(%arg13 : memref<!tpu.dma_semaphore, #tpu.memory_space<semaphore_mem>>) src(%dma_wait3A_182 : memref<160000x128xf32, #tpu.memory_space<hbm>>) dst(%arg9 : memref<80x128xf32, #tpu.memory_space<vmem>>)
      %dma_wait3A_183 = arith.constant 1 : i32
      %dma_wait3A_184 = arith.constant 0 : i32
      %dma_wait3A_185 = tpu.memref_slice %arg8[%dma_wait3A_183, %dma_wait3A_184] : memref<3x80xi32, #tpu.memory_space<vmem>> -> memref<1x80xi32, #tpu.memory_space<vmem>>
      %dma_wait3A_186 = tpu.memref_squeeze %dma_wait3A_185 : memref<1x80xi32, #tpu.memory_space<vmem>> -> memref<80xi32, #tpu.memory_space<vmem>>
      %dma_wait3A_187 = arith.constant 0 : i32
      %dma_wait3A_188 = arith.constant 0 : i32
      %dma_wait3A_189 = tpu.memref_slice %arg12[%dma_wait3A_187, %dma_wait3A_188] : memref<10240x128xf32, #tpu.memory_space<vmem_shared>> -> memref<10240x128xf32, #tpu.memory_space<vmem_shared>>
      tpu.wait_indirect_dma semaphore(%arg15 : memref<!tpu.dma_semaphore, #tpu.memory_space<semaphore_mem>>) src(%arg11 : memref<80x128xf32, #tpu.memory_space<vmem>>) dst(%dma_wait3A_189 : memref<10240x128xf32, #tpu.memory_space<vmem_shared>>)
      %add3A_190 = arith.constant 2 : i32
      %add3A_191 = arith.addi %add3A_175, %add3A_190 : i32
      "tpu.region"() ({
        %run_scoped3A = tpu.sem_alloc : memref<!tpu.dma_semaphore, #tpu.memory_space<semaphore_mem>>
        %dma_start3A_271 = arith.constant 0 : i32
        %dma_start3A_272 = arith.constant 0 : i32
        %dma_start3A_273 = tpu.memref_slice %arg3[%add3A_191, %dma_start3A_271, %dma_start3A_272] : memref<4000x3x80xi32, #tpu.memory_space<hbm>> -> memref<1x3x80xi32, #tpu.memory_space<hbm>>
        %dma_start3A_274 = tpu.memref_squeeze %dma_start3A_273 : memref<1x3x80xi32, #tpu.memory_space<hbm>> -> memref<3x80xi32, #tpu.memory_space<hbm>>
        %dma_start3A_275 = arith.constant 0 : i32
        %dma_start3A_276 = arith.constant 0 : i32
        %dma_start3A_277 = tpu.memref_slice %arg3[%add3A_191, %dma_start3A_275, %dma_start3A_276] : memref<4000x3x80xi32, #tpu.memory_space<hbm>> -> memref<1x3x80xi32, #tpu.memory_space<hbm>>
        %dma_start3A_278 = tpu.memref_squeeze %dma_start3A_277 : memref<1x3x80xi32, #tpu.memory_space<hbm>> -> memref<3x80xi32, #tpu.memory_space<hbm>>
        tpu.enqueue_dma source(%dma_start3A_278 : memref<3x80xi32, #tpu.memory_space<hbm>>) target(%arg8 : memref<3x80xi32, #tpu.memory_space<vmem>>) target_semaphore(%run_scoped3A : memref<!tpu.dma_semaphore, #tpu.memory_space<semaphore_mem>>)
        %dma_wait3A_279 = arith.constant 0 : i32
        %dma_wait3A_280 = arith.constant 0 : i32
        %dma_wait3A_281 = tpu.memref_slice %arg3[%add3A_191, %dma_wait3A_279, %dma_wait3A_280] : memref<4000x3x80xi32, #tpu.memory_space<hbm>> -> memref<1x3x80xi32, #tpu.memory_space<hbm>>
        %dma_wait3A_282 = tpu.memref_squeeze %dma_wait3A_281 : memref<1x3x80xi32, #tpu.memory_space<hbm>> -> memref<3x80xi32, #tpu.memory_space<hbm>>
        %dma_wait3A_283 = arith.constant 0 : i32
        %dma_wait3A_284 = arith.constant 0 : i32
        %dma_wait3A_285 = tpu.memref_slice %arg3[%add3A_191, %dma_wait3A_283, %dma_wait3A_284] : memref<4000x3x80xi32, #tpu.memory_space<hbm>> -> memref<1x3x80xi32, #tpu.memory_space<hbm>>
        %dma_wait3A_286 = tpu.memref_squeeze %dma_wait3A_285 : memref<1x3x80xi32, #tpu.memory_space<hbm>> -> memref<3x80xi32, #tpu.memory_space<hbm>>
        tpu.wait_dma2 semaphore(%run_scoped3A : memref<!tpu.dma_semaphore, #tpu.memory_space<semaphore_mem>>) src(%dma_wait3A_286 : memref<3x80xi32, #tpu.memory_space<hbm>>) dst(%arg8 : memref<3x80xi32, #tpu.memory_space<vmem>>)
        tpu.yield
      }) : () -> ()
      %dma_start3A_192 = arith.constant 0 : i32
      %dma_start3A_193 = arith.constant 0 : i32
      %dma_start3A_194 = tpu.memref_slice %arg8[%dma_start3A_192, %dma_start3A_193] : memref<3x80xi32, #tpu.memory_space<vmem>> -> memref<1x80xi32, #tpu.memory_space<vmem>>
      %dma_start3A_195 = tpu.memref_squeeze %dma_start3A_194 : memref<1x80xi32, #tpu.memory_space<vmem>> -> memref<80xi32, #tpu.memory_space<vmem>>
      %dma_start3A_196 = arith.constant 0 : i32
      %dma_start3A_197 = arith.constant 0 : i32
      %dma_start3A_198 = tpu.memref_slice %arg2[%dma_start3A_196, %dma_start3A_197] : memref<160000x128xf32, #tpu.memory_space<hbm>> -> memref<160000x128xf32, #tpu.memory_space<hbm>>
      tpu.enqueue_indirect_dma source(%dma_start3A_198 : memref<160000x128xf32, #tpu.memory_space<hbm>>) target(%arg11 : memref<80x128xf32, #tpu.memory_space<vmem>>) offsets(%dma_start3A_195 : memref<80xi32, #tpu.memory_space<vmem>>) semaphore(%arg15 : memref<!tpu.dma_semaphore, #tpu.memory_space<semaphore_mem>>)
      %dma_start3A_199 = arith.constant 1 : i32
      %dma_start3A_200 = arith.constant 0 : i32
      %dma_start3A_201 = tpu.memref_slice %arg6[%dma_start3A_199, %dma_start3A_200] : memref<3x80xi32, #tpu.memory_space<vmem>> -> memref<1x80xi32, #tpu.memory_space<vmem>>
      %dma_start3A_202 = tpu.memref_squeeze %dma_start3A_201 : memref<1x80xi32, #tpu.memory_space<vmem>> -> memref<80xi32, #tpu.memory_space<vmem>>
      %dma_start3A_203 = arith.constant 0 : i32
      %dma_start3A_204 = arith.constant 0 : i32
      %dma_start3A_205 = tpu.memref_slice %arg12[%dma_start3A_203, %dma_start3A_204] : memref<10240x128xf32, #tpu.memory_space<vmem_shared>> -> memref<10240x128xf32, #tpu.memory_space<vmem_shared>>
      tpu.enqueue_indirect_dma source(%arg9 : memref<80x128xf32, #tpu.memory_space<vmem>>) target(%dma_start3A_205 : memref<10240x128xf32, #tpu.memory_space<vmem_shared>>) offsets(%dma_start3A_202 : memref<80xi32, #tpu.memory_space<vmem>>) semaphore(%arg13 : memref<!tpu.dma_semaphore, #tpu.memory_space<semaphore_mem>>) {add = true}
      %add3A_206 = arith.constant 1 : i32
      %add3A_207 = arith.addi %add3A_175, %add3A_206 : i32
      %dma_wait3A_208 = arith.constant 0 : i32
      %dma_wait3A_209 = arith.constant 0 : i32
      %dma_wait3A_210 = tpu.memref_slice %arg7[%dma_wait3A_208, %dma_wait3A_209] : memref<3x80xi32, #tpu.memory_space<vmem>> -> memref<1x80xi32, #tpu.memory_space<vmem>>
      %dma_wait3A_211 = tpu.memref_squeeze %dma_wait3A_210 : memref<1x80xi32, #tpu.memory_space<vmem>> -> memref<80xi32, #tpu.memory_space<vmem>>
      %dma_wait3A_212 = arith.constant 0 : i32
      %dma_wait3A_213 = arith.constant 0 : i32
      %dma_wait3A_214 = tpu.memref_slice %arg2[%dma_wait3A_212, %dma_wait3A_213] : memref<160000x128xf32, #tpu.memory_space<hbm>> -> memref<160000x128xf32, #tpu.memory_space<hbm>>
      tpu.wait_indirect_dma semaphore(%arg14 : memref<!tpu.dma_semaphore, #tpu.memory_space<semaphore_mem>>) src(%dma_wait3A_214 : memref<160000x128xf32, #tpu.memory_space<hbm>>) dst(%arg10 : memref<80x128xf32, #tpu.memory_space<vmem>>)
      %dma_wait3A_215 = arith.constant 1 : i32
      %dma_wait3A_216 = arith.constant 0 : i32
      %dma_wait3A_217 = tpu.memref_slice %arg6[%dma_wait3A_215, %dma_wait3A_216] : memref<3x80xi32, #tpu.memory_space<vmem>> -> memref<1x80xi32, #tpu.memory_space<vmem>>
      %dma_wait3A_218 = tpu.memref_squeeze %dma_wait3A_217 : memref<1x80xi32, #tpu.memory_space<vmem>> -> memref<80xi32, #tpu.memory_space<vmem>>
      %dma_wait3A_219 = arith.constant 0 : i32
      %dma_wait3A_220 = arith.constant 0 : i32
      %dma_wait3A_221 = tpu.memref_slice %arg12[%dma_wait3A_219, %dma_wait3A_220] : memref<10240x128xf32, #tpu.memory_space<vmem_shared>> -> memref<10240x128xf32, #tpu.memory_space<vmem_shared>>
      tpu.wait_indirect_dma semaphore(%arg13 : memref<!tpu.dma_semaphore, #tpu.memory_space<semaphore_mem>>) src(%arg9 : memref<80x128xf32, #tpu.memory_space<vmem>>) dst(%dma_wait3A_221 : memref<10240x128xf32, #tpu.memory_space<vmem_shared>>)
      %add3A_222 = arith.constant 2 : i32
      %add3A_223 = arith.addi %add3A_207, %add3A_222 : i32
      "tpu.region"() ({
        %run_scoped3A = tpu.sem_alloc : memref<!tpu.dma_semaphore, #tpu.memory_space<semaphore_mem>>
        %dma_start3A_271 = arith.constant 0 : i32
        %dma_start3A_272 = arith.constant 0 : i32
        %dma_start3A_273 = tpu.memref_slice %arg3[%add3A_223, %dma_start3A_271, %dma_start3A_272] : memref<4000x3x80xi32, #tpu.memory_space<hbm>> -> memref<1x3x80xi32, #tpu.memory_space<hbm>>
        %dma_start3A_274 = tpu.memref_squeeze %dma_start3A_273 : memref<1x3x80xi32, #tpu.memory_space<hbm>> -> memref<3x80xi32, #tpu.memory_space<hbm>>
        %dma_start3A_275 = arith.constant 0 : i32
        %dma_start3A_276 = arith.constant 0 : i32
        %dma_start3A_277 = tpu.memref_slice %arg3[%add3A_223, %dma_start3A_275, %dma_start3A_276] : memref<4000x3x80xi32, #tpu.memory_space<hbm>> -> memref<1x3x80xi32, #tpu.memory_space<hbm>>
        %dma_start3A_278 = tpu.memref_squeeze %dma_start3A_277 : memref<1x3x80xi32, #tpu.memory_space<hbm>> -> memref<3x80xi32, #tpu.memory_space<hbm>>
        tpu.enqueue_dma source(%dma_start3A_278 : memref<3x80xi32, #tpu.memory_space<hbm>>) target(%arg6 : memref<3x80xi32, #tpu.memory_space<vmem>>) target_semaphore(%run_scoped3A : memref<!tpu.dma_semaphore, #tpu.memory_space<semaphore_mem>>)
        %dma_wait3A_279 = arith.constant 0 : i32
        %dma_wait3A_280 = arith.constant 0 : i32
        %dma_wait3A_281 = tpu.memref_slice %arg3[%add3A_223, %dma_wait3A_279, %dma_wait3A_280] : memref<4000x3x80xi32, #tpu.memory_space<hbm>> -> memref<1x3x80xi32, #tpu.memory_space<hbm>>
        %dma_wait3A_282 = tpu.memref_squeeze %dma_wait3A_281 : memref<1x3x80xi32, #tpu.memory_space<hbm>> -> memref<3x80xi32, #tpu.memory_space<hbm>>
        %dma_wait3A_283 = arith.constant 0 : i32
        %dma_wait3A_284 = arith.constant 0 : i32
        %dma_wait3A_285 = tpu.memref_slice %arg3[%add3A_223, %dma_wait3A_283, %dma_wait3A_284] : memref<4000x3x80xi32, #tpu.memory_space<hbm>> -> memref<1x3x80xi32, #tpu.memory_space<hbm>>
        %dma_wait3A_286 = tpu.memref_squeeze %dma_wait3A_285 : memref<1x3x80xi32, #tpu.memory_space<hbm>> -> memref<3x80xi32, #tpu.memory_space<hbm>>
        tpu.wait_dma2 semaphore(%run_scoped3A : memref<!tpu.dma_semaphore, #tpu.memory_space<semaphore_mem>>) src(%dma_wait3A_286 : memref<3x80xi32, #tpu.memory_space<hbm>>) dst(%arg6 : memref<3x80xi32, #tpu.memory_space<vmem>>)
        tpu.yield
      }) : () -> ()
      %dma_start3A_224 = arith.constant 0 : i32
      %dma_start3A_225 = arith.constant 0 : i32
      %dma_start3A_226 = tpu.memref_slice %arg6[%dma_start3A_224, %dma_start3A_225] : memref<3x80xi32, #tpu.memory_space<vmem>> -> memref<1x80xi32, #tpu.memory_space<vmem>>
      %dma_start3A_227 = tpu.memref_squeeze %dma_start3A_226 : memref<1x80xi32, #tpu.memory_space<vmem>> -> memref<80xi32, #tpu.memory_space<vmem>>
      %dma_start3A_228 = arith.constant 0 : i32
      %dma_start3A_229 = arith.constant 0 : i32
      %dma_start3A_230 = tpu.memref_slice %arg2[%dma_start3A_228, %dma_start3A_229] : memref<160000x128xf32, #tpu.memory_space<hbm>> -> memref<160000x128xf32, #tpu.memory_space<hbm>>
      tpu.enqueue_indirect_dma source(%dma_start3A_230 : memref<160000x128xf32, #tpu.memory_space<hbm>>) target(%arg9 : memref<80x128xf32, #tpu.memory_space<vmem>>) offsets(%dma_start3A_227 : memref<80xi32, #tpu.memory_space<vmem>>) semaphore(%arg13 : memref<!tpu.dma_semaphore, #tpu.memory_space<semaphore_mem>>)
      %dma_start3A_231 = arith.constant 1 : i32
      %dma_start3A_232 = arith.constant 0 : i32
      %dma_start3A_233 = tpu.memref_slice %arg7[%dma_start3A_231, %dma_start3A_232] : memref<3x80xi32, #tpu.memory_space<vmem>> -> memref<1x80xi32, #tpu.memory_space<vmem>>
      %dma_start3A_234 = tpu.memref_squeeze %dma_start3A_233 : memref<1x80xi32, #tpu.memory_space<vmem>> -> memref<80xi32, #tpu.memory_space<vmem>>
      %dma_start3A_235 = arith.constant 0 : i32
      %dma_start3A_236 = arith.constant 0 : i32
      %dma_start3A_237 = tpu.memref_slice %arg12[%dma_start3A_235, %dma_start3A_236] : memref<10240x128xf32, #tpu.memory_space<vmem_shared>> -> memref<10240x128xf32, #tpu.memory_space<vmem_shared>>
      tpu.enqueue_indirect_dma source(%arg10 : memref<80x128xf32, #tpu.memory_space<vmem>>) target(%dma_start3A_237 : memref<10240x128xf32, #tpu.memory_space<vmem_shared>>) offsets(%dma_start3A_234 : memref<80xi32, #tpu.memory_space<vmem>>) semaphore(%arg14 : memref<!tpu.dma_semaphore, #tpu.memory_space<semaphore_mem>>) {add = true}
      %add3A_238 = arith.constant 2 : i32
      %add3A_239 = arith.addi %add3A_175, %add3A_238 : i32
      %dma_wait3A_240 = arith.constant 0 : i32
      %dma_wait3A_241 = arith.constant 0 : i32
      %dma_wait3A_242 = tpu.memref_slice %arg8[%dma_wait3A_240, %dma_wait3A_241] : memref<3x80xi32, #tpu.memory_space<vmem>> -> memref<1x80xi32, #tpu.memory_space<vmem>>
      %dma_wait3A_243 = tpu.memref_squeeze %dma_wait3A_242 : memref<1x80xi32, #tpu.memory_space<vmem>> -> memref<80xi32, #tpu.memory_space<vmem>>
      %dma_wait3A_244 = arith.constant 0 : i32
      %dma_wait3A_245 = arith.constant 0 : i32
      %dma_wait3A_246 = tpu.memref_slice %arg2[%dma_wait3A_244, %dma_wait3A_245] : memref<160000x128xf32, #tpu.memory_space<hbm>> -> memref<160000x128xf32, #tpu.memory_space<hbm>>
      tpu.wait_indirect_dma semaphore(%arg15 : memref<!tpu.dma_semaphore, #tpu.memory_space<semaphore_mem>>) src(%dma_wait3A_246 : memref<160000x128xf32, #tpu.memory_space<hbm>>) dst(%arg11 : memref<80x128xf32, #tpu.memory_space<vmem>>)
      %dma_wait3A_247 = arith.constant 1 : i32
      %dma_wait3A_248 = arith.constant 0 : i32
      %dma_wait3A_249 = tpu.memref_slice %arg7[%dma_wait3A_247, %dma_wait3A_248] : memref<3x80xi32, #tpu.memory_space<vmem>> -> memref<1x80xi32, #tpu.memory_space<vmem>>
      %dma_wait3A_250 = tpu.memref_squeeze %dma_wait3A_249 : memref<1x80xi32, #tpu.memory_space<vmem>> -> memref<80xi32, #tpu.memory_space<vmem>>
      %dma_wait3A_251 = arith.constant 0 : i32
      %dma_wait3A_252 = arith.constant 0 : i32
      %dma_wait3A_253 = tpu.memref_slice %arg12[%dma_wait3A_251, %dma_wait3A_252] : memref<10240x128xf32, #tpu.memory_space<vmem_shared>> -> memref<10240x128xf32, #tpu.memory_space<vmem_shared>>
      tpu.wait_indirect_dma semaphore(%arg14 : memref<!tpu.dma_semaphore, #tpu.memory_space<semaphore_mem>>) src(%arg10 : memref<80x128xf32, #tpu.memory_space<vmem>>) dst(%dma_wait3A_253 : memref<10240x128xf32, #tpu.memory_space<vmem_shared>>)
      %add3A_254 = arith.constant 2 : i32
      %add3A_255 = arith.addi %add3A_239, %add3A_254 : i32
      "tpu.region"() ({
        %run_scoped3A = tpu.sem_alloc : memref<!tpu.dma_semaphore, #tpu.memory_space<semaphore_mem>>
        %dma_start3A_271 = arith.constant 0 : i32
        %dma_start3A_272 = arith.constant 0 : i32
        %dma_start3A_273 = tpu.memref_slice %arg3[%add3A_255, %dma_start3A_271, %dma_start3A_272] : memref<4000x3x80xi32, #tpu.memory_space<hbm>> -> memref<1x3x80xi32, #tpu.memory_space<hbm>>
        %dma_start3A_274 = tpu.memref_squeeze %dma_start3A_273 : memref<1x3x80xi32, #tpu.memory_space<hbm>> -> memref<3x80xi32, #tpu.memory_space<hbm>>
        %dma_start3A_275 = arith.constant 0 : i32
        %dma_start3A_276 = arith.constant 0 : i32
        %dma_start3A_277 = tpu.memref_slice %arg3[%add3A_255, %dma_start3A_275, %dma_start3A_276] : memref<4000x3x80xi32, #tpu.memory_space<hbm>> -> memref<1x3x80xi32, #tpu.memory_space<hbm>>
        %dma_start3A_278 = tpu.memref_squeeze %dma_start3A_277 : memref<1x3x80xi32, #tpu.memory_space<hbm>> -> memref<3x80xi32, #tpu.memory_space<hbm>>
        tpu.enqueue_dma source(%dma_start3A_278 : memref<3x80xi32, #tpu.memory_space<hbm>>) target(%arg7 : memref<3x80xi32, #tpu.memory_space<vmem>>) target_semaphore(%run_scoped3A : memref<!tpu.dma_semaphore, #tpu.memory_space<semaphore_mem>>)
        %dma_wait3A_279 = arith.constant 0 : i32
        %dma_wait3A_280 = arith.constant 0 : i32
        %dma_wait3A_281 = tpu.memref_slice %arg3[%add3A_255, %dma_wait3A_279, %dma_wait3A_280] : memref<4000x3x80xi32, #tpu.memory_space<hbm>> -> memref<1x3x80xi32, #tpu.memory_space<hbm>>
        %dma_wait3A_282 = tpu.memref_squeeze %dma_wait3A_281 : memref<1x3x80xi32, #tpu.memory_space<hbm>> -> memref<3x80xi32, #tpu.memory_space<hbm>>
        %dma_wait3A_283 = arith.constant 0 : i32
        %dma_wait3A_284 = arith.constant 0 : i32
        %dma_wait3A_285 = tpu.memref_slice %arg3[%add3A_255, %dma_wait3A_283, %dma_wait3A_284] : memref<4000x3x80xi32, #tpu.memory_space<hbm>> -> memref<1x3x80xi32, #tpu.memory_space<hbm>>
        %dma_wait3A_286 = tpu.memref_squeeze %dma_wait3A_285 : memref<1x3x80xi32, #tpu.memory_space<hbm>> -> memref<3x80xi32, #tpu.memory_space<hbm>>
        tpu.wait_dma2 semaphore(%run_scoped3A : memref<!tpu.dma_semaphore, #tpu.memory_space<semaphore_mem>>) src(%dma_wait3A_286 : memref<3x80xi32, #tpu.memory_space<hbm>>) dst(%arg7 : memref<3x80xi32, #tpu.memory_space<vmem>>)
        tpu.yield
      }) : () -> ()
      %dma_start3A_256 = arith.constant 0 : i32
      %dma_start3A_257 = arith.constant 0 : i32
      %dma_start3A_258 = tpu.memref_slice %arg7[%dma_start3A_256, %dma_start3A_257] : memref<3x80xi32, #tpu.memory_space<vmem>> -> memref<1x80xi32, #tpu.memory_space<vmem>>
      %dma_start3A_259 = tpu.memref_squeeze %dma_start3A_258 : memref<1x80xi32, #tpu.memory_space<vmem>> -> memref<80xi32, #tpu.memory_space<vmem>>
      %dma_start3A_260 = arith.constant 0 : i32
      %dma_start3A_261 = arith.constant 0 : i32
      %dma_start3A_262 = tpu.memref_slice %arg2[%dma_start3A_260, %dma_start3A_261] : memref<160000x128xf32, #tpu.memory_space<hbm>> -> memref<160000x128xf32, #tpu.memory_space<hbm>>
      tpu.enqueue_indirect_dma source(%dma_start3A_262 : memref<160000x128xf32, #tpu.memory_space<hbm>>) target(%arg10 : memref<80x128xf32, #tpu.memory_space<vmem>>) offsets(%dma_start3A_259 : memref<80xi32, #tpu.memory_space<vmem>>) semaphore(%arg14 : memref<!tpu.dma_semaphore, #tpu.memory_space<semaphore_mem>>)
      %dma_start3A_263 = arith.constant 1 : i32
      %dma_start3A_264 = arith.constant 0 : i32
      %dma_start3A_265 = tpu.memref_slice %arg8[%dma_start3A_263, %dma_start3A_264] : memref<3x80xi32, #tpu.memory_space<vmem>> -> memref<1x80xi32, #tpu.memory_space<vmem>>
      %dma_start3A_266 = tpu.memref_squeeze %dma_start3A_265 : memref<1x80xi32, #tpu.memory_space<vmem>> -> memref<80xi32, #tpu.memory_space<vmem>>
      %dma_start3A_267 = arith.constant 0 : i32
      %dma_start3A_268 = arith.constant 0 : i32
      %dma_start3A_269 = tpu.memref_slice %arg12[%dma_start3A_267, %dma_start3A_268] : memref<10240x128xf32, #tpu.memory_space<vmem_shared>> -> memref<10240x128xf32, #tpu.memory_space<vmem_shared>>
      tpu.enqueue_indirect_dma source(%arg11 : memref<80x128xf32, #tpu.memory_space<vmem>>) target(%dma_start3A_269 : memref<10240x128xf32, #tpu.memory_space<vmem_shared>>) offsets(%dma_start3A_266 : memref<80xi32, #tpu.memory_space<vmem>>) semaphore(%arg15 : memref<!tpu.dma_semaphore, #tpu.memory_space<semaphore_mem>>) {add = true}
      %scan3A_270 = arith.constant 0 : i32
      scf.yield %scan3A_270 : i32
    }
    %scan3A_113 = arith.constant 40 : i32
    %add3A_114 = arith.constant 125 : i32
    %add3A_115 = arith.addi %mul3A_2, %add3A_114 : i32
    %sub3A = arith.constant 2 : i32
    %sub3A_116 = arith.subi %add3A_115, %sub3A : i32
    %dma_wait3A_117 = arith.constant 0 : i32
    %dma_wait3A_118 = arith.constant 0 : i32
    %dma_wait3A_119 = tpu.memref_slice %arg6[%dma_wait3A_117, %dma_wait3A_118] : memref<3x80xi32, #tpu.memory_space<vmem>> -> memref<1x80xi32, #tpu.memory_space<vmem>>
    %dma_wait3A_120 = tpu.memref_squeeze %dma_wait3A_119 : memref<1x80xi32, #tpu.memory_space<vmem>> -> memref<80xi32, #tpu.memory_space<vmem>>
    %dma_wait3A_121 = arith.constant 0 : i32
    %dma_wait3A_122 = arith.constant 0 : i32
    %dma_wait3A_123 = tpu.memref_slice %arg2[%dma_wait3A_121, %dma_wait3A_122] : memref<160000x128xf32, #tpu.memory_space<hbm>> -> memref<160000x128xf32, #tpu.memory_space<hbm>>
    tpu.wait_indirect_dma semaphore(%arg13 : memref<!tpu.dma_semaphore, #tpu.memory_space<semaphore_mem>>) src(%dma_wait3A_123 : memref<160000x128xf32, #tpu.memory_space<hbm>>) dst(%arg9 : memref<80x128xf32, #tpu.memory_space<vmem>>)
    %dma_wait3A_124 = arith.constant 1 : i32
    %dma_wait3A_125 = arith.constant 0 : i32
    %dma_wait3A_126 = tpu.memref_slice %arg8[%dma_wait3A_124, %dma_wait3A_125] : memref<3x80xi32, #tpu.memory_space<vmem>> -> memref<1x80xi32, #tpu.memory_space<vmem>>
    %dma_wait3A_127 = tpu.memref_squeeze %dma_wait3A_126 : memref<1x80xi32, #tpu.memory_space<vmem>> -> memref<80xi32, #tpu.memory_space<vmem>>
    %dma_wait3A_128 = arith.constant 0 : i32
    %dma_wait3A_129 = arith.constant 0 : i32
    %dma_wait3A_130 = tpu.memref_slice %arg12[%dma_wait3A_128, %dma_wait3A_129] : memref<10240x128xf32, #tpu.memory_space<vmem_shared>> -> memref<10240x128xf32, #tpu.memory_space<vmem_shared>>
    tpu.wait_indirect_dma semaphore(%arg15 : memref<!tpu.dma_semaphore, #tpu.memory_space<semaphore_mem>>) src(%arg11 : memref<80x128xf32, #tpu.memory_space<vmem>>) dst(%dma_wait3A_130 : memref<10240x128xf32, #tpu.memory_space<vmem_shared>>)
    %dma_start3A_131 = arith.constant 1 : i32
    %dma_start3A_132 = arith.constant 0 : i32
    %dma_start3A_133 = tpu.memref_slice %arg6[%dma_start3A_131, %dma_start3A_132] : memref<3x80xi32, #tpu.memory_space<vmem>> -> memref<1x80xi32, #tpu.memory_space<vmem>>
    %dma_start3A_134 = tpu.memref_squeeze %dma_start3A_133 : memref<1x80xi32, #tpu.memory_space<vmem>> -> memref<80xi32, #tpu.memory_space<vmem>>
    %dma_start3A_135 = arith.constant 0 : i32
    %dma_start3A_136 = arith.constant 0 : i32
    %dma_start3A_137 = tpu.memref_slice %arg12[%dma_start3A_135, %dma_start3A_136] : memref<10240x128xf32, #tpu.memory_space<vmem_shared>> -> memref<10240x128xf32, #tpu.memory_space<vmem_shared>>
    tpu.enqueue_indirect_dma source(%arg9 : memref<80x128xf32, #tpu.memory_space<vmem>>) target(%dma_start3A_137 : memref<10240x128xf32, #tpu.memory_space<vmem_shared>>) offsets(%dma_start3A_134 : memref<80xi32, #tpu.memory_space<vmem>>) semaphore(%arg13 : memref<!tpu.dma_semaphore, #tpu.memory_space<semaphore_mem>>) {add = true}
    %add3A_138 = arith.constant 125 : i32
    %add3A_139 = arith.addi %mul3A_2, %add3A_138 : i32
    %sub3A_140 = arith.constant 1 : i32
    %sub3A_141 = arith.subi %add3A_139, %sub3A_140 : i32
    %dma_wait3A_142 = arith.constant 0 : i32
    %dma_wait3A_143 = arith.constant 0 : i32
    %dma_wait3A_144 = tpu.memref_slice %arg7[%dma_wait3A_142, %dma_wait3A_143] : memref<3x80xi32, #tpu.memory_space<vmem>> -> memref<1x80xi32, #tpu.memory_space<vmem>>
    %dma_wait3A_145 = tpu.memref_squeeze %dma_wait3A_144 : memref<1x80xi32, #tpu.memory_space<vmem>> -> memref<80xi32, #tpu.memory_space<vmem>>
    %dma_wait3A_146 = arith.constant 0 : i32
    %dma_wait3A_147 = arith.constant 0 : i32
    %dma_wait3A_148 = tpu.memref_slice %arg2[%dma_wait3A_146, %dma_wait3A_147] : memref<160000x128xf32, #tpu.memory_space<hbm>> -> memref<160000x128xf32, #tpu.memory_space<hbm>>
    tpu.wait_indirect_dma semaphore(%arg14 : memref<!tpu.dma_semaphore, #tpu.memory_space<semaphore_mem>>) src(%dma_wait3A_148 : memref<160000x128xf32, #tpu.memory_space<hbm>>) dst(%arg10 : memref<80x128xf32, #tpu.memory_space<vmem>>)
    %dma_wait3A_149 = arith.constant 1 : i32
    %dma_wait3A_150 = arith.constant 0 : i32
    %dma_wait3A_151 = tpu.memref_slice %arg6[%dma_wait3A_149, %dma_wait3A_150] : memref<3x80xi32, #tpu.memory_space<vmem>> -> memref<1x80xi32, #tpu.memory_space<vmem>>
    %dma_wait3A_152 = tpu.memref_squeeze %dma_wait3A_151 : memref<1x80xi32, #tpu.memory_space<vmem>> -> memref<80xi32, #tpu.memory_space<vmem>>
    %dma_wait3A_153 = arith.constant 0 : i32
    %dma_wait3A_154 = arith.constant 0 : i32
    %dma_wait3A_155 = tpu.memref_slice %arg12[%dma_wait3A_153, %dma_wait3A_154] : memref<10240x128xf32, #tpu.memory_space<vmem_shared>> -> memref<10240x128xf32, #tpu.memory_space<vmem_shared>>
    tpu.wait_indirect_dma semaphore(%arg13 : memref<!tpu.dma_semaphore, #tpu.memory_space<semaphore_mem>>) src(%arg9 : memref<80x128xf32, #tpu.memory_space<vmem>>) dst(%dma_wait3A_155 : memref<10240x128xf32, #tpu.memory_space<vmem_shared>>)
    %dma_start3A_156 = arith.constant 1 : i32
    %dma_start3A_157 = arith.constant 0 : i32
    %dma_start3A_158 = tpu.memref_slice %arg7[%dma_start3A_156, %dma_start3A_157] : memref<3x80xi32, #tpu.memory_space<vmem>> -> memref<1x80xi32, #tpu.memory_space<vmem>>
    %dma_start3A_159 = tpu.memref_squeeze %dma_start3A_158 : memref<1x80xi32, #tpu.memory_space<vmem>> -> memref<80xi32, #tpu.memory_space<vmem>>
    %dma_start3A_160 = arith.constant 0 : i32
    %dma_start3A_161 = arith.constant 0 : i32
    %dma_start3A_162 = tpu.memref_slice %arg12[%dma_start3A_160, %dma_start3A_161] : memref<10240x128xf32, #tpu.memory_space<vmem_shared>> -> memref<10240x128xf32, #tpu.memory_space<vmem_shared>>
    tpu.enqueue_indirect_dma source(%arg10 : memref<80x128xf32, #tpu.memory_space<vmem>>) target(%dma_start3A_162 : memref<10240x128xf32, #tpu.memory_space<vmem_shared>>) offsets(%dma_start3A_159 : memref<80xi32, #tpu.memory_space<vmem>>) semaphore(%arg14 : memref<!tpu.dma_semaphore, #tpu.memory_space<semaphore_mem>>) {add = true}
    %dma_wait3A_163 = arith.constant 1 : i32
    %dma_wait3A_164 = arith.constant 0 : i32
    %dma_wait3A_165 = tpu.memref_slice %arg7[%dma_wait3A_163, %dma_wait3A_164] : memref<3x80xi32, #tpu.memory_space<vmem>> -> memref<1x80xi32, #tpu.memory_space<vmem>>
    %dma_wait3A_166 = tpu.memref_squeeze %dma_wait3A_165 : memref<1x80xi32, #tpu.memory_space<vmem>> -> memref<80xi32, #tpu.memory_space<vmem>>
    %dma_wait3A_167 = arith.constant 0 : i32
    %dma_wait3A_168 = arith.constant 0 : i32
    %dma_wait3A_169 = tpu.memref_slice %arg12[%dma_wait3A_167, %dma_wait3A_168] : memref<10240x128xf32, #tpu.memory_space<vmem_shared>> -> memref<10240x128xf32, #tpu.memory_space<vmem_shared>>
    tpu.wait_indirect_dma semaphore(%arg14 : memref<!tpu.dma_semaphore, #tpu.memory_space<semaphore_mem>>) src(%arg10 : memref<80x128xf32, #tpu.memory_space<vmem>>) dst(%dma_wait3A_169 : memref<10240x128xf32, #tpu.memory_space<vmem_shared>>)
    %barrier3A_170 = arith.constant 0 : index
    tpu.barrier barrier_id(%barrier3A_170)
    "tpu.region"() ({
      %run_scoped3A = tpu.sem_alloc : memref<!tpu.dma_semaphore, #tpu.memory_space<semaphore_mem>>
      %dma_start3A_171 = arith.constant 0 : i32
      %dma_start3A_172 = tpu.memref_slice %arg5[%arg0, %mul3A_4, %dma_start3A_171] : memref<2x10240x128xf32, #tpu.memory_space<hbm>> -> memref<1x640x128xf32, #tpu.memory_space<hbm>>
      %dma_start3A_173 = tpu.memref_squeeze %dma_start3A_172 : memref<1x640x128xf32, #tpu.memory_space<hbm>> -> memref<640x128xf32, #tpu.memory_space<hbm>>
      %dma_start3A_174 = arith.constant 0 : i32
      %dma_start3A_175 = tpu.memref_slice %arg12[%mul3A_4, %dma_start3A_174] : memref<10240x128xf32, #tpu.memory_space<vmem_shared>> -> memref<640x128xf32, #tpu.memory_space<vmem_shared>>
      tpu.enqueue_dma source(%dma_start3A_175 : memref<640x128xf32, #tpu.memory_space<vmem_shared>>) target(%dma_start3A_173 : memref<640x128xf32, #tpu.memory_space<hbm>>) target_semaphore(%run_scoped3A : memref<!tpu.dma_semaphore, #tpu.memory_space<semaphore_mem>>)
      %dma_wait3A_176 = arith.constant 0 : i32
      %dma_wait3A_177 = tpu.memref_slice %arg5[%arg0, %mul3A_4, %dma_wait3A_176] : memref<2x10240x128xf32, #tpu.memory_space<hbm>> -> memref<1x640x128xf32, #tpu.memory_space<hbm>>
      %dma_wait3A_178 = tpu.memref_squeeze %dma_wait3A_177 : memref<1x640x128xf32, #tpu.memory_space<hbm>> -> memref<640x128xf32, #tpu.memory_space<hbm>>
      %dma_wait3A_179 = arith.constant 0 : i32
      %dma_wait3A_180 = tpu.memref_slice %arg12[%mul3A_4, %dma_wait3A_179] : memref<10240x128xf32, #tpu.memory_space<vmem_shared>> -> memref<640x128xf32, #tpu.memory_space<vmem_shared>>
      tpu.wait_dma2 semaphore(%run_scoped3A : memref<!tpu.dma_semaphore, #tpu.memory_space<semaphore_mem>>) src(%dma_wait3A_180 : memref<640x128xf32, #tpu.memory_space<vmem_shared>>) dst(%dma_wait3A_178 : memref<640x128xf32, #tpu.memory_space<hbm>>)
      tpu.yield
    }) : () -> ()
    return
  }
}

#map = affine_map<(d0, d1) -> (0, 0)>
#map1 = affine_map<(d0, d1) -> (0, 0, 0)>
module attributes {stable_mosaic.version = 14 : i64} {
  func.func @_edge_body(%arg0: i32, %arg1: i32, %arg2: memref<160000x128xf32, #tpu.memory_space<hbm>>, %arg3: memref<4000x3x80xi32, #tpu.memory_space<hbm>>, %arg4: memref<640x128xf32, #tpu.memory_space<hbm>>, %arg5: memref<2x10240x128xf32, #tpu.memory_space<hbm>>, %arg6: memref<3x80xi32, #tpu.memory_space<vmem>>, %arg7: memref<3x80xi32, #tpu.memory_space<vmem>>, %arg8: memref<3x80xi32, #tpu.memory_space<vmem>>, %arg9: memref<80x128xf32, #tpu.memory_space<vmem>>, %arg10: memref<80x128xf32, #tpu.memory_space<vmem>>, %arg11: memref<80x128xf32, #tpu.memory_space<vmem>>, %arg12: memref<10240x128xf32, #tpu.memory_space<vmem_shared>>, %arg13: memref<!tpu.dma_semaphore, #tpu.memory_space<semaphore_mem>>, %arg14: memref<!tpu.dma_semaphore, #tpu.memory_space<semaphore_mem>>, %arg15: memref<!tpu.dma_semaphore, #tpu.memory_space<semaphore_mem>>) attributes {dimension_semantics = [#tpu.dimension_semantics<core_parallel>, #tpu.dimension_semantics<subcore_parallel>], iteration_bounds = array<i64: 2, 16>, scalar_prefetch = 0 : i64, scratch_operands = 10 : i64, tpu.core_type = #tpu.core_type<sc_vector_subcore>, window_params = [{transform_indices = #map}, {transform_indices = #map1}, {transform_indices = #map}, {transform_indices = #map1}]} {
    %mul3A = arith.constant 16 : i32
    %mul3A_0 = arith.muli %arg0, %mul3A : i32
    %add3A = arith.addi %mul3A_0, %arg1 : i32
    %mul3A_1 = arith.constant 125 : i32
    %mul3A_2 = arith.muli %add3A, %mul3A_1 : i32
    %mul3A_3 = arith.constant 640 : i32
    %mul3A_4 = arith.muli %arg1, %mul3A_3 : i32
    "tpu.region"() ({
      %run_scoped3A = tpu.sem_alloc : memref<!tpu.dma_semaphore, #tpu.memory_space<semaphore_mem>>
      %dma_start3A_171 = arith.constant 0 : i32
      %dma_start3A_172 = tpu.memref_slice %arg12[%mul3A_4, %dma_start3A_171] : memref<10240x128xf32, #tpu.memory_space<vmem_shared>> -> memref<640x128xf32, #tpu.memory_space<vmem_shared>>
      tpu.enqueue_dma source(%arg4 : memref<640x128xf32, #tpu.memory_space<hbm>>) target(%dma_start3A_172 : memref<640x128xf32, #tpu.memory_space<vmem_shared>>) target_semaphore(%run_scoped3A : memref<!tpu.dma_semaphore, #tpu.memory_space<semaphore_mem>>)
      %dma_wait3A_173 = arith.constant 0 : i32
      %dma_wait3A_174 = tpu.memref_slice %arg12[%mul3A_4, %dma_wait3A_173] : memref<10240x128xf32, #tpu.memory_space<vmem_shared>> -> memref<640x128xf32, #tpu.memory_space<vmem_shared>>
      tpu.wait_dma2 semaphore(%run_scoped3A : memref<!tpu.dma_semaphore, #tpu.memory_space<semaphore_mem>>) src(%arg4 : memref<640x128xf32, #tpu.memory_space<hbm>>) dst(%dma_wait3A_174 : memref<640x128xf32, #tpu.memory_space<vmem_shared>>)
      tpu.yield
    }) : () -> ()
    %barrier3A = arith.constant 0 : index
    tpu.barrier barrier_id(%barrier3A)
    "tpu.region"() ({
      %run_scoped3A = tpu.sem_alloc : memref<!tpu.dma_semaphore, #tpu.memory_space<semaphore_mem>>
      %dma_start3A_171 = arith.constant 0 : i32
      %dma_start3A_172 = arith.constant 0 : i32
      %dma_start3A_173 = tpu.memref_slice %arg3[%mul3A_2, %dma_start3A_171, %dma_start3A_172] : memref<4000x3x80xi32, #tpu.memory_space<hbm>> -> memref<1x3x80xi32, #tpu.memory_space<hbm>>
      %dma_start3A_174 = tpu.memref_squeeze %dma_start3A_173 : memref<1x3x80xi32, #tpu.memory_space<hbm>> -> memref<3x80xi32, #tpu.memory_space<hbm>>
      %dma_start3A_175 = arith.constant 0 : i32
      %dma_start3A_176 = arith.constant 0 : i32
      %dma_start3A_177 = tpu.memref_slice %arg3[%mul3A_2, %dma_start3A_175, %dma_start3A_176] : memref<4000x3x80xi32, #tpu.memory_space<hbm>> -> memref<1x3x80xi32, #tpu.memory_space<hbm>>
      %dma_start3A_178 = tpu.memref_squeeze %dma_start3A_177 : memref<1x3x80xi32, #tpu.memory_space<hbm>> -> memref<3x80xi32, #tpu.memory_space<hbm>>
      tpu.enqueue_dma source(%dma_start3A_178 : memref<3x80xi32, #tpu.memory_space<hbm>>) target(%arg6 : memref<3x80xi32, #tpu.memory_space<vmem>>) target_semaphore(%run_scoped3A : memref<!tpu.dma_semaphore, #tpu.memory_space<semaphore_mem>>)
      %dma_wait3A_179 = arith.constant 0 : i32
      %dma_wait3A_180 = arith.constant 0 : i32
      %dma_wait3A_181 = tpu.memref_slice %arg3[%mul3A_2, %dma_wait3A_179, %dma_wait3A_180] : memref<4000x3x80xi32, #tpu.memory_space<hbm>> -> memref<1x3x80xi32, #tpu.memory_space<hbm>>
      %dma_wait3A_182 = tpu.memref_squeeze %dma_wait3A_181 : memref<1x3x80xi32, #tpu.memory_space<hbm>> -> memref<3x80xi32, #tpu.memory_space<hbm>>
      %dma_wait3A_183 = arith.constant 0 : i32
      %dma_wait3A_184 = arith.constant 0 : i32
      %dma_wait3A_185 = tpu.memref_slice %arg3[%mul3A_2, %dma_wait3A_183, %dma_wait3A_184] : memref<4000x3x80xi32, #tpu.memory_space<hbm>> -> memref<1x3x80xi32, #tpu.memory_space<hbm>>
      %dma_wait3A_186 = tpu.memref_squeeze %dma_wait3A_185 : memref<1x3x80xi32, #tpu.memory_space<hbm>> -> memref<3x80xi32, #tpu.memory_space<hbm>>
      tpu.wait_dma2 semaphore(%run_scoped3A : memref<!tpu.dma_semaphore, #tpu.memory_space<semaphore_mem>>) src(%dma_wait3A_186 : memref<3x80xi32, #tpu.memory_space<hbm>>) dst(%arg6 : memref<3x80xi32, #tpu.memory_space<vmem>>)
      tpu.yield
    }) : () -> ()
    %dma_start3A = arith.constant 0 : i32
    %dma_start3A_5 = arith.constant 0 : i32
    %dma_start3A_6 = tpu.memref_slice %arg6[%dma_start3A, %dma_start3A_5] : memref<3x80xi32, #tpu.memory_space<vmem>> -> memref<1x80xi32, #tpu.memory_space<vmem>>
    %dma_start3A_7 = tpu.memref_squeeze %dma_start3A_6 : memref<1x80xi32, #tpu.memory_space<vmem>> -> memref<80xi32, #tpu.memory_space<vmem>>
    %dma_start3A_8 = arith.constant 0 : i32
    %dma_start3A_9 = arith.constant 0 : i32
    %dma_start3A_10 = tpu.memref_slice %arg2[%dma_start3A_8, %dma_start3A_9] : memref<160000x128xf32, #tpu.memory_space<hbm>> -> memref<160000x128xf32, #tpu.memory_space<hbm>>
    tpu.enqueue_indirect_dma source(%dma_start3A_10 : memref<160000x128xf32, #tpu.memory_space<hbm>>) target(%arg9 : memref<80x128xf32, #tpu.memory_space<vmem>>) offsets(%dma_start3A_7 : memref<80xi32, #tpu.memory_space<vmem>>) semaphore(%arg13 : memref<!tpu.dma_semaphore, #tpu.memory_space<semaphore_mem>>)
    %add3A_11 = arith.constant 1 : i32
    %add3A_12 = arith.addi %mul3A_2, %add3A_11 : i32
    "tpu.region"() ({
      %run_scoped3A = tpu.sem_alloc : memref<!tpu.dma_semaphore, #tpu.memory_space<semaphore_mem>>
      %dma_start3A_171 = arith.constant 0 : i32
      %dma_start3A_172 = arith.constant 0 : i32
      %dma_start3A_173 = tpu.memref_slice %arg3[%add3A_12, %dma_start3A_171, %dma_start3A_172] : memref<4000x3x80xi32, #tpu.memory_space<hbm>> -> memref<1x3x80xi32, #tpu.memory_space<hbm>>
      %dma_start3A_174 = tpu.memref_squeeze %dma_start3A_173 : memref<1x3x80xi32, #tpu.memory_space<hbm>> -> memref<3x80xi32, #tpu.memory_space<hbm>>
      %dma_start3A_175 = arith.constant 0 : i32
      %dma_start3A_176 = arith.constant 0 : i32
      %dma_start3A_177 = tpu.memref_slice %arg3[%add3A_12, %dma_start3A_175, %dma_start3A_176] : memref<4000x3x80xi32, #tpu.memory_space<hbm>> -> memref<1x3x80xi32, #tpu.memory_space<hbm>>
      %dma_start3A_178 = tpu.memref_squeeze %dma_start3A_177 : memref<1x3x80xi32, #tpu.memory_space<hbm>> -> memref<3x80xi32, #tpu.memory_space<hbm>>
      tpu.enqueue_dma source(%dma_start3A_178 : memref<3x80xi32, #tpu.memory_space<hbm>>) target(%arg7 : memref<3x80xi32, #tpu.memory_space<vmem>>) target_semaphore(%run_scoped3A : memref<!tpu.dma_semaphore, #tpu.memory_space<semaphore_mem>>)
      %dma_wait3A_179 = arith.constant 0 : i32
      %dma_wait3A_180 = arith.constant 0 : i32
      %dma_wait3A_181 = tpu.memref_slice %arg3[%add3A_12, %dma_wait3A_179, %dma_wait3A_180] : memref<4000x3x80xi32, #tpu.memory_space<hbm>> -> memref<1x3x80xi32, #tpu.memory_space<hbm>>
      %dma_wait3A_182 = tpu.memref_squeeze %dma_wait3A_181 : memref<1x3x80xi32, #tpu.memory_space<hbm>> -> memref<3x80xi32, #tpu.memory_space<hbm>>
      %dma_wait3A_183 = arith.constant 0 : i32
      %dma_wait3A_184 = arith.constant 0 : i32
      %dma_wait3A_185 = tpu.memref_slice %arg3[%add3A_12, %dma_wait3A_183, %dma_wait3A_184] : memref<4000x3x80xi32, #tpu.memory_space<hbm>> -> memref<1x3x80xi32, #tpu.memory_space<hbm>>
      %dma_wait3A_186 = tpu.memref_squeeze %dma_wait3A_185 : memref<1x3x80xi32, #tpu.memory_space<hbm>> -> memref<3x80xi32, #tpu.memory_space<hbm>>
      tpu.wait_dma2 semaphore(%run_scoped3A : memref<!tpu.dma_semaphore, #tpu.memory_space<semaphore_mem>>) src(%dma_wait3A_186 : memref<3x80xi32, #tpu.memory_space<hbm>>) dst(%arg7 : memref<3x80xi32, #tpu.memory_space<vmem>>)
      tpu.yield
    }) : () -> ()
    %dma_start3A_13 = arith.constant 0 : i32
    %dma_start3A_14 = arith.constant 0 : i32
    %dma_start3A_15 = tpu.memref_slice %arg7[%dma_start3A_13, %dma_start3A_14] : memref<3x80xi32, #tpu.memory_space<vmem>> -> memref<1x80xi32, #tpu.memory_space<vmem>>
    %dma_start3A_16 = tpu.memref_squeeze %dma_start3A_15 : memref<1x80xi32, #tpu.memory_space<vmem>> -> memref<80xi32, #tpu.memory_space<vmem>>
    %dma_start3A_17 = arith.constant 0 : i32
    %dma_start3A_18 = arith.constant 0 : i32
    %dma_start3A_19 = tpu.memref_slice %arg2[%dma_start3A_17, %dma_start3A_18] : memref<160000x128xf32, #tpu.memory_space<hbm>> -> memref<160000x128xf32, #tpu.memory_space<hbm>>
    tpu.enqueue_indirect_dma source(%dma_start3A_19 : memref<160000x128xf32, #tpu.memory_space<hbm>>) target(%arg10 : memref<80x128xf32, #tpu.memory_space<vmem>>) offsets(%dma_start3A_16 : memref<80xi32, #tpu.memory_space<vmem>>) semaphore(%arg14 : memref<!tpu.dma_semaphore, #tpu.memory_space<semaphore_mem>>)
    %add3A_20 = arith.constant 0 : i32
    %add3A_21 = arith.addi %mul3A_2, %add3A_20 : i32
    %dma_wait3A = arith.constant 0 : i32
    %dma_wait3A_22 = arith.constant 0 : i32
    %dma_wait3A_23 = tpu.memref_slice %arg6[%dma_wait3A, %dma_wait3A_22] : memref<3x80xi32, #tpu.memory_space<vmem>> -> memref<1x80xi32, #tpu.memory_space<vmem>>
    %dma_wait3A_24 = tpu.memref_squeeze %dma_wait3A_23 : memref<1x80xi32, #tpu.memory_space<vmem>> -> memref<80xi32, #tpu.memory_space<vmem>>
    %dma_wait3A_25 = arith.constant 0 : i32
    %dma_wait3A_26 = arith.constant 0 : i32
    %dma_wait3A_27 = tpu.memref_slice %arg2[%dma_wait3A_25, %dma_wait3A_26] : memref<160000x128xf32, #tpu.memory_space<hbm>> -> memref<160000x128xf32, #tpu.memory_space<hbm>>
    tpu.wait_indirect_dma semaphore(%arg13 : memref<!tpu.dma_semaphore, #tpu.memory_space<semaphore_mem>>) src(%dma_wait3A_27 : memref<160000x128xf32, #tpu.memory_space<hbm>>) dst(%arg9 : memref<80x128xf32, #tpu.memory_space<vmem>>)
    %add3A_28 = arith.constant 2 : i32
    %add3A_29 = arith.addi %add3A_21, %add3A_28 : i32
    "tpu.region"() ({
      %run_scoped3A = tpu.sem_alloc : memref<!tpu.dma_semaphore, #tpu.memory_space<semaphore_mem>>
      %dma_start3A_171 = arith.constant 0 : i32
      %dma_start3A_172 = arith.constant 0 : i32
      %dma_start3A_173 = tpu.memref_slice %arg3[%add3A_29, %dma_start3A_171, %dma_start3A_172] : memref<4000x3x80xi32, #tpu.memory_space<hbm>> -> memref<1x3x80xi32, #tpu.memory_space<hbm>>
      %dma_start3A_174 = tpu.memref_squeeze %dma_start3A_173 : memref<1x3x80xi32, #tpu.memory_space<hbm>> -> memref<3x80xi32, #tpu.memory_space<hbm>>
      %dma_start3A_175 = arith.constant 0 : i32
      %dma_start3A_176 = arith.constant 0 : i32
      %dma_start3A_177 = tpu.memref_slice %arg3[%add3A_29, %dma_start3A_175, %dma_start3A_176] : memref<4000x3x80xi32, #tpu.memory_space<hbm>> -> memref<1x3x80xi32, #tpu.memory_space<hbm>>
      %dma_start3A_178 = tpu.memref_squeeze %dma_start3A_177 : memref<1x3x80xi32, #tpu.memory_space<hbm>> -> memref<3x80xi32, #tpu.memory_space<hbm>>
      tpu.enqueue_dma source(%dma_start3A_178 : memref<3x80xi32, #tpu.memory_space<hbm>>) target(%arg8 : memref<3x80xi32, #tpu.memory_space<vmem>>) target_semaphore(%run_scoped3A : memref<!tpu.dma_semaphore, #tpu.memory_space<semaphore_mem>>)
      %dma_wait3A_179 = arith.constant 0 : i32
      %dma_wait3A_180 = arith.constant 0 : i32
      %dma_wait3A_181 = tpu.memref_slice %arg3[%add3A_29, %dma_wait3A_179, %dma_wait3A_180] : memref<4000x3x80xi32, #tpu.memory_space<hbm>> -> memref<1x3x80xi32, #tpu.memory_space<hbm>>
      %dma_wait3A_182 = tpu.memref_squeeze %dma_wait3A_181 : memref<1x3x80xi32, #tpu.memory_space<hbm>> -> memref<3x80xi32, #tpu.memory_space<hbm>>
      %dma_wait3A_183 = arith.constant 0 : i32
      %dma_wait3A_184 = arith.constant 0 : i32
      %dma_wait3A_185 = tpu.memref_slice %arg3[%add3A_29, %dma_wait3A_183, %dma_wait3A_184] : memref<4000x3x80xi32, #tpu.memory_space<hbm>> -> memref<1x3x80xi32, #tpu.memory_space<hbm>>
      %dma_wait3A_186 = tpu.memref_squeeze %dma_wait3A_185 : memref<1x3x80xi32, #tpu.memory_space<hbm>> -> memref<3x80xi32, #tpu.memory_space<hbm>>
      tpu.wait_dma2 semaphore(%run_scoped3A : memref<!tpu.dma_semaphore, #tpu.memory_space<semaphore_mem>>) src(%dma_wait3A_186 : memref<3x80xi32, #tpu.memory_space<hbm>>) dst(%arg8 : memref<3x80xi32, #tpu.memory_space<vmem>>)
      tpu.yield
    }) : () -> ()
    %dma_start3A_30 = arith.constant 0 : i32
    %dma_start3A_31 = arith.constant 0 : i32
    %dma_start3A_32 = tpu.memref_slice %arg8[%dma_start3A_30, %dma_start3A_31] : memref<3x80xi32, #tpu.memory_space<vmem>> -> memref<1x80xi32, #tpu.memory_space<vmem>>
    %dma_start3A_33 = tpu.memref_squeeze %dma_start3A_32 : memref<1x80xi32, #tpu.memory_space<vmem>> -> memref<80xi32, #tpu.memory_space<vmem>>
    %dma_start3A_34 = arith.constant 0 : i32
    %dma_start3A_35 = arith.constant 0 : i32
    %dma_start3A_36 = tpu.memref_slice %arg2[%dma_start3A_34, %dma_start3A_35] : memref<160000x128xf32, #tpu.memory_space<hbm>> -> memref<160000x128xf32, #tpu.memory_space<hbm>>
    tpu.enqueue_indirect_dma source(%dma_start3A_36 : memref<160000x128xf32, #tpu.memory_space<hbm>>) target(%arg11 : memref<80x128xf32, #tpu.memory_space<vmem>>) offsets(%dma_start3A_33 : memref<80xi32, #tpu.memory_space<vmem>>) semaphore(%arg15 : memref<!tpu.dma_semaphore, #tpu.memory_space<semaphore_mem>>)
    %dma_start3A_37 = arith.constant 1 : i32
    %dma_start3A_38 = arith.constant 0 : i32
    %dma_start3A_39 = tpu.memref_slice %arg6[%dma_start3A_37, %dma_start3A_38] : memref<3x80xi32, #tpu.memory_space<vmem>> -> memref<1x80xi32, #tpu.memory_space<vmem>>
    %dma_start3A_40 = tpu.memref_squeeze %dma_start3A_39 : memref<1x80xi32, #tpu.memory_space<vmem>> -> memref<80xi32, #tpu.memory_space<vmem>>
    %dma_start3A_41 = arith.constant 0 : i32
    %dma_start3A_42 = arith.constant 0 : i32
    %dma_start3A_43 = tpu.memref_slice %arg12[%dma_start3A_41, %dma_start3A_42] : memref<10240x128xf32, #tpu.memory_space<vmem_shared>> -> memref<10240x128xf32, #tpu.memory_space<vmem_shared>>
    tpu.enqueue_indirect_dma source(%arg9 : memref<80x128xf32, #tpu.memory_space<vmem>>) target(%dma_start3A_43 : memref<10240x128xf32, #tpu.memory_space<vmem_shared>>) offsets(%dma_start3A_40 : memref<80xi32, #tpu.memory_space<vmem>>) semaphore(%arg13 : memref<!tpu.dma_semaphore, #tpu.memory_space<semaphore_mem>>) {add = true}
    %add3A_44 = arith.constant 1 : i32
    %add3A_45 = arith.addi %mul3A_2, %add3A_44 : i32
    %dma_wait3A_46 = arith.constant 0 : i32
    %dma_wait3A_47 = arith.constant 0 : i32
    %dma_wait3A_48 = tpu.memref_slice %arg7[%dma_wait3A_46, %dma_wait3A_47] : memref<3x80xi32, #tpu.memory_space<vmem>> -> memref<1x80xi32, #tpu.memory_space<vmem>>
    %dma_wait3A_49 = tpu.memref_squeeze %dma_wait3A_48 : memref<1x80xi32, #tpu.memory_space<vmem>> -> memref<80xi32, #tpu.memory_space<vmem>>
    %dma_wait3A_50 = arith.constant 0 : i32
    %dma_wait3A_51 = arith.constant 0 : i32
    %dma_wait3A_52 = tpu.memref_slice %arg2[%dma_wait3A_50, %dma_wait3A_51] : memref<160000x128xf32, #tpu.memory_space<hbm>> -> memref<160000x128xf32, #tpu.memory_space<hbm>>
    tpu.wait_indirect_dma semaphore(%arg14 : memref<!tpu.dma_semaphore, #tpu.memory_space<semaphore_mem>>) src(%dma_wait3A_52 : memref<160000x128xf32, #tpu.memory_space<hbm>>) dst(%arg10 : memref<80x128xf32, #tpu.memory_space<vmem>>)
    %dma_wait3A_53 = arith.constant 1 : i32
    %dma_wait3A_54 = arith.constant 0 : i32
    %dma_wait3A_55 = tpu.memref_slice %arg6[%dma_wait3A_53, %dma_wait3A_54] : memref<3x80xi32, #tpu.memory_space<vmem>> -> memref<1x80xi32, #tpu.memory_space<vmem>>
    %dma_wait3A_56 = tpu.memref_squeeze %dma_wait3A_55 : memref<1x80xi32, #tpu.memory_space<vmem>> -> memref<80xi32, #tpu.memory_space<vmem>>
    %dma_wait3A_57 = arith.constant 0 : i32
    %dma_wait3A_58 = arith.constant 0 : i32
    %dma_wait3A_59 = tpu.memref_slice %arg12[%dma_wait3A_57, %dma_wait3A_58] : memref<10240x128xf32, #tpu.memory_space<vmem_shared>> -> memref<10240x128xf32, #tpu.memory_space<vmem_shared>>
    tpu.wait_indirect_dma semaphore(%arg13 : memref<!tpu.dma_semaphore, #tpu.memory_space<semaphore_mem>>) src(%arg9 : memref<80x128xf32, #tpu.memory_space<vmem>>) dst(%dma_wait3A_59 : memref<10240x128xf32, #tpu.memory_space<vmem_shared>>)
    %add3A_60 = arith.constant 2 : i32
    %add3A_61 = arith.addi %add3A_45, %add3A_60 : i32
    "tpu.region"() ({
      %run_scoped3A = tpu.sem_alloc : memref<!tpu.dma_semaphore, #tpu.memory_space<semaphore_mem>>
      %dma_start3A_171 = arith.constant 0 : i32
      %dma_start3A_172 = arith.constant 0 : i32
      %dma_start3A_173 = tpu.memref_slice %arg3[%add3A_61, %dma_start3A_171, %dma_start3A_172] : memref<4000x3x80xi32, #tpu.memory_space<hbm>> -> memref<1x3x80xi32, #tpu.memory_space<hbm>>
      %dma_start3A_174 = tpu.memref_squeeze %dma_start3A_173 : memref<1x3x80xi32, #tpu.memory_space<hbm>> -> memref<3x80xi32, #tpu.memory_space<hbm>>
      %dma_start3A_175 = arith.constant 0 : i32
      %dma_start3A_176 = arith.constant 0 : i32
      %dma_start3A_177 = tpu.memref_slice %arg3[%add3A_61, %dma_start3A_175, %dma_start3A_176] : memref<4000x3x80xi32, #tpu.memory_space<hbm>> -> memref<1x3x80xi32, #tpu.memory_space<hbm>>
      %dma_start3A_178 = tpu.memref_squeeze %dma_start3A_177 : memref<1x3x80xi32, #tpu.memory_space<hbm>> -> memref<3x80xi32, #tpu.memory_space<hbm>>
      tpu.enqueue_dma source(%dma_start3A_178 : memref<3x80xi32, #tpu.memory_space<hbm>>) target(%arg6 : memref<3x80xi32, #tpu.memory_space<vmem>>) target_semaphore(%run_scoped3A : memref<!tpu.dma_semaphore, #tpu.memory_space<semaphore_mem>>)
      %dma_wait3A_179 = arith.constant 0 : i32
      %dma_wait3A_180 = arith.constant 0 : i32
      %dma_wait3A_181 = tpu.memref_slice %arg3[%add3A_61, %dma_wait3A_179, %dma_wait3A_180] : memref<4000x3x80xi32, #tpu.memory_space<hbm>> -> memref<1x3x80xi32, #tpu.memory_space<hbm>>
      %dma_wait3A_182 = tpu.memref_squeeze %dma_wait3A_181 : memref<1x3x80xi32, #tpu.memory_space<hbm>> -> memref<3x80xi32, #tpu.memory_space<hbm>>
      %dma_wait3A_183 = arith.constant 0 : i32
      %dma_wait3A_184 = arith.constant 0 : i32
      %dma_wait3A_185 = tpu.memref_slice %arg3[%add3A_61, %dma_wait3A_183, %dma_wait3A_184] : memref<4000x3x80xi32, #tpu.memory_space<hbm>> -> memref<1x3x80xi32, #tpu.memory_space<hbm>>
      %dma_wait3A_186 = tpu.memref_squeeze %dma_wait3A_185 : memref<1x3x80xi32, #tpu.memory_space<hbm>> -> memref<3x80xi32, #tpu.memory_space<hbm>>
      tpu.wait_dma2 semaphore(%run_scoped3A : memref<!tpu.dma_semaphore, #tpu.memory_space<semaphore_mem>>) src(%dma_wait3A_186 : memref<3x80xi32, #tpu.memory_space<hbm>>) dst(%arg6 : memref<3x80xi32, #tpu.memory_space<vmem>>)
      tpu.yield
    }) : () -> ()
    %dma_start3A_62 = arith.constant 0 : i32
    %dma_start3A_63 = arith.constant 0 : i32
    %dma_start3A_64 = tpu.memref_slice %arg6[%dma_start3A_62, %dma_start3A_63] : memref<3x80xi32, #tpu.memory_space<vmem>> -> memref<1x80xi32, #tpu.memory_space<vmem>>
    %dma_start3A_65 = tpu.memref_squeeze %dma_start3A_64 : memref<1x80xi32, #tpu.memory_space<vmem>> -> memref<80xi32, #tpu.memory_space<vmem>>
    %dma_start3A_66 = arith.constant 0 : i32
    %dma_start3A_67 = arith.constant 0 : i32
    %dma_start3A_68 = tpu.memref_slice %arg2[%dma_start3A_66, %dma_start3A_67] : memref<160000x128xf32, #tpu.memory_space<hbm>> -> memref<160000x128xf32, #tpu.memory_space<hbm>>
    tpu.enqueue_indirect_dma source(%dma_start3A_68 : memref<160000x128xf32, #tpu.memory_space<hbm>>) target(%arg9 : memref<80x128xf32, #tpu.memory_space<vmem>>) offsets(%dma_start3A_65 : memref<80xi32, #tpu.memory_space<vmem>>) semaphore(%arg13 : memref<!tpu.dma_semaphore, #tpu.memory_space<semaphore_mem>>)
    %dma_start3A_69 = arith.constant 1 : i32
    %dma_start3A_70 = arith.constant 0 : i32
    %dma_start3A_71 = tpu.memref_slice %arg7[%dma_start3A_69, %dma_start3A_70] : memref<3x80xi32, #tpu.memory_space<vmem>> -> memref<1x80xi32, #tpu.memory_space<vmem>>
    %dma_start3A_72 = tpu.memref_squeeze %dma_start3A_71 : memref<1x80xi32, #tpu.memory_space<vmem>> -> memref<80xi32, #tpu.memory_space<vmem>>
    %dma_start3A_73 = arith.constant 0 : i32
    %dma_start3A_74 = arith.constant 0 : i32
    %dma_start3A_75 = tpu.memref_slice %arg12[%dma_start3A_73, %dma_start3A_74] : memref<10240x128xf32, #tpu.memory_space<vmem_shared>> -> memref<10240x128xf32, #tpu.memory_space<vmem_shared>>
    tpu.enqueue_indirect_dma source(%arg10 : memref<80x128xf32, #tpu.memory_space<vmem>>) target(%dma_start3A_75 : memref<10240x128xf32, #tpu.memory_space<vmem_shared>>) offsets(%dma_start3A_72 : memref<80xi32, #tpu.memory_space<vmem>>) semaphore(%arg14 : memref<!tpu.dma_semaphore, #tpu.memory_space<semaphore_mem>>) {add = true}
    %add3A_76 = arith.constant 2 : i32
    %add3A_77 = arith.addi %mul3A_2, %add3A_76 : i32
    %dma_wait3A_78 = arith.constant 0 : i32
    %dma_wait3A_79 = arith.constant 0 : i32
    %dma_wait3A_80 = tpu.memref_slice %arg8[%dma_wait3A_78, %dma_wait3A_79] : memref<3x80xi32, #tpu.memory_space<vmem>> -> memref<1x80xi32, #tpu.memory_space<vmem>>
    %dma_wait3A_81 = tpu.memref_squeeze %dma_wait3A_80 : memref<1x80xi32, #tpu.memory_space<vmem>> -> memref<80xi32, #tpu.memory_space<vmem>>
    %dma_wait3A_82 = arith.constant 0 : i32
    %dma_wait3A_83 = arith.constant 0 : i32
    %dma_wait3A_84 = tpu.memref_slice %arg2[%dma_wait3A_82, %dma_wait3A_83] : memref<160000x128xf32, #tpu.memory_space<hbm>> -> memref<160000x128xf32, #tpu.memory_space<hbm>>
    tpu.wait_indirect_dma semaphore(%arg15 : memref<!tpu.dma_semaphore, #tpu.memory_space<semaphore_mem>>) src(%dma_wait3A_84 : memref<160000x128xf32, #tpu.memory_space<hbm>>) dst(%arg11 : memref<80x128xf32, #tpu.memory_space<vmem>>)
    %dma_wait3A_85 = arith.constant 1 : i32
    %dma_wait3A_86 = arith.constant 0 : i32
    %dma_wait3A_87 = tpu.memref_slice %arg7[%dma_wait3A_85, %dma_wait3A_86] : memref<3x80xi32, #tpu.memory_space<vmem>> -> memref<1x80xi32, #tpu.memory_space<vmem>>
    %dma_wait3A_88 = tpu.memref_squeeze %dma_wait3A_87 : memref<1x80xi32, #tpu.memory_space<vmem>> -> memref<80xi32, #tpu.memory_space<vmem>>
    %dma_wait3A_89 = arith.constant 0 : i32
    %dma_wait3A_90 = arith.constant 0 : i32
    %dma_wait3A_91 = tpu.memref_slice %arg12[%dma_wait3A_89, %dma_wait3A_90] : memref<10240x128xf32, #tpu.memory_space<vmem_shared>> -> memref<10240x128xf32, #tpu.memory_space<vmem_shared>>
    tpu.wait_indirect_dma semaphore(%arg14 : memref<!tpu.dma_semaphore, #tpu.memory_space<semaphore_mem>>) src(%arg10 : memref<80x128xf32, #tpu.memory_space<vmem>>) dst(%dma_wait3A_91 : memref<10240x128xf32, #tpu.memory_space<vmem_shared>>)
    %add3A_92 = arith.constant 2 : i32
    %add3A_93 = arith.addi %add3A_77, %add3A_92 : i32
    "tpu.region"() ({
      %run_scoped3A = tpu.sem_alloc : memref<!tpu.dma_semaphore, #tpu.memory_space<semaphore_mem>>
      %dma_start3A_171 = arith.constant 0 : i32
      %dma_start3A_172 = arith.constant 0 : i32
      %dma_start3A_173 = tpu.memref_slice %arg3[%add3A_93, %dma_start3A_171, %dma_start3A_172] : memref<4000x3x80xi32, #tpu.memory_space<hbm>> -> memref<1x3x80xi32, #tpu.memory_space<hbm>>
      %dma_start3A_174 = tpu.memref_squeeze %dma_start3A_173 : memref<1x3x80xi32, #tpu.memory_space<hbm>> -> memref<3x80xi32, #tpu.memory_space<hbm>>
      %dma_start3A_175 = arith.constant 0 : i32
      %dma_start3A_176 = arith.constant 0 : i32
      %dma_start3A_177 = tpu.memref_slice %arg3[%add3A_93, %dma_start3A_175, %dma_start3A_176] : memref<4000x3x80xi32, #tpu.memory_space<hbm>> -> memref<1x3x80xi32, #tpu.memory_space<hbm>>
      %dma_start3A_178 = tpu.memref_squeeze %dma_start3A_177 : memref<1x3x80xi32, #tpu.memory_space<hbm>> -> memref<3x80xi32, #tpu.memory_space<hbm>>
      tpu.enqueue_dma source(%dma_start3A_178 : memref<3x80xi32, #tpu.memory_space<hbm>>) target(%arg7 : memref<3x80xi32, #tpu.memory_space<vmem>>) target_semaphore(%run_scoped3A : memref<!tpu.dma_semaphore, #tpu.memory_space<semaphore_mem>>)
      %dma_wait3A_179 = arith.constant 0 : i32
      %dma_wait3A_180 = arith.constant 0 : i32
      %dma_wait3A_181 = tpu.memref_slice %arg3[%add3A_93, %dma_wait3A_179, %dma_wait3A_180] : memref<4000x3x80xi32, #tpu.memory_space<hbm>> -> memref<1x3x80xi32, #tpu.memory_space<hbm>>
      %dma_wait3A_182 = tpu.memref_squeeze %dma_wait3A_181 : memref<1x3x80xi32, #tpu.memory_space<hbm>> -> memref<3x80xi32, #tpu.memory_space<hbm>>
      %dma_wait3A_183 = arith.constant 0 : i32
      %dma_wait3A_184 = arith.constant 0 : i32
      %dma_wait3A_185 = tpu.memref_slice %arg3[%add3A_93, %dma_wait3A_183, %dma_wait3A_184] : memref<4000x3x80xi32, #tpu.memory_space<hbm>> -> memref<1x3x80xi32, #tpu.memory_space<hbm>>
      %dma_wait3A_186 = tpu.memref_squeeze %dma_wait3A_185 : memref<1x3x80xi32, #tpu.memory_space<hbm>> -> memref<3x80xi32, #tpu.memory_space<hbm>>
      tpu.wait_dma2 semaphore(%run_scoped3A : memref<!tpu.dma_semaphore, #tpu.memory_space<semaphore_mem>>) src(%dma_wait3A_186 : memref<3x80xi32, #tpu.memory_space<hbm>>) dst(%arg7 : memref<3x80xi32, #tpu.memory_space<vmem>>)
      tpu.yield
    }) : () -> ()
    %dma_start3A_94 = arith.constant 0 : i32
    %dma_start3A_95 = arith.constant 0 : i32
    %dma_start3A_96 = tpu.memref_slice %arg7[%dma_start3A_94, %dma_start3A_95] : memref<3x80xi32, #tpu.memory_space<vmem>> -> memref<1x80xi32, #tpu.memory_space<vmem>>
    %dma_start3A_97 = tpu.memref_squeeze %dma_start3A_96 : memref<1x80xi32, #tpu.memory_space<vmem>> -> memref<80xi32, #tpu.memory_space<vmem>>
    %dma_start3A_98 = arith.constant 0 : i32
    %dma_start3A_99 = arith.constant 0 : i32
    %dma_start3A_100 = tpu.memref_slice %arg2[%dma_start3A_98, %dma_start3A_99] : memref<160000x128xf32, #tpu.memory_space<hbm>> -> memref<160000x128xf32, #tpu.memory_space<hbm>>
    tpu.enqueue_indirect_dma source(%dma_start3A_100 : memref<160000x128xf32, #tpu.memory_space<hbm>>) target(%arg10 : memref<80x128xf32, #tpu.memory_space<vmem>>) offsets(%dma_start3A_97 : memref<80xi32, #tpu.memory_space<vmem>>) semaphore(%arg14 : memref<!tpu.dma_semaphore, #tpu.memory_space<semaphore_mem>>)
    %dma_start3A_101 = arith.constant 1 : i32
    %dma_start3A_102 = arith.constant 0 : i32
    %dma_start3A_103 = tpu.memref_slice %arg8[%dma_start3A_101, %dma_start3A_102] : memref<3x80xi32, #tpu.memory_space<vmem>> -> memref<1x80xi32, #tpu.memory_space<vmem>>
    %dma_start3A_104 = tpu.memref_squeeze %dma_start3A_103 : memref<1x80xi32, #tpu.memory_space<vmem>> -> memref<80xi32, #tpu.memory_space<vmem>>
    %dma_start3A_105 = arith.constant 0 : i32
    %dma_start3A_106 = arith.constant 0 : i32
    %dma_start3A_107 = tpu.memref_slice %arg12[%dma_start3A_105, %dma_start3A_106] : memref<10240x128xf32, #tpu.memory_space<vmem_shared>> -> memref<10240x128xf32, #tpu.memory_space<vmem_shared>>
    tpu.enqueue_indirect_dma source(%arg11 : memref<80x128xf32, #tpu.memory_space<vmem>>) target(%dma_start3A_107 : memref<10240x128xf32, #tpu.memory_space<vmem_shared>>) offsets(%dma_start3A_104 : memref<80xi32, #tpu.memory_space<vmem>>) semaphore(%arg15 : memref<!tpu.dma_semaphore, #tpu.memory_space<semaphore_mem>>) {add = true}
    %scan3A = arith.constant 0 : i32
    %scan3A_108 = arith.constant 1 : i32
    %scan3A_109 = arith.constant 40 : i32
    %scan3A_110 = arith.addi %scan3A_108, %scan3A_109 : i32
    %scan3A_111 = arith.constant 1 : i32
    %scan3A_112 = scf.for %scan3A_171 = %scan3A_108 to %scan3A_110 step %scan3A_111 iter_args(%scan3A_172 = %scan3A) -> (i32)  : i32 {
      %mul3A_173 = arith.constant 3 : i32
      %mul3A_174 = arith.muli %mul3A_173, %scan3A_171 : i32
      %add3A_175 = arith.addi %mul3A_2, %mul3A_174 : i32
      %dma_wait3A_176 = arith.constant 0 : i32
      %dma_wait3A_177 = arith.constant 0 : i32
      %dma_wait3A_178 = tpu.memref_slice %arg6[%dma_wait3A_176, %dma_wait3A_177] : memref<3x80xi32, #tpu.memory_space<vmem>> -> memref<1x80xi32, #tpu.memory_space<vmem>>
      %dma_wait3A_179 = tpu.memref_squeeze %dma_wait3A_178 : memref<1x80xi32, #tpu.memory_space<vmem>> -> memref<80xi32, #tpu.memory_space<vmem>>
      %dma_wait3A_180 = arith.constant 0 : i32
      %dma_wait3A_181 = arith.constant 0 : i32
      %dma_wait3A_182 = tpu.memref_slice %arg2[%dma_wait3A_180, %dma_wait3A_181] : memref<160000x128xf32, #tpu.memory_space<hbm>> -> memref<160000x128xf32, #tpu.memory_space<hbm>>
      tpu.wait_indirect_dma semaphore(%arg13 : memref<!tpu.dma_semaphore, #tpu.memory_space<semaphore_mem>>) src(%dma_wait3A_182 : memref<160000x128xf32, #tpu.memory_space<hbm>>) dst(%arg9 : memref<80x128xf32, #tpu.memory_space<vmem>>)
      %dma_wait3A_183 = arith.constant 1 : i32
      %dma_wait3A_184 = arith.constant 0 : i32
      %dma_wait3A_185 = tpu.memref_slice %arg8[%dma_wait3A_183, %dma_wait3A_184] : memref<3x80xi32, #tpu.memory_space<vmem>> -> memref<1x80xi32, #tpu.memory_space<vmem>>
      %dma_wait3A_186 = tpu.memref_squeeze %dma_wait3A_185 : memref<1x80xi32, #tpu.memory_space<vmem>> -> memref<80xi32, #tpu.memory_space<vmem>>
      %dma_wait3A_187 = arith.constant 0 : i32
      %dma_wait3A_188 = arith.constant 0 : i32
      %dma_wait3A_189 = tpu.memref_slice %arg12[%dma_wait3A_187, %dma_wait3A_188] : memref<10240x128xf32, #tpu.memory_space<vmem_shared>> -> memref<10240x128xf32, #tpu.memory_space<vmem_shared>>
      tpu.wait_indirect_dma semaphore(%arg15 : memref<!tpu.dma_semaphore, #tpu.memory_space<semaphore_mem>>) src(%arg11 : memref<80x128xf32, #tpu.memory_space<vmem>>) dst(%dma_wait3A_189 : memref<10240x128xf32, #tpu.memory_space<vmem_shared>>)
      %add3A_190 = arith.constant 2 : i32
      %add3A_191 = arith.addi %add3A_175, %add3A_190 : i32
      "tpu.region"() ({
        %run_scoped3A = tpu.sem_alloc : memref<!tpu.dma_semaphore, #tpu.memory_space<semaphore_mem>>
        %dma_start3A_271 = arith.constant 0 : i32
        %dma_start3A_272 = arith.constant 0 : i32
        %dma_start3A_273 = tpu.memref_slice %arg3[%add3A_191, %dma_start3A_271, %dma_start3A_272] : memref<4000x3x80xi32, #tpu.memory_space<hbm>> -> memref<1x3x80xi32, #tpu.memory_space<hbm>>
        %dma_start3A_274 = tpu.memref_squeeze %dma_start3A_273 : memref<1x3x80xi32, #tpu.memory_space<hbm>> -> memref<3x80xi32, #tpu.memory_space<hbm>>
        %dma_start3A_275 = arith.constant 0 : i32
        %dma_start3A_276 = arith.constant 0 : i32
        %dma_start3A_277 = tpu.memref_slice %arg3[%add3A_191, %dma_start3A_275, %dma_start3A_276] : memref<4000x3x80xi32, #tpu.memory_space<hbm>> -> memref<1x3x80xi32, #tpu.memory_space<hbm>>
        %dma_start3A_278 = tpu.memref_squeeze %dma_start3A_277 : memref<1x3x80xi32, #tpu.memory_space<hbm>> -> memref<3x80xi32, #tpu.memory_space<hbm>>
        tpu.enqueue_dma source(%dma_start3A_278 : memref<3x80xi32, #tpu.memory_space<hbm>>) target(%arg8 : memref<3x80xi32, #tpu.memory_space<vmem>>) target_semaphore(%run_scoped3A : memref<!tpu.dma_semaphore, #tpu.memory_space<semaphore_mem>>)
        %dma_wait3A_279 = arith.constant 0 : i32
        %dma_wait3A_280 = arith.constant 0 : i32
        %dma_wait3A_281 = tpu.memref_slice %arg3[%add3A_191, %dma_wait3A_279, %dma_wait3A_280] : memref<4000x3x80xi32, #tpu.memory_space<hbm>> -> memref<1x3x80xi32, #tpu.memory_space<hbm>>
        %dma_wait3A_282 = tpu.memref_squeeze %dma_wait3A_281 : memref<1x3x80xi32, #tpu.memory_space<hbm>> -> memref<3x80xi32, #tpu.memory_space<hbm>>
        %dma_wait3A_283 = arith.constant 0 : i32
        %dma_wait3A_284 = arith.constant 0 : i32
        %dma_wait3A_285 = tpu.memref_slice %arg3[%add3A_191, %dma_wait3A_283, %dma_wait3A_284] : memref<4000x3x80xi32, #tpu.memory_space<hbm>> -> memref<1x3x80xi32, #tpu.memory_space<hbm>>
        %dma_wait3A_286 = tpu.memref_squeeze %dma_wait3A_285 : memref<1x3x80xi32, #tpu.memory_space<hbm>> -> memref<3x80xi32, #tpu.memory_space<hbm>>
        tpu.wait_dma2 semaphore(%run_scoped3A : memref<!tpu.dma_semaphore, #tpu.memory_space<semaphore_mem>>) src(%dma_wait3A_286 : memref<3x80xi32, #tpu.memory_space<hbm>>) dst(%arg8 : memref<3x80xi32, #tpu.memory_space<vmem>>)
        tpu.yield
      }) : () -> ()
      %dma_start3A_192 = arith.constant 0 : i32
      %dma_start3A_193 = arith.constant 0 : i32
      %dma_start3A_194 = tpu.memref_slice %arg8[%dma_start3A_192, %dma_start3A_193] : memref<3x80xi32, #tpu.memory_space<vmem>> -> memref<1x80xi32, #tpu.memory_space<vmem>>
      %dma_start3A_195 = tpu.memref_squeeze %dma_start3A_194 : memref<1x80xi32, #tpu.memory_space<vmem>> -> memref<80xi32, #tpu.memory_space<vmem>>
      %dma_start3A_196 = arith.constant 0 : i32
      %dma_start3A_197 = arith.constant 0 : i32
      %dma_start3A_198 = tpu.memref_slice %arg2[%dma_start3A_196, %dma_start3A_197] : memref<160000x128xf32, #tpu.memory_space<hbm>> -> memref<160000x128xf32, #tpu.memory_space<hbm>>
      tpu.enqueue_indirect_dma source(%dma_start3A_198 : memref<160000x128xf32, #tpu.memory_space<hbm>>) target(%arg11 : memref<80x128xf32, #tpu.memory_space<vmem>>) offsets(%dma_start3A_195 : memref<80xi32, #tpu.memory_space<vmem>>) semaphore(%arg15 : memref<!tpu.dma_semaphore, #tpu.memory_space<semaphore_mem>>)
      %dma_start3A_199 = arith.constant 1 : i32
      %dma_start3A_200 = arith.constant 0 : i32
      %dma_start3A_201 = tpu.memref_slice %arg6[%dma_start3A_199, %dma_start3A_200] : memref<3x80xi32, #tpu.memory_space<vmem>> -> memref<1x80xi32, #tpu.memory_space<vmem>>
      %dma_start3A_202 = tpu.memref_squeeze %dma_start3A_201 : memref<1x80xi32, #tpu.memory_space<vmem>> -> memref<80xi32, #tpu.memory_space<vmem>>
      %dma_start3A_203 = arith.constant 0 : i32
      %dma_start3A_204 = arith.constant 0 : i32
      %dma_start3A_205 = tpu.memref_slice %arg12[%dma_start3A_203, %dma_start3A_204] : memref<10240x128xf32, #tpu.memory_space<vmem_shared>> -> memref<10240x128xf32, #tpu.memory_space<vmem_shared>>
      tpu.enqueue_indirect_dma source(%arg9 : memref<80x128xf32, #tpu.memory_space<vmem>>) target(%dma_start3A_205 : memref<10240x128xf32, #tpu.memory_space<vmem_shared>>) offsets(%dma_start3A_202 : memref<80xi32, #tpu.memory_space<vmem>>) semaphore(%arg13 : memref<!tpu.dma_semaphore, #tpu.memory_space<semaphore_mem>>) {add = true}
      %add3A_206 = arith.constant 1 : i32
      %add3A_207 = arith.addi %add3A_175, %add3A_206 : i32
      %dma_wait3A_208 = arith.constant 0 : i32
      %dma_wait3A_209 = arith.constant 0 : i32
      %dma_wait3A_210 = tpu.memref_slice %arg7[%dma_wait3A_208, %dma_wait3A_209] : memref<3x80xi32, #tpu.memory_space<vmem>> -> memref<1x80xi32, #tpu.memory_space<vmem>>
      %dma_wait3A_211 = tpu.memref_squeeze %dma_wait3A_210 : memref<1x80xi32, #tpu.memory_space<vmem>> -> memref<80xi32, #tpu.memory_space<vmem>>
      %dma_wait3A_212 = arith.constant 0 : i32
      %dma_wait3A_213 = arith.constant 0 : i32
      %dma_wait3A_214 = tpu.memref_slice %arg2[%dma_wait3A_212, %dma_wait3A_213] : memref<160000x128xf32, #tpu.memory_space<hbm>> -> memref<160000x128xf32, #tpu.memory_space<hbm>>
      tpu.wait_indirect_dma semaphore(%arg14 : memref<!tpu.dma_semaphore, #tpu.memory_space<semaphore_mem>>) src(%dma_wait3A_214 : memref<160000x128xf32, #tpu.memory_space<hbm>>) dst(%arg10 : memref<80x128xf32, #tpu.memory_space<vmem>>)
      %dma_wait3A_215 = arith.constant 1 : i32
      %dma_wait3A_216 = arith.constant 0 : i32
      %dma_wait3A_217 = tpu.memref_slice %arg6[%dma_wait3A_215, %dma_wait3A_216] : memref<3x80xi32, #tpu.memory_space<vmem>> -> memref<1x80xi32, #tpu.memory_space<vmem>>
      %dma_wait3A_218 = tpu.memref_squeeze %dma_wait3A_217 : memref<1x80xi32, #tpu.memory_space<vmem>> -> memref<80xi32, #tpu.memory_space<vmem>>
      %dma_wait3A_219 = arith.constant 0 : i32
      %dma_wait3A_220 = arith.constant 0 : i32
      %dma_wait3A_221 = tpu.memref_slice %arg12[%dma_wait3A_219, %dma_wait3A_220] : memref<10240x128xf32, #tpu.memory_space<vmem_shared>> -> memref<10240x128xf32, #tpu.memory_space<vmem_shared>>
      tpu.wait_indirect_dma semaphore(%arg13 : memref<!tpu.dma_semaphore, #tpu.memory_space<semaphore_mem>>) src(%arg9 : memref<80x128xf32, #tpu.memory_space<vmem>>) dst(%dma_wait3A_221 : memref<10240x128xf32, #tpu.memory_space<vmem_shared>>)
      %add3A_222 = arith.constant 2 : i32
      %add3A_223 = arith.addi %add3A_207, %add3A_222 : i32
      "tpu.region"() ({
        %run_scoped3A = tpu.sem_alloc : memref<!tpu.dma_semaphore, #tpu.memory_space<semaphore_mem>>
        %dma_start3A_271 = arith.constant 0 : i32
        %dma_start3A_272 = arith.constant 0 : i32
        %dma_start3A_273 = tpu.memref_slice %arg3[%add3A_223, %dma_start3A_271, %dma_start3A_272] : memref<4000x3x80xi32, #tpu.memory_space<hbm>> -> memref<1x3x80xi32, #tpu.memory_space<hbm>>
        %dma_start3A_274 = tpu.memref_squeeze %dma_start3A_273 : memref<1x3x80xi32, #tpu.memory_space<hbm>> -> memref<3x80xi32, #tpu.memory_space<hbm>>
        %dma_start3A_275 = arith.constant 0 : i32
        %dma_start3A_276 = arith.constant 0 : i32
        %dma_start3A_277 = tpu.memref_slice %arg3[%add3A_223, %dma_start3A_275, %dma_start3A_276] : memref<4000x3x80xi32, #tpu.memory_space<hbm>> -> memref<1x3x80xi32, #tpu.memory_space<hbm>>
        %dma_start3A_278 = tpu.memref_squeeze %dma_start3A_277 : memref<1x3x80xi32, #tpu.memory_space<hbm>> -> memref<3x80xi32, #tpu.memory_space<hbm>>
        tpu.enqueue_dma source(%dma_start3A_278 : memref<3x80xi32, #tpu.memory_space<hbm>>) target(%arg6 : memref<3x80xi32, #tpu.memory_space<vmem>>) target_semaphore(%run_scoped3A : memref<!tpu.dma_semaphore, #tpu.memory_space<semaphore_mem>>)
        %dma_wait3A_279 = arith.constant 0 : i32
        %dma_wait3A_280 = arith.constant 0 : i32
        %dma_wait3A_281 = tpu.memref_slice %arg3[%add3A_223, %dma_wait3A_279, %dma_wait3A_280] : memref<4000x3x80xi32, #tpu.memory_space<hbm>> -> memref<1x3x80xi32, #tpu.memory_space<hbm>>
        %dma_wait3A_282 = tpu.memref_squeeze %dma_wait3A_281 : memref<1x3x80xi32, #tpu.memory_space<hbm>> -> memref<3x80xi32, #tpu.memory_space<hbm>>
        %dma_wait3A_283 = arith.constant 0 : i32
        %dma_wait3A_284 = arith.constant 0 : i32
        %dma_wait3A_285 = tpu.memref_slice %arg3[%add3A_223, %dma_wait3A_283, %dma_wait3A_284] : memref<4000x3x80xi32, #tpu.memory_space<hbm>> -> memref<1x3x80xi32, #tpu.memory_space<hbm>>
        %dma_wait3A_286 = tpu.memref_squeeze %dma_wait3A_285 : memref<1x3x80xi32, #tpu.memory_space<hbm>> -> memref<3x80xi32, #tpu.memory_space<hbm>>
        tpu.wait_dma2 semaphore(%run_scoped3A : memref<!tpu.dma_semaphore, #tpu.memory_space<semaphore_mem>>) src(%dma_wait3A_286 : memref<3x80xi32, #tpu.memory_space<hbm>>) dst(%arg6 : memref<3x80xi32, #tpu.memory_space<vmem>>)
        tpu.yield
      }) : () -> ()
      %dma_start3A_224 = arith.constant 0 : i32
      %dma_start3A_225 = arith.constant 0 : i32
      %dma_start3A_226 = tpu.memref_slice %arg6[%dma_start3A_224, %dma_start3A_225] : memref<3x80xi32, #tpu.memory_space<vmem>> -> memref<1x80xi32, #tpu.memory_space<vmem>>
      %dma_start3A_227 = tpu.memref_squeeze %dma_start3A_226 : memref<1x80xi32, #tpu.memory_space<vmem>> -> memref<80xi32, #tpu.memory_space<vmem>>
      %dma_start3A_228 = arith.constant 0 : i32
      %dma_start3A_229 = arith.constant 0 : i32
      %dma_start3A_230 = tpu.memref_slice %arg2[%dma_start3A_228, %dma_start3A_229] : memref<160000x128xf32, #tpu.memory_space<hbm>> -> memref<160000x128xf32, #tpu.memory_space<hbm>>
      tpu.enqueue_indirect_dma source(%dma_start3A_230 : memref<160000x128xf32, #tpu.memory_space<hbm>>) target(%arg9 : memref<80x128xf32, #tpu.memory_space<vmem>>) offsets(%dma_start3A_227 : memref<80xi32, #tpu.memory_space<vmem>>) semaphore(%arg13 : memref<!tpu.dma_semaphore, #tpu.memory_space<semaphore_mem>>)
      %dma_start3A_231 = arith.constant 1 : i32
      %dma_start3A_232 = arith.constant 0 : i32
      %dma_start3A_233 = tpu.memref_slice %arg7[%dma_start3A_231, %dma_start3A_232] : memref<3x80xi32, #tpu.memory_space<vmem>> -> memref<1x80xi32, #tpu.memory_space<vmem>>
      %dma_start3A_234 = tpu.memref_squeeze %dma_start3A_233 : memref<1x80xi32, #tpu.memory_space<vmem>> -> memref<80xi32, #tpu.memory_space<vmem>>
      %dma_start3A_235 = arith.constant 0 : i32
      %dma_start3A_236 = arith.constant 0 : i32
      %dma_start3A_237 = tpu.memref_slice %arg12[%dma_start3A_235, %dma_start3A_236] : memref<10240x128xf32, #tpu.memory_space<vmem_shared>> -> memref<10240x128xf32, #tpu.memory_space<vmem_shared>>
      tpu.enqueue_indirect_dma source(%arg10 : memref<80x128xf32, #tpu.memory_space<vmem>>) target(%dma_start3A_237 : memref<10240x128xf32, #tpu.memory_space<vmem_shared>>) offsets(%dma_start3A_234 : memref<80xi32, #tpu.memory_space<vmem>>) semaphore(%arg14 : memref<!tpu.dma_semaphore, #tpu.memory_space<semaphore_mem>>) {add = true}
      %add3A_238 = arith.constant 2 : i32
      %add3A_239 = arith.addi %add3A_175, %add3A_238 : i32
      %dma_wait3A_240 = arith.constant 0 : i32
      %dma_wait3A_241 = arith.constant 0 : i32
      %dma_wait3A_242 = tpu.memref_slice %arg8[%dma_wait3A_240, %dma_wait3A_241] : memref<3x80xi32, #tpu.memory_space<vmem>> -> memref<1x80xi32, #tpu.memory_space<vmem>>
      %dma_wait3A_243 = tpu.memref_squeeze %dma_wait3A_242 : memref<1x80xi32, #tpu.memory_space<vmem>> -> memref<80xi32, #tpu.memory_space<vmem>>
      %dma_wait3A_244 = arith.constant 0 : i32
      %dma_wait3A_245 = arith.constant 0 : i32
      %dma_wait3A_246 = tpu.memref_slice %arg2[%dma_wait3A_244, %dma_wait3A_245] : memref<160000x128xf32, #tpu.memory_space<hbm>> -> memref<160000x128xf32, #tpu.memory_space<hbm>>
      tpu.wait_indirect_dma semaphore(%arg15 : memref<!tpu.dma_semaphore, #tpu.memory_space<semaphore_mem>>) src(%dma_wait3A_246 : memref<160000x128xf32, #tpu.memory_space<hbm>>) dst(%arg11 : memref<80x128xf32, #tpu.memory_space<vmem>>)
      %dma_wait3A_247 = arith.constant 1 : i32
      %dma_wait3A_248 = arith.constant 0 : i32
      %dma_wait3A_249 = tpu.memref_slice %arg7[%dma_wait3A_247, %dma_wait3A_248] : memref<3x80xi32, #tpu.memory_space<vmem>> -> memref<1x80xi32, #tpu.memory_space<vmem>>
      %dma_wait3A_250 = tpu.memref_squeeze %dma_wait3A_249 : memref<1x80xi32, #tpu.memory_space<vmem>> -> memref<80xi32, #tpu.memory_space<vmem>>
      %dma_wait3A_251 = arith.constant 0 : i32
      %dma_wait3A_252 = arith.constant 0 : i32
      %dma_wait3A_253 = tpu.memref_slice %arg12[%dma_wait3A_251, %dma_wait3A_252] : memref<10240x128xf32, #tpu.memory_space<vmem_shared>> -> memref<10240x128xf32, #tpu.memory_space<vmem_shared>>
      tpu.wait_indirect_dma semaphore(%arg14 : memref<!tpu.dma_semaphore, #tpu.memory_space<semaphore_mem>>) src(%arg10 : memref<80x128xf32, #tpu.memory_space<vmem>>) dst(%dma_wait3A_253 : memref<10240x128xf32, #tpu.memory_space<vmem_shared>>)
      %add3A_254 = arith.constant 2 : i32
      %add3A_255 = arith.addi %add3A_239, %add3A_254 : i32
      "tpu.region"() ({
        %run_scoped3A = tpu.sem_alloc : memref<!tpu.dma_semaphore, #tpu.memory_space<semaphore_mem>>
        %dma_start3A_271 = arith.constant 0 : i32
        %dma_start3A_272 = arith.constant 0 : i32
        %dma_start3A_273 = tpu.memref_slice %arg3[%add3A_255, %dma_start3A_271, %dma_start3A_272] : memref<4000x3x80xi32, #tpu.memory_space<hbm>> -> memref<1x3x80xi32, #tpu.memory_space<hbm>>
        %dma_start3A_274 = tpu.memref_squeeze %dma_start3A_273 : memref<1x3x80xi32, #tpu.memory_space<hbm>> -> memref<3x80xi32, #tpu.memory_space<hbm>>
        %dma_start3A_275 = arith.constant 0 : i32
        %dma_start3A_276 = arith.constant 0 : i32
        %dma_start3A_277 = tpu.memref_slice %arg3[%add3A_255, %dma_start3A_275, %dma_start3A_276] : memref<4000x3x80xi32, #tpu.memory_space<hbm>> -> memref<1x3x80xi32, #tpu.memory_space<hbm>>
        %dma_start3A_278 = tpu.memref_squeeze %dma_start3A_277 : memref<1x3x80xi32, #tpu.memory_space<hbm>> -> memref<3x80xi32, #tpu.memory_space<hbm>>
        tpu.enqueue_dma source(%dma_start3A_278 : memref<3x80xi32, #tpu.memory_space<hbm>>) target(%arg7 : memref<3x80xi32, #tpu.memory_space<vmem>>) target_semaphore(%run_scoped3A : memref<!tpu.dma_semaphore, #tpu.memory_space<semaphore_mem>>)
        %dma_wait3A_279 = arith.constant 0 : i32
        %dma_wait3A_280 = arith.constant 0 : i32
        %dma_wait3A_281 = tpu.memref_slice %arg3[%add3A_255, %dma_wait3A_279, %dma_wait3A_280] : memref<4000x3x80xi32, #tpu.memory_space<hbm>> -> memref<1x3x80xi32, #tpu.memory_space<hbm>>
        %dma_wait3A_282 = tpu.memref_squeeze %dma_wait3A_281 : memref<1x3x80xi32, #tpu.memory_space<hbm>> -> memref<3x80xi32, #tpu.memory_space<hbm>>
        %dma_wait3A_283 = arith.constant 0 : i32
        %dma_wait3A_284 = arith.constant 0 : i32
        %dma_wait3A_285 = tpu.memref_slice %arg3[%add3A_255, %dma_wait3A_283, %dma_wait3A_284] : memref<4000x3x80xi32, #tpu.memory_space<hbm>> -> memref<1x3x80xi32, #tpu.memory_space<hbm>>
        %dma_wait3A_286 = tpu.memref_squeeze %dma_wait3A_285 : memref<1x3x80xi32, #tpu.memory_space<hbm>> -> memref<3x80xi32, #tpu.memory_space<hbm>>
        tpu.wait_dma2 semaphore(%run_scoped3A : memref<!tpu.dma_semaphore, #tpu.memory_space<semaphore_mem>>) src(%dma_wait3A_286 : memref<3x80xi32, #tpu.memory_space<hbm>>) dst(%arg7 : memref<3x80xi32, #tpu.memory_space<vmem>>)
        tpu.yield
      }) : () -> ()
      %dma_start3A_256 = arith.constant 0 : i32
      %dma_start3A_257 = arith.constant 0 : i32
      %dma_start3A_258 = tpu.memref_slice %arg7[%dma_start3A_256, %dma_start3A_257] : memref<3x80xi32, #tpu.memory_space<vmem>> -> memref<1x80xi32, #tpu.memory_space<vmem>>
      %dma_start3A_259 = tpu.memref_squeeze %dma_start3A_258 : memref<1x80xi32, #tpu.memory_space<vmem>> -> memref<80xi32, #tpu.memory_space<vmem>>
      %dma_start3A_260 = arith.constant 0 : i32
      %dma_start3A_261 = arith.constant 0 : i32
      %dma_start3A_262 = tpu.memref_slice %arg2[%dma_start3A_260, %dma_start3A_261] : memref<160000x128xf32, #tpu.memory_space<hbm>> -> memref<160000x128xf32, #tpu.memory_space<hbm>>
      tpu.enqueue_indirect_dma source(%dma_start3A_262 : memref<160000x128xf32, #tpu.memory_space<hbm>>) target(%arg10 : memref<80x128xf32, #tpu.memory_space<vmem>>) offsets(%dma_start3A_259 : memref<80xi32, #tpu.memory_space<vmem>>) semaphore(%arg14 : memref<!tpu.dma_semaphore, #tpu.memory_space<semaphore_mem>>)
      %dma_start3A_263 = arith.constant 1 : i32
      %dma_start3A_264 = arith.constant 0 : i32
      %dma_start3A_265 = tpu.memref_slice %arg8[%dma_start3A_263, %dma_start3A_264] : memref<3x80xi32, #tpu.memory_space<vmem>> -> memref<1x80xi32, #tpu.memory_space<vmem>>
      %dma_start3A_266 = tpu.memref_squeeze %dma_start3A_265 : memref<1x80xi32, #tpu.memory_space<vmem>> -> memref<80xi32, #tpu.memory_space<vmem>>
      %dma_start3A_267 = arith.constant 0 : i32
      %dma_start3A_268 = arith.constant 0 : i32
      %dma_start3A_269 = tpu.memref_slice %arg12[%dma_start3A_267, %dma_start3A_268] : memref<10240x128xf32, #tpu.memory_space<vmem_shared>> -> memref<10240x128xf32, #tpu.memory_space<vmem_shared>>
      tpu.enqueue_indirect_dma source(%arg11 : memref<80x128xf32, #tpu.memory_space<vmem>>) target(%dma_start3A_269 : memref<10240x128xf32, #tpu.memory_space<vmem_shared>>) offsets(%dma_start3A_266 : memref<80xi32, #tpu.memory_space<vmem>>) semaphore(%arg15 : memref<!tpu.dma_semaphore, #tpu.memory_space<semaphore_mem>>) {add = true}
      %scan3A_270 = arith.constant 0 : i32
      scf.yield %scan3A_270 : i32
    }
    %scan3A_113 = arith.constant 40 : i32
    %add3A_114 = arith.constant 125 : i32
    %add3A_115 = arith.addi %mul3A_2, %add3A_114 : i32
    %sub3A = arith.constant 2 : i32
    %sub3A_116 = arith.subi %add3A_115, %sub3A : i32
    %dma_wait3A_117 = arith.constant 0 : i32
    %dma_wait3A_118 = arith.constant 0 : i32
    %dma_wait3A_119 = tpu.memref_slice %arg6[%dma_wait3A_117, %dma_wait3A_118] : memref<3x80xi32, #tpu.memory_space<vmem>> -> memref<1x80xi32, #tpu.memory_space<vmem>>
    %dma_wait3A_120 = tpu.memref_squeeze %dma_wait3A_119 : memref<1x80xi32, #tpu.memory_space<vmem>> -> memref<80xi32, #tpu.memory_space<vmem>>
    %dma_wait3A_121 = arith.constant 0 : i32
    %dma_wait3A_122 = arith.constant 0 : i32
    %dma_wait3A_123 = tpu.memref_slice %arg2[%dma_wait3A_121, %dma_wait3A_122] : memref<160000x128xf32, #tpu.memory_space<hbm>> -> memref<160000x128xf32, #tpu.memory_space<hbm>>
    tpu.wait_indirect_dma semaphore(%arg13 : memref<!tpu.dma_semaphore, #tpu.memory_space<semaphore_mem>>) src(%dma_wait3A_123 : memref<160000x128xf32, #tpu.memory_space<hbm>>) dst(%arg9 : memref<80x128xf32, #tpu.memory_space<vmem>>)
    %dma_wait3A_124 = arith.constant 1 : i32
    %dma_wait3A_125 = arith.constant 0 : i32
    %dma_wait3A_126 = tpu.memref_slice %arg8[%dma_wait3A_124, %dma_wait3A_125] : memref<3x80xi32, #tpu.memory_space<vmem>> -> memref<1x80xi32, #tpu.memory_space<vmem>>
    %dma_wait3A_127 = tpu.memref_squeeze %dma_wait3A_126 : memref<1x80xi32, #tpu.memory_space<vmem>> -> memref<80xi32, #tpu.memory_space<vmem>>
    %dma_wait3A_128 = arith.constant 0 : i32
    %dma_wait3A_129 = arith.constant 0 : i32
    %dma_wait3A_130 = tpu.memref_slice %arg12[%dma_wait3A_128, %dma_wait3A_129] : memref<10240x128xf32, #tpu.memory_space<vmem_shared>> -> memref<10240x128xf32, #tpu.memory_space<vmem_shared>>
    tpu.wait_indirect_dma semaphore(%arg15 : memref<!tpu.dma_semaphore, #tpu.memory_space<semaphore_mem>>) src(%arg11 : memref<80x128xf32, #tpu.memory_space<vmem>>) dst(%dma_wait3A_130 : memref<10240x128xf32, #tpu.memory_space<vmem_shared>>)
    %dma_start3A_131 = arith.constant 1 : i32
    %dma_start3A_132 = arith.constant 0 : i32
    %dma_start3A_133 = tpu.memref_slice %arg6[%dma_start3A_131, %dma_start3A_132] : memref<3x80xi32, #tpu.memory_space<vmem>> -> memref<1x80xi32, #tpu.memory_space<vmem>>
    %dma_start3A_134 = tpu.memref_squeeze %dma_start3A_133 : memref<1x80xi32, #tpu.memory_space<vmem>> -> memref<80xi32, #tpu.memory_space<vmem>>
    %dma_start3A_135 = arith.constant 0 : i32
    %dma_start3A_136 = arith.constant 0 : i32
    %dma_start3A_137 = tpu.memref_slice %arg12[%dma_start3A_135, %dma_start3A_136] : memref<10240x128xf32, #tpu.memory_space<vmem_shared>> -> memref<10240x128xf32, #tpu.memory_space<vmem_shared>>
    tpu.enqueue_indirect_dma source(%arg9 : memref<80x128xf32, #tpu.memory_space<vmem>>) target(%dma_start3A_137 : memref<10240x128xf32, #tpu.memory_space<vmem_shared>>) offsets(%dma_start3A_134 : memref<80xi32, #tpu.memory_space<vmem>>) semaphore(%arg13 : memref<!tpu.dma_semaphore, #tpu.memory_space<semaphore_mem>>) {add = true}
    %add3A_138 = arith.constant 125 : i32
    %add3A_139 = arith.addi %mul3A_2, %add3A_138 : i32
    %sub3A_140 = arith.constant 1 : i32
    %sub3A_141 = arith.subi %add3A_139, %sub3A_140 : i32
    %dma_wait3A_142 = arith.constant 0 : i32
    %dma_wait3A_143 = arith.constant 0 : i32
    %dma_wait3A_144 = tpu.memref_slice %arg7[%dma_wait3A_142, %dma_wait3A_143] : memref<3x80xi32, #tpu.memory_space<vmem>> -> memref<1x80xi32, #tpu.memory_space<vmem>>
    %dma_wait3A_145 = tpu.memref_squeeze %dma_wait3A_144 : memref<1x80xi32, #tpu.memory_space<vmem>> -> memref<80xi32, #tpu.memory_space<vmem>>
    %dma_wait3A_146 = arith.constant 0 : i32
    %dma_wait3A_147 = arith.constant 0 : i32
    %dma_wait3A_148 = tpu.memref_slice %arg2[%dma_wait3A_146, %dma_wait3A_147] : memref<160000x128xf32, #tpu.memory_space<hbm>> -> memref<160000x128xf32, #tpu.memory_space<hbm>>
    tpu.wait_indirect_dma semaphore(%arg14 : memref<!tpu.dma_semaphore, #tpu.memory_space<semaphore_mem>>) src(%dma_wait3A_148 : memref<160000x128xf32, #tpu.memory_space<hbm>>) dst(%arg10 : memref<80x128xf32, #tpu.memory_space<vmem>>)
    %dma_wait3A_149 = arith.constant 1 : i32
    %dma_wait3A_150 = arith.constant 0 : i32
    %dma_wait3A_151 = tpu.memref_slice %arg6[%dma_wait3A_149, %dma_wait3A_150] : memref<3x80xi32, #tpu.memory_space<vmem>> -> memref<1x80xi32, #tpu.memory_space<vmem>>
    %dma_wait3A_152 = tpu.memref_squeeze %dma_wait3A_151 : memref<1x80xi32, #tpu.memory_space<vmem>> -> memref<80xi32, #tpu.memory_space<vmem>>
    %dma_wait3A_153 = arith.constant 0 : i32
    %dma_wait3A_154 = arith.constant 0 : i32
    %dma_wait3A_155 = tpu.memref_slice %arg12[%dma_wait3A_153, %dma_wait3A_154] : memref<10240x128xf32, #tpu.memory_space<vmem_shared>> -> memref<10240x128xf32, #tpu.memory_space<vmem_shared>>
    tpu.wait_indirect_dma semaphore(%arg13 : memref<!tpu.dma_semaphore, #tpu.memory_space<semaphore_mem>>) src(%arg9 : memref<80x128xf32, #tpu.memory_space<vmem>>) dst(%dma_wait3A_155 : memref<10240x128xf32, #tpu.memory_space<vmem_shared>>)
    %dma_start3A_156 = arith.constant 1 : i32
    %dma_start3A_157 = arith.constant 0 : i32
    %dma_start3A_158 = tpu.memref_slice %arg7[%dma_start3A_156, %dma_start3A_157] : memref<3x80xi32, #tpu.memory_space<vmem>> -> memref<1x80xi32, #tpu.memory_space<vmem>>
    %dma_start3A_159 = tpu.memref_squeeze %dma_start3A_158 : memref<1x80xi32, #tpu.memory_space<vmem>> -> memref<80xi32, #tpu.memory_space<vmem>>
    %dma_start3A_160 = arith.constant 0 : i32
    %dma_start3A_161 = arith.constant 0 : i32
    %dma_start3A_162 = tpu.memref_slice %arg12[%dma_start3A_160, %dma_start3A_161] : memref<10240x128xf32, #tpu.memory_space<vmem_shared>> -> memref<10240x128xf32, #tpu.memory_space<vmem_shared>>
    tpu.enqueue_indirect_dma source(%arg10 : memref<80x128xf32, #tpu.memory_space<vmem>>) target(%dma_start3A_162 : memref<10240x128xf32, #tpu.memory_space<vmem_shared>>) offsets(%dma_start3A_159 : memref<80xi32, #tpu.memory_space<vmem>>) semaphore(%arg14 : memref<!tpu.dma_semaphore, #tpu.memory_space<semaphore_mem>>) {add = true}
    %dma_wait3A_163 = arith.constant 1 : i32
    %dma_wait3A_164 = arith.constant 0 : i32
    %dma_wait3A_165 = tpu.memref_slice %arg7[%dma_wait3A_163, %dma_wait3A_164] : memref<3x80xi32, #tpu.memory_space<vmem>> -> memref<1x80xi32, #tpu.memory_space<vmem>>
    %dma_wait3A_166 = tpu.memref_squeeze %dma_wait3A_165 : memref<1x80xi32, #tpu.memory_space<vmem>> -> memref<80xi32, #tpu.memory_space<vmem>>
    %dma_wait3A_167 = arith.constant 0 : i32
    %dma_wait3A_168 = arith.constant 0 : i32
    %dma_wait3A_169 = tpu.memref_slice %arg12[%dma_wait3A_167, %dma_wait3A_168] : memref<10240x128xf32, #tpu.memory_space<vmem_shared>> -> memref<10240x128xf32, #tpu.memory_space<vmem_shared>>
    tpu.wait_indirect_dma semaphore(%arg14 : memref<!tpu.dma_semaphore, #tpu.memory_space<semaphore_mem>>) src(%arg10 : memref<80x128xf32, #tpu.memory_space<vmem>>) dst(%dma_wait3A_169 : memref<10240x128xf32, #tpu.memory_space<vmem_shared>>)
    %barrier3A_170 = arith.constant 0 : index
    tpu.barrier barrier_id(%barrier3A_170)
    "tpu.region"() ({
      %run_scoped3A = tpu.sem_alloc : memref<!tpu.dma_semaphore, #tpu.memory_space<semaphore_mem>>
      %dma_start3A_171 = arith.constant 0 : i32
      %dma_start3A_172 = tpu.memref_slice %arg5[%arg0, %mul3A_4, %dma_start3A_171] : memref<2x10240x128xf32, #tpu.memory_space<hbm>> -> memref<1x640x128xf32, #tpu.memory_space<hbm>>
      %dma_start3A_173 = tpu.memref_squeeze %dma_start3A_172 : memref<1x640x128xf32, #tpu.memory_space<hbm>> -> memref<640x128xf32, #tpu.memory_space<hbm>>
      %dma_start3A_174 = arith.constant 0 : i32
      %dma_start3A_175 = tpu.memref_slice %arg12[%mul3A_4, %dma_start3A_174] : memref<10240x128xf32, #tpu.memory_space<vmem_shared>> -> memref<640x128xf32, #tpu.memory_space<vmem_shared>>
      tpu.enqueue_dma source(%dma_start3A_175 : memref<640x128xf32, #tpu.memory_space<vmem_shared>>) target(%dma_start3A_173 : memref<640x128xf32, #tpu.memory_space<hbm>>) target_semaphore(%run_scoped3A : memref<!tpu.dma_semaphore, #tpu.memory_space<semaphore_mem>>)
      %dma_wait3A_176 = arith.constant 0 : i32
      %dma_wait3A_177 = tpu.memref_slice %arg5[%arg0, %mul3A_4, %dma_wait3A_176] : memref<2x10240x128xf32, #tpu.memory_space<hbm>> -> memref<1x640x128xf32, #tpu.memory_space<hbm>>
      %dma_wait3A_178 = tpu.memref_squeeze %dma_wait3A_177 : memref<1x640x128xf32, #tpu.memory_space<hbm>> -> memref<640x128xf32, #tpu.memory_space<hbm>>
      %dma_wait3A_179 = arith.constant 0 : i32
      %dma_wait3A_180 = tpu.memref_slice %arg12[%mul3A_4, %dma_wait3A_179] : memref<10240x128xf32, #tpu.memory_space<vmem_shared>> -> memref<640x128xf32, #tpu.memory_space<vmem_shared>>
      tpu.wait_dma2 semaphore(%run_scoped3A : memref<!tpu.dma_semaphore, #tpu.memory_space<semaphore_mem>>) src(%dma_wait3A_180 : memref<640x128xf32, #tpu.memory_space<vmem_shared>>) dst(%dma_wait3A_178 : memref<640x128xf32, #tpu.memory_space<hbm>>)
      tpu.yield
    }) : () -> ()
    return
  }
}

module attributes {stable_mosaic.version = 14 : i64} {
  func.func @_prep_body(%arg0: i32, %arg1: memref<1000x20xi32, #tpu.memory_space<vmem>>, %arg2: memref<320x128xf32, #tpu.memory_space<vmem>>, %arg3: memref<1x128xf32, #tpu.memory_space<vmem>>, %arg4: memref<16x128x128xf32, #tpu.memory_space<vmem>>, %arg5: memref<128x128xf32, #tpu.memory_space<vmem>>, %arg6: memref<1x128xf32, #tpu.memory_space<vmem>>, %arg7: memref<32x1000xi32, #tpu.memory_space<vmem>>, %arg8: memref<32x1000xi32, #tpu.memory_space<vmem>>, %arg9: memref<16x1000x128xf32, #tpu.memory_space<vmem>>, %arg10: memref<1000x128xf32, #tpu.memory_space<vmem>>, %arg11: memref<32x1000xi32, #tpu.memory_space<vmem>>, %arg12: memref<1000x320xf32, #tpu.memory_space<vmem>>) attributes {dimension_semantics = [#tpu.dimension_semantics<arbitrary>], iteration_bounds = array<i64: 10>, scalar_prefetch = 0 : i64, scratch_operands = 1 : i64, tpu.core_type = #tpu.core_type<tc>, window_params = [{transform_indices = @transform_0, window_bounds = array<i64: 1000, 20>}, {pipeline_mode = #tpu.pipeline_mode<synchronous>, transform_indices = @transform_1, window_bounds = array<i64: 320, 128>}, {pipeline_mode = #tpu.pipeline_mode<synchronous>, transform_indices = @transform_2, window_bounds = array<i64: 1, 128>}, {pipeline_mode = #tpu.pipeline_mode<synchronous>, transform_indices = @transform_3, window_bounds = array<i64: 16, 128, 128>}, {pipeline_mode = #tpu.pipeline_mode<synchronous>, transform_indices = @transform_4, window_bounds = array<i64: 128, 128>}, {pipeline_mode = #tpu.pipeline_mode<synchronous>, transform_indices = @transform_5, window_bounds = array<i64: 1, 128>}, {transform_indices = @transform_6, window_bounds = array<i64: 32, 1000>}, {transform_indices = @transform_7, window_bounds = array<i64: 32, 1000>}, {transform_indices = @transform_8, window_bounds = array<i64: 16, 1000, 128>}, {transform_indices = @transform_9, window_bounds = array<i64: 1000, 128>}, {transform_indices = @transform_10, window_bounds = array<i64: 32, 1000>}]} {
    %get3A = arith.constant 0 : index
    %get3A_0 = arith.constant 0 : index
    %get3A_1 = vector.load %arg1[%get3A, %get3A_0] : memref<1000x20xi32, #tpu.memory_space<vmem>>, vector<1000x20xi32>
    %slice3A = vector.extract_strided_slice %get3A_1 {offsets = [0, 0], sizes = [1000, 1], strides = [1, 1]} : vector<1000x20xi32> to vector<1000x1xi32>
    %iota3A = tpu.iota {dimensions = array<i32: 1>} : vector<1000x16xi32>
    %eq3A = vector.broadcast %slice3A : vector<1000x1xi32> to vector<1000x16xi32>
    %eq3A_2 = arith.cmpi eq, %eq3A, %iota3A : vector<1000x16xi32>
    %convert_element_type3A = arith.extui %eq3A_2 : vector<1000x16xi1> to vector<1000x16xi32>
    %convert_element_type3A_3 = arith.sitofp %convert_element_type3A : vector<1000x16xi32> to vector<1000x16xf32>
    %swap3A = arith.constant 0 : index
    %swap3A_4 = arith.constant 0 : index
    %swap3A_5 = vector.load %arg12[%swap3A, %swap3A_4] : memref<1000x320xf32, #tpu.memory_space<vmem>>, vector<1000x16xf32>
    tpu.vector_store %arg12[%swap3A, %swap3A_4], %convert_element_type3A_3 {strides = array<i32>} : memref<1000x320xf32, #tpu.memory_space<vmem>>, vector<1000x16xf32>,
    %slice3A_6 = vector.extract_strided_slice %get3A_1 {offsets = [0, 1], sizes = [1000, 1], strides = [1, 1]} : vector<1000x20xi32> to vector<1000x1xi32>
    %iota3A_7 = tpu.iota {dimensions = array<i32: 1>} : vector<1000x16xi32>
    %eq3A_8 = vector.broadcast %slice3A_6 : vector<1000x1xi32> to vector<1000x16xi32>
    %eq3A_9 = arith.cmpi eq, %eq3A_8, %iota3A_7 : vector<1000x16xi32>
    %convert_element_type3A_10 = arith.extui %eq3A_9 : vector<1000x16xi1> to vector<1000x16xi32>
    %convert_element_type3A_11 = arith.sitofp %convert_element_type3A_10 : vector<1000x16xi32> to vector<1000x16xf32>
    %swap3A_12 = arith.constant 0 : index
    %swap3A_13 = arith.constant 16 : index
    %swap3A_14 = vector.load %arg12[%swap3A_12, %swap3A_13] : memref<1000x320xf32, #tpu.memory_space<vmem>>, vector<1000x16xf32>
    tpu.vector_store %arg12[%swap3A_12, %swap3A_13], %convert_element_type3A_11 {strides = array<i32>} : memref<1000x320xf32, #tpu.memory_space<vmem>>, vector<1000x16xf32>,
    %slice3A_15 = vector.extract_strided_slice %get3A_1 {offsets = [0, 2], sizes = [1000, 1], strides = [1, 1]} : vector<1000x20xi32> to vector<1000x1xi32>
    %iota3A_16 = tpu.iota {dimensions = array<i32: 1>} : vector<1000x16xi32>
    %eq3A_17 = vector.broadcast %slice3A_15 : vector<1000x1xi32> to vector<1000x16xi32>
    %eq3A_18 = arith.cmpi eq, %eq3A_17, %iota3A_16 : vector<1000x16xi32>
    %convert_element_type3A_19 = arith.extui %eq3A_18 : vector<1000x16xi1> to vector<1000x16xi32>
    %convert_element_type3A_20 = arith.sitofp %convert_element_type3A_19 : vector<1000x16xi32> to vector<1000x16xf32>
    %swap3A_21 = arith.constant 0 : index
    %swap3A_22 = arith.constant 32 : index
    %swap3A_23 = vector.load %arg12[%swap3A_21, %swap3A_22] : memref<1000x320xf32, #tpu.memory_space<vmem>>, vector<1000x16xf32>
    tpu.vector_store %arg12[%swap3A_21, %swap3A_22], %convert_element_type3A_20 {strides = array<i32>} : memref<1000x320xf32, #tpu.memory_space<vmem>>, vector<1000x16xf32>,
    %slice3A_24 = vector.extract_strided_slice %get3A_1 {offsets = [0, 3], sizes = [1000, 1], strides = [1, 1]} : vector<1000x20xi32> to vector<1000x1xi32>
    %iota3A_25 = tpu.iota {dimensions = array<i32: 1>} : vector<1000x16xi32>
    %eq3A_26 = vector.broadcast %slice3A_24 : vector<1000x1xi32> to vector<1000x16xi32>
    %eq3A_27 = arith.cmpi eq, %eq3A_26, %iota3A_25 : vector<1000x16xi32>
    %convert_element_type3A_28 = arith.extui %eq3A_27 : vector<1000x16xi1> to vector<1000x16xi32>
    %convert_element_type3A_29 = arith.sitofp %convert_element_type3A_28 : vector<1000x16xi32> to vector<1000x16xf32>
    %swap3A_30 = arith.constant 0 : index
    %swap3A_31 = arith.constant 48 : index
    %swap3A_32 = vector.load %arg12[%swap3A_30, %swap3A_31] : memref<1000x320xf32, #tpu.memory_space<vmem>>, vector<1000x16xf32>
    tpu.vector_store %arg12[%swap3A_30, %swap3A_31], %convert_element_type3A_29 {strides = array<i32>} : memref<1000x320xf32, #tpu.memory_space<vmem>>, vector<1000x16xf32>,
    %slice3A_33 = vector.extract_strided_slice %get3A_1 {offsets = [0, 4], sizes = [1000, 1], strides = [1, 1]} : vector<1000x20xi32> to vector<1000x1xi32>
    %iota3A_34 = tpu.iota {dimensions = array<i32: 1>} : vector<1000x16xi32>
    %eq3A_35 = vector.broadcast %slice3A_33 : vector<1000x1xi32> to vector<1000x16xi32>
    %eq3A_36 = arith.cmpi eq, %eq3A_35, %iota3A_34 : vector<1000x16xi32>
    %convert_element_type3A_37 = arith.extui %eq3A_36 : vector<1000x16xi1> to vector<1000x16xi32>
    %convert_element_type3A_38 = arith.sitofp %convert_element_type3A_37 : vector<1000x16xi32> to vector<1000x16xf32>
    %swap3A_39 = arith.constant 0 : index
    %swap3A_40 = arith.constant 64 : index
    %swap3A_41 = vector.load %arg12[%swap3A_39, %swap3A_40] : memref<1000x320xf32, #tpu.memory_space<vmem>>, vector<1000x16xf32>
    tpu.vector_store %arg12[%swap3A_39, %swap3A_40], %convert_element_type3A_38 {strides = array<i32>} : memref<1000x320xf32, #tpu.memory_space<vmem>>, vector<1000x16xf32>,
    %slice3A_42 = vector.extract_strided_slice %get3A_1 {offsets = [0, 5], sizes = [1000, 1], strides = [1, 1]} : vector<1000x20xi32> to vector<1000x1xi32>
    %iota3A_43 = tpu.iota {dimensions = array<i32: 1>} : vector<1000x16xi32>
    %eq3A_44 = vector.broadcast %slice3A_42 : vector<1000x1xi32> to vector<1000x16xi32>
    %eq3A_45 = arith.cmpi eq, %eq3A_44, %iota3A_43 : vector<1000x16xi32>
    %convert_element_type3A_46 = arith.extui %eq3A_45 : vector<1000x16xi1> to vector<1000x16xi32>
    %convert_element_type3A_47 = arith.sitofp %convert_element_type3A_46 : vector<1000x16xi32> to vector<1000x16xf32>
    %swap3A_48 = arith.constant 0 : index
    %swap3A_49 = arith.constant 80 : index
    %swap3A_50 = vector.load %arg12[%swap3A_48, %swap3A_49] : memref<1000x320xf32, #tpu.memory_space<vmem>>, vector<1000x16xf32>
    tpu.vector_store %arg12[%swap3A_48, %swap3A_49], %convert_element_type3A_47 {strides = array<i32>} : memref<1000x320xf32, #tpu.memory_space<vmem>>, vector<1000x16xf32>,
    %slice3A_51 = vector.extract_strided_slice %get3A_1 {offsets = [0, 6], sizes = [1000, 1], strides = [1, 1]} : vector<1000x20xi32> to vector<1000x1xi32>
    %iota3A_52 = tpu.iota {dimensions = array<i32: 1>} : vector<1000x16xi32>
    %eq3A_53 = vector.broadcast %slice3A_51 : vector<1000x1xi32> to vector<1000x16xi32>
    %eq3A_54 = arith.cmpi eq, %eq3A_53, %iota3A_52 : vector<1000x16xi32>
    %convert_element_type3A_55 = arith.extui %eq3A_54 : vector<1000x16xi1> to vector<1000x16xi32>
    %convert_element_type3A_56 = arith.sitofp %convert_element_type3A_55 : vector<1000x16xi32> to vector<1000x16xf32>
    %swap3A_57 = arith.constant 0 : index
    %swap3A_58 = arith.constant 96 : index
    %swap3A_59 = vector.load %arg12[%swap3A_57, %swap3A_58] : memref<1000x320xf32, #tpu.memory_space<vmem>>, vector<1000x16xf32>
    tpu.vector_store %arg12[%swap3A_57, %swap3A_58], %convert_element_type3A_56 {strides = array<i32>} : memref<1000x320xf32, #tpu.memory_space<vmem>>, vector<1000x16xf32>,
    %slice3A_60 = vector.extract_strided_slice %get3A_1 {offsets = [0, 7], sizes = [1000, 1], strides = [1, 1]} : vector<1000x20xi32> to vector<1000x1xi32>
    %iota3A_61 = tpu.iota {dimensions = array<i32: 1>} : vector<1000x16xi32>
    %eq3A_62 = vector.broadcast %slice3A_60 : vector<1000x1xi32> to vector<1000x16xi32>
    %eq3A_63 = arith.cmpi eq, %eq3A_62, %iota3A_61 : vector<1000x16xi32>
    %convert_element_type3A_64 = arith.extui %eq3A_63 : vector<1000x16xi1> to vector<1000x16xi32>
    %convert_element_type3A_65 = arith.sitofp %convert_element_type3A_64 : vector<1000x16xi32> to vector<1000x16xf32>
    %swap3A_66 = arith.constant 0 : index
    %swap3A_67 = arith.constant 112 : index
    %swap3A_68 = vector.load %arg12[%swap3A_66, %swap3A_67] : memref<1000x320xf32, #tpu.memory_space<vmem>>, vector<1000x16xf32>
    tpu.vector_store %arg12[%swap3A_66, %swap3A_67], %convert_element_type3A_65 {strides = array<i32>} : memref<1000x320xf32, #tpu.memory_space<vmem>>, vector<1000x16xf32>,
    %slice3A_69 = vector.extract_strided_slice %get3A_1 {offsets = [0, 8], sizes = [1000, 1], strides = [1, 1]} : vector<1000x20xi32> to vector<1000x1xi32>
    %iota3A_70 = tpu.iota {dimensions = array<i32: 1>} : vector<1000x16xi32>
    %eq3A_71 = vector.broadcast %slice3A_69 : vector<1000x1xi32> to vector<1000x16xi32>
    %eq3A_72 = arith.cmpi eq, %eq3A_71, %iota3A_70 : vector<1000x16xi32>
    %convert_element_type3A_73 = arith.extui %eq3A_72 : vector<1000x16xi1> to vector<1000x16xi32>
    %convert_element_type3A_74 = arith.sitofp %convert_element_type3A_73 : vector<1000x16xi32> to vector<1000x16xf32>
    %swap3A_75 = arith.constant 0 : index
    %swap3A_76 = arith.constant 128 : index
    %swap3A_77 = vector.load %arg12[%swap3A_75, %swap3A_76] : memref<1000x320xf32, #tpu.memory_space<vmem>>, vector<1000x16xf32>
    tpu.vector_store %arg12[%swap3A_75, %swap3A_76], %convert_element_type3A_74 {strides = array<i32>} : memref<1000x320xf32, #tpu.memory_space<vmem>>, vector<1000x16xf32>,
    %slice3A_78 = vector.extract_strided_slice %get3A_1 {offsets = [0, 9], sizes = [1000, 1], strides = [1, 1]} : vector<1000x20xi32> to vector<1000x1xi32>
    %iota3A_79 = tpu.iota {dimensions = array<i32: 1>} : vector<1000x16xi32>
    %eq3A_80 = vector.broadcast %slice3A_78 : vector<1000x1xi32> to vector<1000x16xi32>
    %eq3A_81 = arith.cmpi eq, %eq3A_80, %iota3A_79 : vector<1000x16xi32>
    %convert_element_type3A_82 = arith.extui %eq3A_81 : vector<1000x16xi1> to vector<1000x16xi32>
    %convert_element_type3A_83 = arith.sitofp %convert_element_type3A_82 : vector<1000x16xi32> to vector<1000x16xf32>
    %swap3A_84 = arith.constant 0 : index
    %swap3A_85 = arith.constant 144 : index
    %swap3A_86 = vector.load %arg12[%swap3A_84, %swap3A_85] : memref<1000x320xf32, #tpu.memory_space<vmem>>, vector<1000x16xf32>
    tpu.vector_store %arg12[%swap3A_84, %swap3A_85], %convert_element_type3A_83 {strides = array<i32>} : memref<1000x320xf32, #tpu.memory_space<vmem>>, vector<1000x16xf32>,
    %slice3A_87 = vector.extract_strided_slice %get3A_1 {offsets = [0, 10], sizes = [1000, 1], strides = [1, 1]} : vector<1000x20xi32> to vector<1000x1xi32>
    %iota3A_88 = tpu.iota {dimensions = array<i32: 1>} : vector<1000x16xi32>
    %eq3A_89 = vector.broadcast %slice3A_87 : vector<1000x1xi32> to vector<1000x16xi32>
    %eq3A_90 = arith.cmpi eq, %eq3A_89, %iota3A_88 : vector<1000x16xi32>
    %convert_element_type3A_91 = arith.extui %eq3A_90 : vector<1000x16xi1> to vector<1000x16xi32>
    %convert_element_type3A_92 = arith.sitofp %convert_element_type3A_91 : vector<1000x16xi32> to vector<1000x16xf32>
    %swap3A_93 = arith.constant 0 : index
    %swap3A_94 = arith.constant 160 : index
    %swap3A_95 = vector.load %arg12[%swap3A_93, %swap3A_94] : memref<1000x320xf32, #tpu.memory_space<vmem>>, vector<1000x16xf32>
    tpu.vector_store %arg12[%swap3A_93, %swap3A_94], %convert_element_type3A_92 {strides = array<i32>} : memref<1000x320xf32, #tpu.memory_space<vmem>>, vector<1000x16xf32>,
    %slice3A_96 = vector.extract_strided_slice %get3A_1 {offsets = [0, 11], sizes = [1000, 1], strides = [1, 1]} : vector<1000x20xi32> to vector<1000x1xi32>
    %iota3A_97 = tpu.iota {dimensions = array<i32: 1>} : vector<1000x16xi32>
    %eq3A_98 = vector.broadcast %slice3A_96 : vector<1000x1xi32> to vector<1000x16xi32>
    %eq3A_99 = arith.cmpi eq, %eq3A_98, %iota3A_97 : vector<1000x16xi32>
    %convert_element_type3A_100 = arith.extui %eq3A_99 : vector<1000x16xi1> to vector<1000x16xi32>
    %convert_element_type3A_101 = arith.sitofp %convert_element_type3A_100 : vector<1000x16xi32> to vector<1000x16xf32>
    %swap3A_102 = arith.constant 0 : index
    %swap3A_103 = arith.constant 176 : index
    %swap3A_104 = vector.load %arg12[%swap3A_102, %swap3A_103] : memref<1000x320xf32, #tpu.memory_space<vmem>>, vector<1000x16xf32>
    tpu.vector_store %arg12[%swap3A_102, %swap3A_103], %convert_element_type3A_101 {strides = array<i32>} : memref<1000x320xf32, #tpu.memory_space<vmem>>, vector<1000x16xf32>,
    %slice3A_105 = vector.extract_strided_slice %get3A_1 {offsets = [0, 12], sizes = [1000, 1], strides = [1, 1]} : vector<1000x20xi32> to vector<1000x1xi32>
    %iota3A_106 = tpu.iota {dimensions = array<i32: 1>} : vector<1000x16xi32>
    %eq3A_107 = vector.broadcast %slice3A_105 : vector<1000x1xi32> to vector<1000x16xi32>
    %eq3A_108 = arith.cmpi eq, %eq3A_107, %iota3A_106 : vector<1000x16xi32>
    %convert_element_type3A_109 = arith.extui %eq3A_108 : vector<1000x16xi1> to vector<1000x16xi32>
    %convert_element_type3A_110 = arith.sitofp %convert_element_type3A_109 : vector<1000x16xi32> to vector<1000x16xf32>
    %swap3A_111 = arith.constant 0 : index
    %swap3A_112 = arith.constant 192 : index
    %swap3A_113 = vector.load %arg12[%swap3A_111, %swap3A_112] : memref<1000x320xf32, #tpu.memory_space<vmem>>, vector<1000x16xf32>
    tpu.vector_store %arg12[%swap3A_111, %swap3A_112], %convert_element_type3A_110 {strides = array<i32>} : memref<1000x320xf32, #tpu.memory_space<vmem>>, vector<1000x16xf32>,
    %slice3A_114 = vector.extract_strided_slice %get3A_1 {offsets = [0, 13], sizes = [1000, 1], strides = [1, 1]} : vector<1000x20xi32> to vector<1000x1xi32>
    %iota3A_115 = tpu.iota {dimensions = array<i32: 1>} : vector<1000x16xi32>
    %eq3A_116 = vector.broadcast %slice3A_114 : vector<1000x1xi32> to vector<1000x16xi32>
    %eq3A_117 = arith.cmpi eq, %eq3A_116, %iota3A_115 : vector<1000x16xi32>
    %convert_element_type3A_118 = arith.extui %eq3A_117 : vector<1000x16xi1> to vector<1000x16xi32>
    %convert_element_type3A_119 = arith.sitofp %convert_element_type3A_118 : vector<1000x16xi32> to vector<1000x16xf32>
    %swap3A_120 = arith.constant 0 : index
    %swap3A_121 = arith.constant 208 : index
    %swap3A_122 = vector.load %arg12[%swap3A_120, %swap3A_121] : memref<1000x320xf32, #tpu.memory_space<vmem>>, vector<1000x16xf32>
    tpu.vector_store %arg12[%swap3A_120, %swap3A_121], %convert_element_type3A_119 {strides = array<i32>} : memref<1000x320xf32, #tpu.memory_space<vmem>>, vector<1000x16xf32>,
    %slice3A_123 = vector.extract_strided_slice %get3A_1 {offsets = [0, 14], sizes = [1000, 1], strides = [1, 1]} : vector<1000x20xi32> to vector<1000x1xi32>
    %iota3A_124 = tpu.iota {dimensions = array<i32: 1>} : vector<1000x16xi32>
    %eq3A_125 = vector.broadcast %slice3A_123 : vector<1000x1xi32> to vector<1000x16xi32>
    %eq3A_126 = arith.cmpi eq, %eq3A_125, %iota3A_124 : vector<1000x16xi32>
    %convert_element_type3A_127 = arith.extui %eq3A_126 : vector<1000x16xi1> to vector<1000x16xi32>
    %convert_element_type3A_128 = arith.sitofp %convert_element_type3A_127 : vector<1000x16xi32> to vector<1000x16xf32>
    %swap3A_129 = arith.constant 0 : index
    %swap3A_130 = arith.constant 224 : index
    %swap3A_131 = vector.load %arg12[%swap3A_129, %swap3A_130] : memref<1000x320xf32, #tpu.memory_space<vmem>>, vector<1000x16xf32>
    tpu.vector_store %arg12[%swap3A_129, %swap3A_130], %convert_element_type3A_128 {strides = array<i32>} : memref<1000x320xf32, #tpu.memory_space<vmem>>, vector<1000x16xf32>,
    %slice3A_132 = vector.extract_strided_slice %get3A_1 {offsets = [0, 15], sizes = [1000, 1], strides = [1, 1]} : vector<1000x20xi32> to vector<1000x1xi32>
    %iota3A_133 = tpu.iota {dimensions = array<i32: 1>} : vector<1000x16xi32>
    %eq3A_134 = vector.broadcast %slice3A_132 : vector<1000x1xi32> to vector<1000x16xi32>
    %eq3A_135 = arith.cmpi eq, %eq3A_134, %iota3A_133 : vector<1000x16xi32>
    %convert_element_type3A_136 = arith.extui %eq3A_135 : vector<1000x16xi1> to vector<1000x16xi32>
    %convert_element_type3A_137 = arith.sitofp %convert_element_type3A_136 : vector<1000x16xi32> to vector<1000x16xf32>
    %swap3A_138 = arith.constant 0 : index
    %swap3A_139 = arith.constant 240 : index
    %swap3A_140 = vector.load %arg12[%swap3A_138, %swap3A_139] : memref<1000x320xf32, #tpu.memory_space<vmem>>, vector<1000x16xf32>
    tpu.vector_store %arg12[%swap3A_138, %swap3A_139], %convert_element_type3A_137 {strides = array<i32>} : memref<1000x320xf32, #tpu.memory_space<vmem>>, vector<1000x16xf32>,
    %slice3A_141 = vector.extract_strided_slice %get3A_1 {offsets = [0, 16], sizes = [1000, 1], strides = [1, 1]} : vector<1000x20xi32> to vector<1000x1xi32>
    %iota3A_142 = tpu.iota {dimensions = array<i32: 1>} : vector<1000x16xi32>
    %eq3A_143 = vector.broadcast %slice3A_141 : vector<1000x1xi32> to vector<1000x16xi32>
    %eq3A_144 = arith.cmpi eq, %eq3A_143, %iota3A_142 : vector<1000x16xi32>
    %convert_element_type3A_145 = arith.extui %eq3A_144 : vector<1000x16xi1> to vector<1000x16xi32>
    %convert_element_type3A_146 = arith.sitofp %convert_element_type3A_145 : vector<1000x16xi32> to vector<1000x16xf32>
    %swap3A_147 = arith.constant 0 : index
    %swap3A_148 = arith.constant 256 : index
    %swap3A_149 = vector.load %arg12[%swap3A_147, %swap3A_148] : memref<1000x320xf32, #tpu.memory_space<vmem>>, vector<1000x16xf32>
    tpu.vector_store %arg12[%swap3A_147, %swap3A_148], %convert_element_type3A_146 {strides = array<i32>} : memref<1000x320xf32, #tpu.memory_space<vmem>>, vector<1000x16xf32>,
    %slice3A_150 = vector.extract_strided_slice %get3A_1 {offsets = [0, 17], sizes = [1000, 1], strides = [1, 1]} : vector<1000x20xi32> to vector<1000x1xi32>
    %iota3A_151 = tpu.iota {dimensions = array<i32: 1>} : vector<1000x16xi32>
    %eq3A_152 = vector.broadcast %slice3A_150 : vector<1000x1xi32> to vector<1000x16xi32>
    %eq3A_153 = arith.cmpi eq, %eq3A_152, %iota3A_151 : vector<1000x16xi32>
    %convert_element_type3A_154 = arith.extui %eq3A_153 : vector<1000x16xi1> to vector<1000x16xi32>
    %convert_element_type3A_155 = arith.sitofp %convert_element_type3A_154 : vector<1000x16xi32> to vector<1000x16xf32>
    %swap3A_156 = arith.constant 0 : index
    %swap3A_157 = arith.constant 272 : index
    %swap3A_158 = vector.load %arg12[%swap3A_156, %swap3A_157] : memref<1000x320xf32, #tpu.memory_space<vmem>>, vector<1000x16xf32>
    tpu.vector_store %arg12[%swap3A_156, %swap3A_157], %convert_element_type3A_155 {strides = array<i32>} : memref<1000x320xf32, #tpu.memory_space<vmem>>, vector<1000x16xf32>,
    %slice3A_159 = vector.extract_strided_slice %get3A_1 {offsets = [0, 18], sizes = [1000, 1], strides = [1, 1]} : vector<1000x20xi32> to vector<1000x1xi32>
    %iota3A_160 = tpu.iota {dimensions = array<i32: 1>} : vector<1000x16xi32>
    %eq3A_161 = vector.broadcast %slice3A_159 : vector<1000x1xi32> to vector<1000x16xi32>
    %eq3A_162 = arith.cmpi eq, %eq3A_161, %iota3A_160 : vector<1000x16xi32>
    %convert_element_type3A_163 = arith.extui %eq3A_162 : vector<1000x16xi1> to vector<1000x16xi32>
    %convert_element_type3A_164 = arith.sitofp %convert_element_type3A_163 : vector<1000x16xi32> to vector<1000x16xf32>
    %swap3A_165 = arith.constant 0 : index
    %swap3A_166 = arith.constant 288 : index
    %swap3A_167 = vector.load %arg12[%swap3A_165, %swap3A_166] : memref<1000x320xf32, #tpu.memory_space<vmem>>, vector<1000x16xf32>
    tpu.vector_store %arg12[%swap3A_165, %swap3A_166], %convert_element_type3A_164 {strides = array<i32>} : memref<1000x320xf32, #tpu.memory_space<vmem>>, vector<1000x16xf32>,
    %slice3A_168 = vector.extract_strided_slice %get3A_1 {offsets = [0, 19], sizes = [1000, 1], strides = [1, 1]} : vector<1000x20xi32> to vector<1000x1xi32>
    %iota3A_169 = tpu.iota {dimensions = array<i32: 1>} : vector<1000x16xi32>
    %eq3A_170 = vector.broadcast %slice3A_168 : vector<1000x1xi32> to vector<1000x16xi32>
    %eq3A_171 = arith.cmpi eq, %eq3A_170, %iota3A_169 : vector<1000x16xi32>
    %convert_element_type3A_172 = arith.extui %eq3A_171 : vector<1000x16xi1> to vector<1000x16xi32>
    %convert_element_type3A_173 = arith.sitofp %convert_element_type3A_172 : vector<1000x16xi32> to vector<1000x16xf32>
    %swap3A_174 = arith.constant 0 : index
    %swap3A_175 = arith.constant 304 : index
    %swap3A_176 = vector.load %arg12[%swap3A_174, %swap3A_175] : memref<1000x320xf32, #tpu.memory_space<vmem>>, vector<1000x16xf32>
    tpu.vector_store %arg12[%swap3A_174, %swap3A_175], %convert_element_type3A_173 {strides = array<i32>} : memref<1000x320xf32, #tpu.memory_space<vmem>>, vector<1000x16xf32>,
    %get3A_177 = arith.constant 0 : index
    %get3A_178 = arith.constant 0 : index
    %get3A_179 = vector.load %arg12[%get3A_177, %get3A_178] : memref<1000x320xf32, #tpu.memory_space<vmem>>, vector<1000x320xf32>
    %get3A_180 = arith.constant 0 : index
    %get3A_181 = arith.constant 0 : index
    %get3A_182 = vector.load %arg2[%get3A_180, %get3A_181] : memref<320x128xf32, #tpu.memory_space<vmem>>, vector<320x128xf32>
    %dot_general3A = arith.constant dense<0.000000e+00> : vector<1000x128xf32>
    %dot_general3A_183 = tpu.matmul %get3A_179, %get3A_182, %dot_general3A {dimension_numbers = #tpu.dot_dimension_numbers<[1], [0], [0], [1], [0, 0, 1, 1], [], []>, transpose_lhs_hint = false} : vector<1000x320xf32>, vector<320x128xf32>, vector<1000x128xf32> -> vector<1000x128xf32>
    %get3A_184 = arith.constant 0 : index
    %get3A_185 = arith.constant 0 : index
    %get3A_186 = vector.load %arg3[%get3A_184, %get3A_185] : memref<1x128xf32, #tpu.memory_space<vmem>>, vector<1x128xf32>
    %add3A = vector.broadcast %get3A_186 : vector<1x128xf32> to vector<1000x128xf32>
    %add3A_187 = arith.addf %dot_general3A_183, %add3A : vector<1000x128xf32>
    %get3A_188 = arith.constant 0 : index
    %get3A_189 = arith.constant 0 : index
    %get3A_190 = arith.constant 0 : index
    %get3A_191 = vector.load %arg4[%get3A_188, %get3A_189, %get3A_190] : memref<16x128x128xf32, #tpu.memory_space<vmem>>, vector<1x128x128xf32>
    %get3A_192 = vector.shape_cast %get3A_191 : vector<1x128x128xf32> to vector<128x128xf32>
    %dot_general3A_193 = arith.constant dense<0.000000e+00> : vector<1000x128xf32>
    %dot_general3A_194 = tpu.matmul %add3A_187, %get3A_192, %dot_general3A_193 {dimension_numbers = #tpu.dot_dimension_numbers<[1], [0], [0], [1], [0, 0, 1, 1], [], []>, transpose_lhs_hint = false} : vector<1000x128xf32>, vector<128x128xf32>, vector<1000x128xf32> -> vector<1000x128xf32>
    %swap3A_195 = arith.constant 0 : index
    %swap3A_196 = arith.constant 0 : index
    %swap3A_197 = arith.constant 0 : index
    %swap3A_198 = vector.load %arg9[%swap3A_195, %swap3A_196, %swap3A_197] : memref<16x1000x128xf32, #tpu.memory_space<vmem>>, vector<1x1000x128xf32>
    %swap3A_199 = vector.shape_cast %swap3A_198 : vector<1x1000x128xf32> to vector<1000x128xf32>
    %swap3A_200 = vector.shape_cast %dot_general3A_194 : vector<1000x128xf32> to vector<1x1000x128xf32>
    tpu.vector_store %arg9[%swap3A_195, %swap3A_196, %swap3A_197], %swap3A_200 {strides = array<i32>} : memref<16x1000x128xf32, #tpu.memory_space<vmem>>, vector<1x1000x128xf32>,
    %get3A_201 = arith.constant 1 : index
    %get3A_202 = arith.constant 0 : index
    %get3A_203 = arith.constant 0 : index
    %get3A_204 = vector.load %arg4[%get3A_201, %get3A_202, %get3A_203] : memref<16x128x128xf32, #tpu.memory_space<vmem>>, vector<1x128x128xf32>
    %get3A_205 = vector.shape_cast %get3A_204 : vector<1x128x128xf32> to vector<128x128xf32>
    %dot_general3A_206 = arith.constant dense<0.000000e+00> : vector<1000x128xf32>
    %dot_general3A_207 = tpu.matmul %add3A_187, %get3A_205, %dot_general3A_206 {dimension_numbers = #tpu.dot_dimension_numbers<[1], [0], [0], [1], [0, 0, 1, 1], [], []>, transpose_lhs_hint = false} : vector<1000x128xf32>, vector<128x128xf32>, vector<1000x128xf32> -> vector<1000x128xf32>
    %swap3A_208 = arith.constant 1 : index
    %swap3A_209 = arith.constant 0 : index
    %swap3A_210 = arith.constant 0 : index
    %swap3A_211 = vector.load %arg9[%swap3A_208, %swap3A_209, %swap3A_210] : memref<16x1000x128xf32, #tpu.memory_space<vmem>>, vector<1x1000x128xf32>
    %swap3A_212 = vector.shape_cast %swap3A_211 : vector<1x1000x128xf32> to vector<1000x128xf32>
    %swap3A_213 = vector.shape_cast %dot_general3A_207 : vector<1000x128xf32> to vector<1x1000x128xf32>
    tpu.vector_store %arg9[%swap3A_208, %swap3A_209, %swap3A_210], %swap3A_213 {strides = array<i32>} : memref<16x1000x128xf32, #tpu.memory_space<vmem>>, vector<1x1000x128xf32>,
    %get3A_214 = arith.constant 2 : index
    %get3A_215 = arith.constant 0 : index
    %get3A_216 = arith.constant 0 : index
    %get3A_217 = vector.load %arg4[%get3A_214, %get3A_215, %get3A_216] : memref<16x128x128xf32, #tpu.memory_space<vmem>>, vector<1x128x128xf32>
    %get3A_218 = vector.shape_cast %get3A_217 : vector<1x128x128xf32> to vector<128x128xf32>
    %dot_general3A_219 = arith.constant dense<0.000000e+00> : vector<1000x128xf32>
    %dot_general3A_220 = tpu.matmul %add3A_187, %get3A_218, %dot_general3A_219 {dimension_numbers = #tpu.dot_dimension_numbers<[1], [0], [0], [1], [0, 0, 1, 1], [], []>, transpose_lhs_hint = false} : vector<1000x128xf32>, vector<128x128xf32>, vector<1000x128xf32> -> vector<1000x128xf32>
    %swap3A_221 = arith.constant 2 : index
    %swap3A_222 = arith.constant 0 : index
    %swap3A_223 = arith.constant 0 : index
    %swap3A_224 = vector.load %arg9[%swap3A_221, %swap3A_222, %swap3A_223] : memref<16x1000x128xf32, #tpu.memory_space<vmem>>, vector<1x1000x128xf32>
    %swap3A_225 = vector.shape_cast %swap3A_224 : vector<1x1000x128xf32> to vector<1000x128xf32>
    %swap3A_226 = vector.shape_cast %dot_general3A_220 : vector<1000x128xf32> to vector<1x1000x128xf32>
    tpu.vector_store %arg9[%swap3A_221, %swap3A_222, %swap3A_223], %swap3A_226 {strides = array<i32>} : memref<16x1000x128xf32, #tpu.memory_space<vmem>>, vector<1x1000x128xf32>,
    %get3A_227 = arith.constant 3 : index
    %get3A_228 = arith.constant 0 : index
    %get3A_229 = arith.constant 0 : index
    %get3A_230 = vector.load %arg4[%get3A_227, %get3A_228, %get3A_229] : memref<16x128x128xf32, #tpu.memory_space<vmem>>, vector<1x128x128xf32>
    %get3A_231 = vector.shape_cast %get3A_230 : vector<1x128x128xf32> to vector<128x128xf32>
    %dot_general3A_232 = arith.constant dense<0.000000e+00> : vector<1000x128xf32>
    %dot_general3A_233 = tpu.matmul %add3A_187, %get3A_231, %dot_general3A_232 {dimension_numbers = #tpu.dot_dimension_numbers<[1], [0], [0], [1], [0, 0, 1, 1], [], []>, transpose_lhs_hint = false} : vector<1000x128xf32>, vector<128x128xf32>, vector<1000x128xf32> -> vector<1000x128xf32>
    %swap3A_234 = arith.constant 3 : index
    %swap3A_235 = arith.constant 0 : index
    %swap3A_236 = arith.constant 0 : index
    %swap3A_237 = vector.load %arg9[%swap3A_234, %swap3A_235, %swap3A_236] : memref<16x1000x128xf32, #tpu.memory_space<vmem>>, vector<1x1000x128xf32>
    %swap3A_238 = vector.shape_cast %swap3A_237 : vector<1x1000x128xf32> to vector<1000x128xf32>
    %swap3A_239 = vector.shape_cast %dot_general3A_233 : vector<1000x128xf32> to vector<1x1000x128xf32>
    tpu.vector_store %arg9[%swap3A_234, %swap3A_235, %swap3A_236], %swap3A_239 {strides = array<i32>} : memref<16x1000x128xf32, #tpu.memory_space<vmem>>, vector<1x1000x128xf32>,
    %get3A_240 = arith.constant 4 : index
    %get3A_241 = arith.constant 0 : index
    %get3A_242 = arith.constant 0 : index
    %get3A_243 = vector.load %arg4[%get3A_240, %get3A_241, %get3A_242] : memref<16x128x128xf32, #tpu.memory_space<vmem>>, vector<1x128x128xf32>
    %get3A_244 = vector.shape_cast %get3A_243 : vector<1x128x128xf32> to vector<128x128xf32>
    %dot_general3A_245 = arith.constant dense<0.000000e+00> : vector<1000x128xf32>
    %dot_general3A_246 = tpu.matmul %add3A_187, %get3A_244, %dot_general3A_245 {dimension_numbers = #tpu.dot_dimension_numbers<[1], [0], [0], [1], [0, 0, 1, 1], [], []>, transpose_lhs_hint = false} : vector<1000x128xf32>, vector<128x128xf32>, vector<1000x128xf32> -> vector<1000x128xf32>
    %swap3A_247 = arith.constant 4 : index
    %swap3A_248 = arith.constant 0 : index
    %swap3A_249 = arith.constant 0 : index
    %swap3A_250 = vector.load %arg9[%swap3A_247, %swap3A_248, %swap3A_249] : memref<16x1000x128xf32, #tpu.memory_space<vmem>>, vector<1x1000x128xf32>
    %swap3A_251 = vector.shape_cast %swap3A_250 : vector<1x1000x128xf32> to vector<1000x128xf32>
    %swap3A_252 = vector.shape_cast %dot_general3A_246 : vector<1000x128xf32> to vector<1x1000x128xf32>
    tpu.vector_store %arg9[%swap3A_247, %swap3A_248, %swap3A_249], %swap3A_252 {strides = array<i32>} : memref<16x1000x128xf32, #tpu.memory_space<vmem>>, vector<1x1000x128xf32>,
    %get3A_253 = arith.constant 5 : index
    %get3A_254 = arith.constant 0 : index
    %get3A_255 = arith.constant 0 : index
    %get3A_256 = vector.load %arg4[%get3A_253, %get3A_254, %get3A_255] : memref<16x128x128xf32, #tpu.memory_space<vmem>>, vector<1x128x128xf32>
    %get3A_257 = vector.shape_cast %get3A_256 : vector<1x128x128xf32> to vector<128x128xf32>
    %dot_general3A_258 = arith.constant dense<0.000000e+00> : vector<1000x128xf32>
    %dot_general3A_259 = tpu.matmul %add3A_187, %get3A_257, %dot_general3A_258 {dimension_numbers = #tpu.dot_dimension_numbers<[1], [0], [0], [1], [0, 0, 1, 1], [], []>, transpose_lhs_hint = false} : vector<1000x128xf32>, vector<128x128xf32>, vector<1000x128xf32> -> vector<1000x128xf32>
    %swap3A_260 = arith.constant 5 : index
    %swap3A_261 = arith.constant 0 : index
    %swap3A_262 = arith.constant 0 : index
    %swap3A_263 = vector.load %arg9[%swap3A_260, %swap3A_261, %swap3A_262] : memref<16x1000x128xf32, #tpu.memory_space<vmem>>, vector<1x1000x128xf32>
    %swap3A_264 = vector.shape_cast %swap3A_263 : vector<1x1000x128xf32> to vector<1000x128xf32>
    %swap3A_265 = vector.shape_cast %dot_general3A_259 : vector<1000x128xf32> to vector<1x1000x128xf32>
    tpu.vector_store %arg9[%swap3A_260, %swap3A_261, %swap3A_262], %swap3A_265 {strides = array<i32>} : memref<16x1000x128xf32, #tpu.memory_space<vmem>>, vector<1x1000x128xf32>,
    %get3A_266 = arith.constant 6 : index
    %get3A_267 = arith.constant 0 : index
    %get3A_268 = arith.constant 0 : index
    %get3A_269 = vector.load %arg4[%get3A_266, %get3A_267, %get3A_268] : memref<16x128x128xf32, #tpu.memory_space<vmem>>, vector<1x128x128xf32>
    %get3A_270 = vector.shape_cast %get3A_269 : vector<1x128x128xf32> to vector<128x128xf32>
    %dot_general3A_271 = arith.constant dense<0.000000e+00> : vector<1000x128xf32>
    %dot_general3A_272 = tpu.matmul %add3A_187, %get3A_270, %dot_general3A_271 {dimension_numbers = #tpu.dot_dimension_numbers<[1], [0], [0], [1], [0, 0, 1, 1], [], []>, transpose_lhs_hint = false} : vector<1000x128xf32>, vector<128x128xf32>, vector<1000x128xf32> -> vector<1000x128xf32>
    %swap3A_273 = arith.constant 6 : index
    %swap3A_274 = arith.constant 0 : index
    %swap3A_275 = arith.constant 0 : index
    %swap3A_276 = vector.load %arg9[%swap3A_273, %swap3A_274, %swap3A_275] : memref<16x1000x128xf32, #tpu.memory_space<vmem>>, vector<1x1000x128xf32>
    %swap3A_277 = vector.shape_cast %swap3A_276 : vector<1x1000x128xf32> to vector<1000x128xf32>
    %swap3A_278 = vector.shape_cast %dot_general3A_272 : vector<1000x128xf32> to vector<1x1000x128xf32>
    tpu.vector_store %arg9[%swap3A_273, %swap3A_274, %swap3A_275], %swap3A_278 {strides = array<i32>} : memref<16x1000x128xf32, #tpu.memory_space<vmem>>, vector<1x1000x128xf32>,
    %get3A_279 = arith.constant 7 : index
    %get3A_280 = arith.constant 0 : index
    %get3A_281 = arith.constant 0 : index
    %get3A_282 = vector.load %arg4[%get3A_279, %get3A_280, %get3A_281] : memref<16x128x128xf32, #tpu.memory_space<vmem>>, vector<1x128x128xf32>
    %get3A_283 = vector.shape_cast %get3A_282 : vector<1x128x128xf32> to vector<128x128xf32>
    %dot_general3A_284 = arith.constant dense<0.000000e+00> : vector<1000x128xf32>
    %dot_general3A_285 = tpu.matmul %add3A_187, %get3A_283, %dot_general3A_284 {dimension_numbers = #tpu.dot_dimension_numbers<[1], [0], [0], [1], [0, 0, 1, 1], [], []>, transpose_lhs_hint = false} : vector<1000x128xf32>, vector<128x128xf32>, vector<1000x128xf32> -> vector<1000x128xf32>
    %swap3A_286 = arith.constant 7 : index
    %swap3A_287 = arith.constant 0 : index
    %swap3A_288 = arith.constant 0 : index
    %swap3A_289 = vector.load %arg9[%swap3A_286, %swap3A_287, %swap3A_288] : memref<16x1000x128xf32, #tpu.memory_space<vmem>>, vector<1x1000x128xf32>
    %swap3A_290 = vector.shape_cast %swap3A_289 : vector<1x1000x128xf32> to vector<1000x128xf32>
    %swap3A_291 = vector.shape_cast %dot_general3A_285 : vector<1000x128xf32> to vector<1x1000x128xf32>
    tpu.vector_store %arg9[%swap3A_286, %swap3A_287, %swap3A_288], %swap3A_291 {strides = array<i32>} : memref<16x1000x128xf32, #tpu.memory_space<vmem>>, vector<1x1000x128xf32>,
    %get3A_292 = arith.constant 8 : index
    %get3A_293 = arith.constant 0 : index
    %get3A_294 = arith.constant 0 : index
    %get3A_295 = vector.load %arg4[%get3A_292, %get3A_293, %get3A_294] : memref<16x128x128xf32, #tpu.memory_space<vmem>>, vector<1x128x128xf32>
    %get3A_296 = vector.shape_cast %get3A_295 : vector<1x128x128xf32> to vector<128x128xf32>
    %dot_general3A_297 = arith.constant dense<0.000000e+00> : vector<1000x128xf32>
    %dot_general3A_298 = tpu.matmul %add3A_187, %get3A_296, %dot_general3A_297 {dimension_numbers = #tpu.dot_dimension_numbers<[1], [0], [0], [1], [0, 0, 1, 1], [], []>, transpose_lhs_hint = false} : vector<1000x128xf32>, vector<128x128xf32>, vector<1000x128xf32> -> vector<1000x128xf32>
    %swap3A_299 = arith.constant 8 : index
    %swap3A_300 = arith.constant 0 : index
    %swap3A_301 = arith.constant 0 : index
    %swap3A_302 = vector.load %arg9[%swap3A_299, %swap3A_300, %swap3A_301] : memref<16x1000x128xf32, #tpu.memory_space<vmem>>, vector<1x1000x128xf32>
    %swap3A_303 = vector.shape_cast %swap3A_302 : vector<1x1000x128xf32> to vector<1000x128xf32>
    %swap3A_304 = vector.shape_cast %dot_general3A_298 : vector<1000x128xf32> to vector<1x1000x128xf32>
    tpu.vector_store %arg9[%swap3A_299, %swap3A_300, %swap3A_301], %swap3A_304 {strides = array<i32>} : memref<16x1000x128xf32, #tpu.memory_space<vmem>>, vector<1x1000x128xf32>,
    %get3A_305 = arith.constant 9 : index
    %get3A_306 = arith.constant 0 : index
    %get3A_307 = arith.constant 0 : index
    %get3A_308 = vector.load %arg4[%get3A_305, %get3A_306, %get3A_307] : memref<16x128x128xf32, #tpu.memory_space<vmem>>, vector<1x128x128xf32>
    %get3A_309 = vector.shape_cast %get3A_308 : vector<1x128x128xf32> to vector<128x128xf32>
    %dot_general3A_310 = arith.constant dense<0.000000e+00> : vector<1000x128xf32>
    %dot_general3A_311 = tpu.matmul %add3A_187, %get3A_309, %dot_general3A_310 {dimension_numbers = #tpu.dot_dimension_numbers<[1], [0], [0], [1], [0, 0, 1, 1], [], []>, transpose_lhs_hint = false} : vector<1000x128xf32>, vector<128x128xf32>, vector<1000x128xf32> -> vector<1000x128xf32>
    %swap3A_312 = arith.constant 9 : index
    %swap3A_313 = arith.constant 0 : index
    %swap3A_314 = arith.constant 0 : index
    %swap3A_315 = vector.load %arg9[%swap3A_312, %swap3A_313, %swap3A_314] : memref<16x1000x128xf32, #tpu.memory_space<vmem>>, vector<1x1000x128xf32>
    %swap3A_316 = vector.shape_cast %swap3A_315 : vector<1x1000x128xf32> to vector<1000x128xf32>
    %swap3A_317 = vector.shape_cast %dot_general3A_311 : vector<1000x128xf32> to vector<1x1000x128xf32>
    tpu.vector_store %arg9[%swap3A_312, %swap3A_313, %swap3A_314], %swap3A_317 {strides = array<i32>} : memref<16x1000x128xf32, #tpu.memory_space<vmem>>, vector<1x1000x128xf32>,
    %get3A_318 = arith.constant 10 : index
    %get3A_319 = arith.constant 0 : index
    %get3A_320 = arith.constant 0 : index
    %get3A_321 = vector.load %arg4[%get3A_318, %get3A_319, %get3A_320] : memref<16x128x128xf32, #tpu.memory_space<vmem>>, vector<1x128x128xf32>
    %get3A_322 = vector.shape_cast %get3A_321 : vector<1x128x128xf32> to vector<128x128xf32>
    %dot_general3A_323 = arith.constant dense<0.000000e+00> : vector<1000x128xf32>
    %dot_general3A_324 = tpu.matmul %add3A_187, %get3A_322, %dot_general3A_323 {dimension_numbers = #tpu.dot_dimension_numbers<[1], [0], [0], [1], [0, 0, 1, 1], [], []>, transpose_lhs_hint = false} : vector<1000x128xf32>, vector<128x128xf32>, vector<1000x128xf32> -> vector<1000x128xf32>
    %swap3A_325 = arith.constant 10 : index
    %swap3A_326 = arith.constant 0 : index
    %swap3A_327 = arith.constant 0 : index
    %swap3A_328 = vector.load %arg9[%swap3A_325, %swap3A_326, %swap3A_327] : memref<16x1000x128xf32, #tpu.memory_space<vmem>>, vector<1x1000x128xf32>
    %swap3A_329 = vector.shape_cast %swap3A_328 : vector<1x1000x128xf32> to vector<1000x128xf32>
    %swap3A_330 = vector.shape_cast %dot_general3A_324 : vector<1000x128xf32> to vector<1x1000x128xf32>
    tpu.vector_store %arg9[%swap3A_325, %swap3A_326, %swap3A_327], %swap3A_330 {strides = array<i32>} : memref<16x1000x128xf32, #tpu.memory_space<vmem>>, vector<1x1000x128xf32>,
    %get3A_331 = arith.constant 11 : index
    %get3A_332 = arith.constant 0 : index
    %get3A_333 = arith.constant 0 : index
    %get3A_334 = vector.load %arg4[%get3A_331, %get3A_332, %get3A_333] : memref<16x128x128xf32, #tpu.memory_space<vmem>>, vector<1x128x128xf32>
    %get3A_335 = vector.shape_cast %get3A_334 : vector<1x128x128xf32> to vector<128x128xf32>
    %dot_general3A_336 = arith.constant dense<0.000000e+00> : vector<1000x128xf32>
    %dot_general3A_337 = tpu.matmul %add3A_187, %get3A_335, %dot_general3A_336 {dimension_numbers = #tpu.dot_dimension_numbers<[1], [0], [0], [1], [0, 0, 1, 1], [], []>, transpose_lhs_hint = false} : vector<1000x128xf32>, vector<128x128xf32>, vector<1000x128xf32> -> vector<1000x128xf32>
    %swap3A_338 = arith.constant 11 : index
    %swap3A_339 = arith.constant 0 : index
    %swap3A_340 = arith.constant 0 : index
    %swap3A_341 = vector.load %arg9[%swap3A_338, %swap3A_339, %swap3A_340] : memref<16x1000x128xf32, #tpu.memory_space<vmem>>, vector<1x1000x128xf32>
    %swap3A_342 = vector.shape_cast %swap3A_341 : vector<1x1000x128xf32> to vector<1000x128xf32>
    %swap3A_343 = vector.shape_cast %dot_general3A_337 : vector<1000x128xf32> to vector<1x1000x128xf32>
    tpu.vector_store %arg9[%swap3A_338, %swap3A_339, %swap3A_340], %swap3A_343 {strides = array<i32>} : memref<16x1000x128xf32, #tpu.memory_space<vmem>>, vector<1x1000x128xf32>,
    %get3A_344 = arith.constant 12 : index
    %get3A_345 = arith.constant 0 : index
    %get3A_346 = arith.constant 0 : index
    %get3A_347 = vector.load %arg4[%get3A_344, %get3A_345, %get3A_346] : memref<16x128x128xf32, #tpu.memory_space<vmem>>, vector<1x128x128xf32>
    %get3A_348 = vector.shape_cast %get3A_347 : vector<1x128x128xf32> to vector<128x128xf32>
    %dot_general3A_349 = arith.constant dense<0.000000e+00> : vector<1000x128xf32>
    %dot_general3A_350 = tpu.matmul %add3A_187, %get3A_348, %dot_general3A_349 {dimension_numbers = #tpu.dot_dimension_numbers<[1], [0], [0], [1], [0, 0, 1, 1], [], []>, transpose_lhs_hint = false} : vector<1000x128xf32>, vector<128x128xf32>, vector<1000x128xf32> -> vector<1000x128xf32>
    %swap3A_351 = arith.constant 12 : index
    %swap3A_352 = arith.constant 0 : index
    %swap3A_353 = arith.constant 0 : index
    %swap3A_354 = vector.load %arg9[%swap3A_351, %swap3A_352, %swap3A_353] : memref<16x1000x128xf32, #tpu.memory_space<vmem>>, vector<1x1000x128xf32>
    %swap3A_355 = vector.shape_cast %swap3A_354 : vector<1x1000x128xf32> to vector<1000x128xf32>
    %swap3A_356 = vector.shape_cast %dot_general3A_350 : vector<1000x128xf32> to vector<1x1000x128xf32>
    tpu.vector_store %arg9[%swap3A_351, %swap3A_352, %swap3A_353], %swap3A_356 {strides = array<i32>} : memref<16x1000x128xf32, #tpu.memory_space<vmem>>, vector<1x1000x128xf32>,
    %get3A_357 = arith.constant 13 : index
    %get3A_358 = arith.constant 0 : index
    %get3A_359 = arith.constant 0 : index
    %get3A_360 = vector.load %arg4[%get3A_357, %get3A_358, %get3A_359] : memref<16x128x128xf32, #tpu.memory_space<vmem>>, vector<1x128x128xf32>
    %get3A_361 = vector.shape_cast %get3A_360 : vector<1x128x128xf32> to vector<128x128xf32>
    %dot_general3A_362 = arith.constant dense<0.000000e+00> : vector<1000x128xf32>
    %dot_general3A_363 = tpu.matmul %add3A_187, %get3A_361, %dot_general3A_362 {dimension_numbers = #tpu.dot_dimension_numbers<[1], [0], [0], [1], [0, 0, 1, 1], [], []>, transpose_lhs_hint = false} : vector<1000x128xf32>, vector<128x128xf32>, vector<1000x128xf32> -> vector<1000x128xf32>
    %swap3A_364 = arith.constant 13 : index
    %swap3A_365 = arith.constant 0 : index
    %swap3A_366 = arith.constant 0 : index
    %swap3A_367 = vector.load %arg9[%swap3A_364, %swap3A_365, %swap3A_366] : memref<16x1000x128xf32, #tpu.memory_space<vmem>>, vector<1x1000x128xf32>
    %swap3A_368 = vector.shape_cast %swap3A_367 : vector<1x1000x128xf32> to vector<1000x128xf32>
    %swap3A_369 = vector.shape_cast %dot_general3A_363 : vector<1000x128xf32> to vector<1x1000x128xf32>
    tpu.vector_store %arg9[%swap3A_364, %swap3A_365, %swap3A_366], %swap3A_369 {strides = array<i32>} : memref<16x1000x128xf32, #tpu.memory_space<vmem>>, vector<1x1000x128xf32>,
    %get3A_370 = arith.constant 14 : index
    %get3A_371 = arith.constant 0 : index
    %get3A_372 = arith.constant 0 : index
    %get3A_373 = vector.load %arg4[%get3A_370, %get3A_371, %get3A_372] : memref<16x128x128xf32, #tpu.memory_space<vmem>>, vector<1x128x128xf32>
    %get3A_374 = vector.shape_cast %get3A_373 : vector<1x128x128xf32> to vector<128x128xf32>
    %dot_general3A_375 = arith.constant dense<0.000000e+00> : vector<1000x128xf32>
    %dot_general3A_376 = tpu.matmul %add3A_187, %get3A_374, %dot_general3A_375 {dimension_numbers = #tpu.dot_dimension_numbers<[1], [0], [0], [1], [0, 0, 1, 1], [], []>, transpose_lhs_hint = false} : vector<1000x128xf32>, vector<128x128xf32>, vector<1000x128xf32> -> vector<1000x128xf32>
    %swap3A_377 = arith.constant 14 : index
    %swap3A_378 = arith.constant 0 : index
    %swap3A_379 = arith.constant 0 : index
    %swap3A_380 = vector.load %arg9[%swap3A_377, %swap3A_378, %swap3A_379] : memref<16x1000x128xf32, #tpu.memory_space<vmem>>, vector<1x1000x128xf32>
    %swap3A_381 = vector.shape_cast %swap3A_380 : vector<1x1000x128xf32> to vector<1000x128xf32>
    %swap3A_382 = vector.shape_cast %dot_general3A_376 : vector<1000x128xf32> to vector<1x1000x128xf32>
    tpu.vector_store %arg9[%swap3A_377, %swap3A_378, %swap3A_379], %swap3A_382 {strides = array<i32>} : memref<16x1000x128xf32, #tpu.memory_space<vmem>>, vector<1x1000x128xf32>,
    %get3A_383 = arith.constant 15 : index
    %get3A_384 = arith.constant 0 : index
    %get3A_385 = arith.constant 0 : index
    %get3A_386 = vector.load %arg4[%get3A_383, %get3A_384, %get3A_385] : memref<16x128x128xf32, #tpu.memory_space<vmem>>, vector<1x128x128xf32>
    %get3A_387 = vector.shape_cast %get3A_386 : vector<1x128x128xf32> to vector<128x128xf32>
    %dot_general3A_388 = arith.constant dense<0.000000e+00> : vector<1000x128xf32>
    %dot_general3A_389 = tpu.matmul %add3A_187, %get3A_387, %dot_general3A_388 {dimension_numbers = #tpu.dot_dimension_numbers<[1], [0], [0], [1], [0, 0, 1, 1], [], []>, transpose_lhs_hint = false} : vector<1000x128xf32>, vector<128x128xf32>, vector<1000x128xf32> -> vector<1000x128xf32>
    %swap3A_390 = arith.constant 15 : index
    %swap3A_391 = arith.constant 0 : index
    %swap3A_392 = arith.constant 0 : index
    %swap3A_393 = vector.load %arg9[%swap3A_390, %swap3A_391, %swap3A_392] : memref<16x1000x128xf32, #tpu.memory_space<vmem>>, vector<1x1000x128xf32>
    %swap3A_394 = vector.shape_cast %swap3A_393 : vector<1x1000x128xf32> to vector<1000x128xf32>
    %swap3A_395 = vector.shape_cast %dot_general3A_389 : vector<1000x128xf32> to vector<1x1000x128xf32>
    tpu.vector_store %arg9[%swap3A_390, %swap3A_391, %swap3A_392], %swap3A_395 {strides = array<i32>} : memref<16x1000x128xf32, #tpu.memory_space<vmem>>, vector<1x1000x128xf32>,
    %get3A_396 = arith.constant 0 : index
    %get3A_397 = arith.constant 0 : index
    %get3A_398 = vector.load %arg5[%get3A_396, %get3A_397] : memref<128x128xf32, #tpu.memory_space<vmem>>, vector<128x128xf32>
    %dot_general3A_399 = arith.constant dense<0.000000e+00> : vector<1000x128xf32>
    %dot_general3A_400 = tpu.matmul %add3A_187, %get3A_398, %dot_general3A_399 {dimension_numbers = #tpu.dot_dimension_numbers<[1], [0], [0], [1], [0, 0, 1, 1], [], []>, transpose_lhs_hint = false} : vector<1000x128xf32>, vector<128x128xf32>, vector<1000x128xf32> -> vector<1000x128xf32>
    %get3A_401 = arith.constant 0 : index
    %get3A_402 = arith.constant 0 : index
    %get3A_403 = vector.load %arg6[%get3A_401, %get3A_402] : memref<1x128xf32, #tpu.memory_space<vmem>>, vector<1x128xf32>
    %add3A_404 = vector.broadcast %get3A_403 : vector<1x128xf32> to vector<1000x128xf32>
    %add3A_405 = arith.addf %dot_general3A_400, %add3A_404 : vector<1000x128xf32>
    %swap3A_406 = arith.constant 0 : index
    %swap3A_407 = arith.constant 0 : index
    %swap3A_408 = vector.load %arg10[%swap3A_406, %swap3A_407] : memref<1000x128xf32, #tpu.memory_space<vmem>>, vector<1000x128xf32>
    tpu.vector_store %arg10[%swap3A_406, %swap3A_407], %add3A_405 {strides = array<i32>} : memref<1000x128xf32, #tpu.memory_space<vmem>>, vector<1000x128xf32>,
    %get3A_409 = arith.constant 0 : index
    %get3A_410 = arith.constant 0 : index
    %get3A_411 = vector.load %arg8[%get3A_409, %get3A_410] : memref<32x1000xi32, #tpu.memory_space<vmem>>, vector<32x1000xi32>
    %mul3A = arith.constant 10000 : i32
    %mul3A_412 = vector.broadcast %mul3A : i32 to vector<32x1000xi32>
    %mul3A_413 = arith.muli %get3A_411, %mul3A_412 : vector<32x1000xi32>
    %get3A_414 = arith.constant 0 : index
    %get3A_415 = arith.constant 0 : index
    %get3A_416 = vector.load %arg7[%get3A_414, %get3A_415] : memref<32x1000xi32, #tpu.memory_space<vmem>>, vector<32x1000xi32>
    %add3A_417 = arith.addi %mul3A_413, %get3A_416 : vector<32x1000xi32>
    %swap3A_418 = arith.constant 0 : index
    %swap3A_419 = arith.constant 0 : index
    %swap3A_420 = vector.load %arg11[%swap3A_418, %swap3A_419] : memref<32x1000xi32, #tpu.memory_space<vmem>>, vector<32x1000xi32>
    tpu.vector_store %arg11[%swap3A_418, %swap3A_419], %add3A_417 {strides = array<i32>} : memref<32x1000xi32, #tpu.memory_space<vmem>>, vector<32x1000xi32>,
    return
  }
  func.func @transform_0(%arg0: i32) -> (i32, i32) {
    %c0_i32 = arith.constant 0 : i32
    %c0_i32_0 = arith.constant 0 : i32
    return %arg0, %c0_i32 : i32, i32
  }
  func.func @transform_1(%arg0: i32) -> (i32, i32) {
    %c0_i32 = arith.constant 0 : i32
    %c0_i32_0 = arith.constant 0 : i32
    %c0_i32_1 = arith.constant 0 : i32
    return %c0_i32, %c0_i32_0 : i32, i32
  }
  func.func @transform_2(%arg0: i32) -> (i32, i32) {
    %c0_i32 = arith.constant 0 : i32
    %c0_i32_0 = arith.constant 0 : i32
    %c0_i32_1 = arith.constant 0 : i32
    return %c0_i32, %c0_i32_0 : i32, i32
  }
  func.func @transform_3(%arg0: i32) -> (i32, i32, i32) {
    %c0_i32 = arith.constant 0 : i32
    %c0_i32_0 = arith.constant 0 : i32
    %c0_i32_1 = arith.constant 0 : i32
    %c0_i32_2 = arith.constant 0 : i32
    return %c0_i32, %c0_i32_0, %c0_i32_1 : i32, i32, i32
  }
  func.func @transform_4(%arg0: i32) -> (i32, i32) {
    %c0_i32 = arith.constant 0 : i32
    %c0_i32_0 = arith.constant 0 : i32
    %c0_i32_1 = arith.constant 0 : i32
    return %c0_i32, %c0_i32_0 : i32, i32
  }
  func.func @transform_5(%arg0: i32) -> (i32, i32) {
    %c0_i32 = arith.constant 0 : i32
    %c0_i32_0 = arith.constant 0 : i32
    %c0_i32_1 = arith.constant 0 : i32
    return %c0_i32, %c0_i32_0 : i32, i32
  }
  func.func @transform_6(%arg0: i32) -> (i32, i32) {
    %c0_i32 = arith.constant 0 : i32
    %c0_i32_0 = arith.constant 0 : i32
    return %arg0, %c0_i32 : i32, i32
  }
  func.func @transform_7(%arg0: i32) -> (i32, i32) {
    %c0_i32 = arith.constant 0 : i32
    %c0_i32_0 = arith.constant 0 : i32
    return %arg0, %c0_i32 : i32, i32
  }
  func.func @transform_8(%arg0: i32) -> (i32, i32, i32) {
    %c0_i32 = arith.constant 0 : i32
    %c0_i32_0 = arith.constant 0 : i32
    %c0_i32_1 = arith.constant 0 : i32
    return %c0_i32, %arg0, %c0_i32_0 : i32, i32, i32
  }
  func.func @transform_9(%arg0: i32) -> (i32, i32) {
    %c0_i32 = arith.constant 0 : i32
    %c0_i32_0 = arith.constant 0 : i32
    return %arg0, %c0_i32 : i32, i32
  }
  func.func @transform_10(%arg0: i32) -> (i32, i32) {
    %c0_i32 = arith.constant 0 : i32
    %c0_i32_0 = arith.constant 0 : i32
    return %arg0, %c0_i32 : i32, i32
  }
}

module attributes {stable_mosaic.version = 14 : i64} {
  func.func @_mid_body(%arg0: i32, %arg1: memref<1x1000x128xf32, #tpu.memory_space<vmem>>, %arg2: memref<1x1000x128xf32, #tpu.memory_space<vmem>>, %arg3: memref<1000x128xf32, #tpu.memory_space<vmem>>, %arg4: memref<16x128x128xf32, #tpu.memory_space<vmem>>, %arg5: memref<128x128xf32, #tpu.memory_space<vmem>>, %arg6: memref<1x128xf32, #tpu.memory_space<vmem>>, %arg7: memref<16x1000x128xf32, #tpu.memory_space<vmem>>, %arg8: memref<1000x128xf32, #tpu.memory_space<vmem>>) attributes {dimension_semantics = [#tpu.dimension_semantics<arbitrary>], iteration_bounds = array<i64: 10>, scalar_prefetch = 0 : i64, scratch_operands = 0 : i64, tpu.core_type = #tpu.core_type<tc>, window_params = [{transform_indices = @transform_0, window_bounds = array<i64: 1, 1000, 128>}, {transform_indices = @transform_1, window_bounds = array<i64: 1, 1000, 128>}, {transform_indices = @transform_2, window_bounds = array<i64: 1000, 128>}, {pipeline_mode = #tpu.pipeline_mode<synchronous>, transform_indices = @transform_3, window_bounds = array<i64: 16, 128, 128>}, {pipeline_mode = #tpu.pipeline_mode<synchronous>, transform_indices = @transform_4, window_bounds = array<i64: 128, 128>}, {pipeline_mode = #tpu.pipeline_mode<synchronous>, transform_indices = @transform_5, window_bounds = array<i64: 1, 128>}, {transform_indices = @transform_6, window_bounds = array<i64: 16, 1000, 128>}, {transform_indices = @transform_7, window_bounds = array<i64: 1000, 128>}]} {
    %get3A = arith.constant 0 : index
    %get3A_0 = arith.constant 0 : index
    %get3A_1 = arith.constant 0 : index
    %get3A_2 = vector.load %arg1[%get3A, %get3A_0, %get3A_1] : memref<1x1000x128xf32, #tpu.memory_space<vmem>>, vector<1x1000x128xf32>
    %get3A_3 = vector.shape_cast %get3A_2 : vector<1x1000x128xf32> to vector<1000x128xf32>
    %get3A_4 = arith.constant 0 : index
    %get3A_5 = arith.constant 0 : index
    %get3A_6 = arith.constant 0 : index
    %get3A_7 = vector.load %arg2[%get3A_4, %get3A_5, %get3A_6] : memref<1x1000x128xf32, #tpu.memory_space<vmem>>, vector<1x1000x128xf32>
    %get3A_8 = vector.shape_cast %get3A_7 : vector<1x1000x128xf32> to vector<1000x128xf32>
    %add3A = arith.addf %get3A_3, %get3A_8 : vector<1000x128xf32>
    %get3A_9 = arith.constant 0 : index
    %get3A_10 = arith.constant 0 : index
    %get3A_11 = vector.load %arg3[%get3A_9, %get3A_10] : memref<1000x128xf32, #tpu.memory_space<vmem>>, vector<1000x128xf32>
    %add3A_12 = arith.addf %add3A, %get3A_11 : vector<1000x128xf32>
    %max3A = arith.constant 0.000000e+00 : f32
    %max3A_13 = vector.broadcast %max3A : f32 to vector<1000x128xf32>
    %max3A_14 = arith.maximumf %add3A_12, %max3A_13 : vector<1000x128xf32>
    %get3A_15 = arith.constant 0 : index
    %get3A_16 = arith.constant 0 : index
    %get3A_17 = arith.constant 0 : index
    %get3A_18 = vector.load %arg4[%get3A_15, %get3A_16, %get3A_17] : memref<16x128x128xf32, #tpu.memory_space<vmem>>, vector<1x128x128xf32>
    %get3A_19 = vector.shape_cast %get3A_18 : vector<1x128x128xf32> to vector<128x128xf32>
    %dot_general3A = arith.constant dense<0.000000e+00> : vector<1000x128xf32>
    %dot_general3A_20 = tpu.matmul %max3A_14, %get3A_19, %dot_general3A {dimension_numbers = #tpu.dot_dimension_numbers<[1], [0], [0], [1], [0, 0, 1, 1], [], []>, transpose_lhs_hint = false} : vector<1000x128xf32>, vector<128x128xf32>, vector<1000x128xf32> -> vector<1000x128xf32>
    %swap3A = arith.constant 0 : index
    %swap3A_21 = arith.constant 0 : index
    %swap3A_22 = arith.constant 0 : index
    %swap3A_23 = vector.load %arg7[%swap3A, %swap3A_21, %swap3A_22] : memref<16x1000x128xf32, #tpu.memory_space<vmem>>, vector<1x1000x128xf32>
    %swap3A_24 = vector.shape_cast %swap3A_23 : vector<1x1000x128xf32> to vector<1000x128xf32>
    %swap3A_25 = vector.shape_cast %dot_general3A_20 : vector<1000x128xf32> to vector<1x1000x128xf32>
    tpu.vector_store %arg7[%swap3A, %swap3A_21, %swap3A_22], %swap3A_25 {strides = array<i32>} : memref<16x1000x128xf32, #tpu.memory_space<vmem>>, vector<1x1000x128xf32>,
    %get3A_26 = arith.constant 1 : index
    %get3A_27 = arith.constant 0 : index
    %get3A_28 = arith.constant 0 : index
    %get3A_29 = vector.load %arg4[%get3A_26, %get3A_27, %get3A_28] : memref<16x128x128xf32, #tpu.memory_space<vmem>>, vector<1x128x128xf32>
    %get3A_30 = vector.shape_cast %get3A_29 : vector<1x128x128xf32> to vector<128x128xf32>
    %dot_general3A_31 = arith.constant dense<0.000000e+00> : vector<1000x128xf32>
    %dot_general3A_32 = tpu.matmul %max3A_14, %get3A_30, %dot_general3A_31 {dimension_numbers = #tpu.dot_dimension_numbers<[1], [0], [0], [1], [0, 0, 1, 1], [], []>, transpose_lhs_hint = false} : vector<1000x128xf32>, vector<128x128xf32>, vector<1000x128xf32> -> vector<1000x128xf32>
    %swap3A_33 = arith.constant 1 : index
    %swap3A_34 = arith.constant 0 : index
    %swap3A_35 = arith.constant 0 : index
    %swap3A_36 = vector.load %arg7[%swap3A_33, %swap3A_34, %swap3A_35] : memref<16x1000x128xf32, #tpu.memory_space<vmem>>, vector<1x1000x128xf32>
    %swap3A_37 = vector.shape_cast %swap3A_36 : vector<1x1000x128xf32> to vector<1000x128xf32>
    %swap3A_38 = vector.shape_cast %dot_general3A_32 : vector<1000x128xf32> to vector<1x1000x128xf32>
    tpu.vector_store %arg7[%swap3A_33, %swap3A_34, %swap3A_35], %swap3A_38 {strides = array<i32>} : memref<16x1000x128xf32, #tpu.memory_space<vmem>>, vector<1x1000x128xf32>,
    %get3A_39 = arith.constant 2 : index
    %get3A_40 = arith.constant 0 : index
    %get3A_41 = arith.constant 0 : index
    %get3A_42 = vector.load %arg4[%get3A_39, %get3A_40, %get3A_41] : memref<16x128x128xf32, #tpu.memory_space<vmem>>, vector<1x128x128xf32>
    %get3A_43 = vector.shape_cast %get3A_42 : vector<1x128x128xf32> to vector<128x128xf32>
    %dot_general3A_44 = arith.constant dense<0.000000e+00> : vector<1000x128xf32>
    %dot_general3A_45 = tpu.matmul %max3A_14, %get3A_43, %dot_general3A_44 {dimension_numbers = #tpu.dot_dimension_numbers<[1], [0], [0], [1], [0, 0, 1, 1], [], []>, transpose_lhs_hint = false} : vector<1000x128xf32>, vector<128x128xf32>, vector<1000x128xf32> -> vector<1000x128xf32>
    %swap3A_46 = arith.constant 2 : index
    %swap3A_47 = arith.constant 0 : index
    %swap3A_48 = arith.constant 0 : index
    %swap3A_49 = vector.load %arg7[%swap3A_46, %swap3A_47, %swap3A_48] : memref<16x1000x128xf32, #tpu.memory_space<vmem>>, vector<1x1000x128xf32>
    %swap3A_50 = vector.shape_cast %swap3A_49 : vector<1x1000x128xf32> to vector<1000x128xf32>
    %swap3A_51 = vector.shape_cast %dot_general3A_45 : vector<1000x128xf32> to vector<1x1000x128xf32>
    tpu.vector_store %arg7[%swap3A_46, %swap3A_47, %swap3A_48], %swap3A_51 {strides = array<i32>} : memref<16x1000x128xf32, #tpu.memory_space<vmem>>, vector<1x1000x128xf32>,
    %get3A_52 = arith.constant 3 : index
    %get3A_53 = arith.constant 0 : index
    %get3A_54 = arith.constant 0 : index
    %get3A_55 = vector.load %arg4[%get3A_52, %get3A_53, %get3A_54] : memref<16x128x128xf32, #tpu.memory_space<vmem>>, vector<1x128x128xf32>
    %get3A_56 = vector.shape_cast %get3A_55 : vector<1x128x128xf32> to vector<128x128xf32>
    %dot_general3A_57 = arith.constant dense<0.000000e+00> : vector<1000x128xf32>
    %dot_general3A_58 = tpu.matmul %max3A_14, %get3A_56, %dot_general3A_57 {dimension_numbers = #tpu.dot_dimension_numbers<[1], [0], [0], [1], [0, 0, 1, 1], [], []>, transpose_lhs_hint = false} : vector<1000x128xf32>, vector<128x128xf32>, vector<1000x128xf32> -> vector<1000x128xf32>
    %swap3A_59 = arith.constant 3 : index
    %swap3A_60 = arith.constant 0 : index
    %swap3A_61 = arith.constant 0 : index
    %swap3A_62 = vector.load %arg7[%swap3A_59, %swap3A_60, %swap3A_61] : memref<16x1000x128xf32, #tpu.memory_space<vmem>>, vector<1x1000x128xf32>
    %swap3A_63 = vector.shape_cast %swap3A_62 : vector<1x1000x128xf32> to vector<1000x128xf32>
    %swap3A_64 = vector.shape_cast %dot_general3A_58 : vector<1000x128xf32> to vector<1x1000x128xf32>
    tpu.vector_store %arg7[%swap3A_59, %swap3A_60, %swap3A_61], %swap3A_64 {strides = array<i32>} : memref<16x1000x128xf32, #tpu.memory_space<vmem>>, vector<1x1000x128xf32>,
    %get3A_65 = arith.constant 4 : index
    %get3A_66 = arith.constant 0 : index
    %get3A_67 = arith.constant 0 : index
    %get3A_68 = vector.load %arg4[%get3A_65, %get3A_66, %get3A_67] : memref<16x128x128xf32, #tpu.memory_space<vmem>>, vector<1x128x128xf32>
    %get3A_69 = vector.shape_cast %get3A_68 : vector<1x128x128xf32> to vector<128x128xf32>
    %dot_general3A_70 = arith.constant dense<0.000000e+00> : vector<1000x128xf32>
    %dot_general3A_71 = tpu.matmul %max3A_14, %get3A_69, %dot_general3A_70 {dimension_numbers = #tpu.dot_dimension_numbers<[1], [0], [0], [1], [0, 0, 1, 1], [], []>, transpose_lhs_hint = false} : vector<1000x128xf32>, vector<128x128xf32>, vector<1000x128xf32> -> vector<1000x128xf32>
    %swap3A_72 = arith.constant 4 : index
    %swap3A_73 = arith.constant 0 : index
    %swap3A_74 = arith.constant 0 : index
    %swap3A_75 = vector.load %arg7[%swap3A_72, %swap3A_73, %swap3A_74] : memref<16x1000x128xf32, #tpu.memory_space<vmem>>, vector<1x1000x128xf32>
    %swap3A_76 = vector.shape_cast %swap3A_75 : vector<1x1000x128xf32> to vector<1000x128xf32>
    %swap3A_77 = vector.shape_cast %dot_general3A_71 : vector<1000x128xf32> to vector<1x1000x128xf32>
    tpu.vector_store %arg7[%swap3A_72, %swap3A_73, %swap3A_74], %swap3A_77 {strides = array<i32>} : memref<16x1000x128xf32, #tpu.memory_space<vmem>>, vector<1x1000x128xf32>,
    %get3A_78 = arith.constant 5 : index
    %get3A_79 = arith.constant 0 : index
    %get3A_80 = arith.constant 0 : index
    %get3A_81 = vector.load %arg4[%get3A_78, %get3A_79, %get3A_80] : memref<16x128x128xf32, #tpu.memory_space<vmem>>, vector<1x128x128xf32>
    %get3A_82 = vector.shape_cast %get3A_81 : vector<1x128x128xf32> to vector<128x128xf32>
    %dot_general3A_83 = arith.constant dense<0.000000e+00> : vector<1000x128xf32>
    %dot_general3A_84 = tpu.matmul %max3A_14, %get3A_82, %dot_general3A_83 {dimension_numbers = #tpu.dot_dimension_numbers<[1], [0], [0], [1], [0, 0, 1, 1], [], []>, transpose_lhs_hint = false} : vector<1000x128xf32>, vector<128x128xf32>, vector<1000x128xf32> -> vector<1000x128xf32>
    %swap3A_85 = arith.constant 5 : index
    %swap3A_86 = arith.constant 0 : index
    %swap3A_87 = arith.constant 0 : index
    %swap3A_88 = vector.load %arg7[%swap3A_85, %swap3A_86, %swap3A_87] : memref<16x1000x128xf32, #tpu.memory_space<vmem>>, vector<1x1000x128xf32>
    %swap3A_89 = vector.shape_cast %swap3A_88 : vector<1x1000x128xf32> to vector<1000x128xf32>
    %swap3A_90 = vector.shape_cast %dot_general3A_84 : vector<1000x128xf32> to vector<1x1000x128xf32>
    tpu.vector_store %arg7[%swap3A_85, %swap3A_86, %swap3A_87], %swap3A_90 {strides = array<i32>} : memref<16x1000x128xf32, #tpu.memory_space<vmem>>, vector<1x1000x128xf32>,
    %get3A_91 = arith.constant 6 : index
    %get3A_92 = arith.constant 0 : index
    %get3A_93 = arith.constant 0 : index
    %get3A_94 = vector.load %arg4[%get3A_91, %get3A_92, %get3A_93] : memref<16x128x128xf32, #tpu.memory_space<vmem>>, vector<1x128x128xf32>
    %get3A_95 = vector.shape_cast %get3A_94 : vector<1x128x128xf32> to vector<128x128xf32>
    %dot_general3A_96 = arith.constant dense<0.000000e+00> : vector<1000x128xf32>
    %dot_general3A_97 = tpu.matmul %max3A_14, %get3A_95, %dot_general3A_96 {dimension_numbers = #tpu.dot_dimension_numbers<[1], [0], [0], [1], [0, 0, 1, 1], [], []>, transpose_lhs_hint = false} : vector<1000x128xf32>, vector<128x128xf32>, vector<1000x128xf32> -> vector<1000x128xf32>
    %swap3A_98 = arith.constant 6 : index
    %swap3A_99 = arith.constant 0 : index
    %swap3A_100 = arith.constant 0 : index
    %swap3A_101 = vector.load %arg7[%swap3A_98, %swap3A_99, %swap3A_100] : memref<16x1000x128xf32, #tpu.memory_space<vmem>>, vector<1x1000x128xf32>
    %swap3A_102 = vector.shape_cast %swap3A_101 : vector<1x1000x128xf32> to vector<1000x128xf32>
    %swap3A_103 = vector.shape_cast %dot_general3A_97 : vector<1000x128xf32> to vector<1x1000x128xf32>
    tpu.vector_store %arg7[%swap3A_98, %swap3A_99, %swap3A_100], %swap3A_103 {strides = array<i32>} : memref<16x1000x128xf32, #tpu.memory_space<vmem>>, vector<1x1000x128xf32>,
    %get3A_104 = arith.constant 7 : index
    %get3A_105 = arith.constant 0 : index
    %get3A_106 = arith.constant 0 : index
    %get3A_107 = vector.load %arg4[%get3A_104, %get3A_105, %get3A_106] : memref<16x128x128xf32, #tpu.memory_space<vmem>>, vector<1x128x128xf32>
    %get3A_108 = vector.shape_cast %get3A_107 : vector<1x128x128xf32> to vector<128x128xf32>
    %dot_general3A_109 = arith.constant dense<0.000000e+00> : vector<1000x128xf32>
    %dot_general3A_110 = tpu.matmul %max3A_14, %get3A_108, %dot_general3A_109 {dimension_numbers = #tpu.dot_dimension_numbers<[1], [0], [0], [1], [0, 0, 1, 1], [], []>, transpose_lhs_hint = false} : vector<1000x128xf32>, vector<128x128xf32>, vector<1000x128xf32> -> vector<1000x128xf32>
    %swap3A_111 = arith.constant 7 : index
    %swap3A_112 = arith.constant 0 : index
    %swap3A_113 = arith.constant 0 : index
    %swap3A_114 = vector.load %arg7[%swap3A_111, %swap3A_112, %swap3A_113] : memref<16x1000x128xf32, #tpu.memory_space<vmem>>, vector<1x1000x128xf32>
    %swap3A_115 = vector.shape_cast %swap3A_114 : vector<1x1000x128xf32> to vector<1000x128xf32>
    %swap3A_116 = vector.shape_cast %dot_general3A_110 : vector<1000x128xf32> to vector<1x1000x128xf32>
    tpu.vector_store %arg7[%swap3A_111, %swap3A_112, %swap3A_113], %swap3A_116 {strides = array<i32>} : memref<16x1000x128xf32, #tpu.memory_space<vmem>>, vector<1x1000x128xf32>,
    %get3A_117 = arith.constant 8 : index
    %get3A_118 = arith.constant 0 : index
    %get3A_119 = arith.constant 0 : index
    %get3A_120 = vector.load %arg4[%get3A_117, %get3A_118, %get3A_119] : memref<16x128x128xf32, #tpu.memory_space<vmem>>, vector<1x128x128xf32>
    %get3A_121 = vector.shape_cast %get3A_120 : vector<1x128x128xf32> to vector<128x128xf32>
    %dot_general3A_122 = arith.constant dense<0.000000e+00> : vector<1000x128xf32>
    %dot_general3A_123 = tpu.matmul %max3A_14, %get3A_121, %dot_general3A_122 {dimension_numbers = #tpu.dot_dimension_numbers<[1], [0], [0], [1], [0, 0, 1, 1], [], []>, transpose_lhs_hint = false} : vector<1000x128xf32>, vector<128x128xf32>, vector<1000x128xf32> -> vector<1000x128xf32>
    %swap3A_124 = arith.constant 8 : index
    %swap3A_125 = arith.constant 0 : index
    %swap3A_126 = arith.constant 0 : index
    %swap3A_127 = vector.load %arg7[%swap3A_124, %swap3A_125, %swap3A_126] : memref<16x1000x128xf32, #tpu.memory_space<vmem>>, vector<1x1000x128xf32>
    %swap3A_128 = vector.shape_cast %swap3A_127 : vector<1x1000x128xf32> to vector<1000x128xf32>
    %swap3A_129 = vector.shape_cast %dot_general3A_123 : vector<1000x128xf32> to vector<1x1000x128xf32>
    tpu.vector_store %arg7[%swap3A_124, %swap3A_125, %swap3A_126], %swap3A_129 {strides = array<i32>} : memref<16x1000x128xf32, #tpu.memory_space<vmem>>, vector<1x1000x128xf32>,
    %get3A_130 = arith.constant 9 : index
    %get3A_131 = arith.constant 0 : index
    %get3A_132 = arith.constant 0 : index
    %get3A_133 = vector.load %arg4[%get3A_130, %get3A_131, %get3A_132] : memref<16x128x128xf32, #tpu.memory_space<vmem>>, vector<1x128x128xf32>
    %get3A_134 = vector.shape_cast %get3A_133 : vector<1x128x128xf32> to vector<128x128xf32>
    %dot_general3A_135 = arith.constant dense<0.000000e+00> : vector<1000x128xf32>
    %dot_general3A_136 = tpu.matmul %max3A_14, %get3A_134, %dot_general3A_135 {dimension_numbers = #tpu.dot_dimension_numbers<[1], [0], [0], [1], [0, 0, 1, 1], [], []>, transpose_lhs_hint = false} : vector<1000x128xf32>, vector<128x128xf32>, vector<1000x128xf32> -> vector<1000x128xf32>
    %swap3A_137 = arith.constant 9 : index
    %swap3A_138 = arith.constant 0 : index
    %swap3A_139 = arith.constant 0 : index
    %swap3A_140 = vector.load %arg7[%swap3A_137, %swap3A_138, %swap3A_139] : memref<16x1000x128xf32, #tpu.memory_space<vmem>>, vector<1x1000x128xf32>
    %swap3A_141 = vector.shape_cast %swap3A_140 : vector<1x1000x128xf32> to vector<1000x128xf32>
    %swap3A_142 = vector.shape_cast %dot_general3A_136 : vector<1000x128xf32> to vector<1x1000x128xf32>
    tpu.vector_store %arg7[%swap3A_137, %swap3A_138, %swap3A_139], %swap3A_142 {strides = array<i32>} : memref<16x1000x128xf32, #tpu.memory_space<vmem>>, vector<1x1000x128xf32>,
    %get3A_143 = arith.constant 10 : index
    %get3A_144 = arith.constant 0 : index
    %get3A_145 = arith.constant 0 : index
    %get3A_146 = vector.load %arg4[%get3A_143, %get3A_144, %get3A_145] : memref<16x128x128xf32, #tpu.memory_space<vmem>>, vector<1x128x128xf32>
    %get3A_147 = vector.shape_cast %get3A_146 : vector<1x128x128xf32> to vector<128x128xf32>
    %dot_general3A_148 = arith.constant dense<0.000000e+00> : vector<1000x128xf32>
    %dot_general3A_149 = tpu.matmul %max3A_14, %get3A_147, %dot_general3A_148 {dimension_numbers = #tpu.dot_dimension_numbers<[1], [0], [0], [1], [0, 0, 1, 1], [], []>, transpose_lhs_hint = false} : vector<1000x128xf32>, vector<128x128xf32>, vector<1000x128xf32> -> vector<1000x128xf32>
    %swap3A_150 = arith.constant 10 : index
    %swap3A_151 = arith.constant 0 : index
    %swap3A_152 = arith.constant 0 : index
    %swap3A_153 = vector.load %arg7[%swap3A_150, %swap3A_151, %swap3A_152] : memref<16x1000x128xf32, #tpu.memory_space<vmem>>, vector<1x1000x128xf32>
    %swap3A_154 = vector.shape_cast %swap3A_153 : vector<1x1000x128xf32> to vector<1000x128xf32>
    %swap3A_155 = vector.shape_cast %dot_general3A_149 : vector<1000x128xf32> to vector<1x1000x128xf32>
    tpu.vector_store %arg7[%swap3A_150, %swap3A_151, %swap3A_152], %swap3A_155 {strides = array<i32>} : memref<16x1000x128xf32, #tpu.memory_space<vmem>>, vector<1x1000x128xf32>,
    %get3A_156 = arith.constant 11 : index
    %get3A_157 = arith.constant 0 : index
    %get3A_158 = arith.constant 0 : index
    %get3A_159 = vector.load %arg4[%get3A_156, %get3A_157, %get3A_158] : memref<16x128x128xf32, #tpu.memory_space<vmem>>, vector<1x128x128xf32>
    %get3A_160 = vector.shape_cast %get3A_159 : vector<1x128x128xf32> to vector<128x128xf32>
    %dot_general3A_161 = arith.constant dense<0.000000e+00> : vector<1000x128xf32>
    %dot_general3A_162 = tpu.matmul %max3A_14, %get3A_160, %dot_general3A_161 {dimension_numbers = #tpu.dot_dimension_numbers<[1], [0], [0], [1], [0, 0, 1, 1], [], []>, transpose_lhs_hint = false} : vector<1000x128xf32>, vector<128x128xf32>, vector<1000x128xf32> -> vector<1000x128xf32>
    %swap3A_163 = arith.constant 11 : index
    %swap3A_164 = arith.constant 0 : index
    %swap3A_165 = arith.constant 0 : index
    %swap3A_166 = vector.load %arg7[%swap3A_163, %swap3A_164, %swap3A_165] : memref<16x1000x128xf32, #tpu.memory_space<vmem>>, vector<1x1000x128xf32>
    %swap3A_167 = vector.shape_cast %swap3A_166 : vector<1x1000x128xf32> to vector<1000x128xf32>
    %swap3A_168 = vector.shape_cast %dot_general3A_162 : vector<1000x128xf32> to vector<1x1000x128xf32>
    tpu.vector_store %arg7[%swap3A_163, %swap3A_164, %swap3A_165], %swap3A_168 {strides = array<i32>} : memref<16x1000x128xf32, #tpu.memory_space<vmem>>, vector<1x1000x128xf32>,
    %get3A_169 = arith.constant 12 : index
    %get3A_170 = arith.constant 0 : index
    %get3A_171 = arith.constant 0 : index
    %get3A_172 = vector.load %arg4[%get3A_169, %get3A_170, %get3A_171] : memref<16x128x128xf32, #tpu.memory_space<vmem>>, vector<1x128x128xf32>
    %get3A_173 = vector.shape_cast %get3A_172 : vector<1x128x128xf32> to vector<128x128xf32>
    %dot_general3A_174 = arith.constant dense<0.000000e+00> : vector<1000x128xf32>
    %dot_general3A_175 = tpu.matmul %max3A_14, %get3A_173, %dot_general3A_174 {dimension_numbers = #tpu.dot_dimension_numbers<[1], [0], [0], [1], [0, 0, 1, 1], [], []>, transpose_lhs_hint = false} : vector<1000x128xf32>, vector<128x128xf32>, vector<1000x128xf32> -> vector<1000x128xf32>
    %swap3A_176 = arith.constant 12 : index
    %swap3A_177 = arith.constant 0 : index
    %swap3A_178 = arith.constant 0 : index
    %swap3A_179 = vector.load %arg7[%swap3A_176, %swap3A_177, %swap3A_178] : memref<16x1000x128xf32, #tpu.memory_space<vmem>>, vector<1x1000x128xf32>
    %swap3A_180 = vector.shape_cast %swap3A_179 : vector<1x1000x128xf32> to vector<1000x128xf32>
    %swap3A_181 = vector.shape_cast %dot_general3A_175 : vector<1000x128xf32> to vector<1x1000x128xf32>
    tpu.vector_store %arg7[%swap3A_176, %swap3A_177, %swap3A_178], %swap3A_181 {strides = array<i32>} : memref<16x1000x128xf32, #tpu.memory_space<vmem>>, vector<1x1000x128xf32>,
    %get3A_182 = arith.constant 13 : index
    %get3A_183 = arith.constant 0 : index
    %get3A_184 = arith.constant 0 : index
    %get3A_185 = vector.load %arg4[%get3A_182, %get3A_183, %get3A_184] : memref<16x128x128xf32, #tpu.memory_space<vmem>>, vector<1x128x128xf32>
    %get3A_186 = vector.shape_cast %get3A_185 : vector<1x128x128xf32> to vector<128x128xf32>
    %dot_general3A_187 = arith.constant dense<0.000000e+00> : vector<1000x128xf32>
    %dot_general3A_188 = tpu.matmul %max3A_14, %get3A_186, %dot_general3A_187 {dimension_numbers = #tpu.dot_dimension_numbers<[1], [0], [0], [1], [0, 0, 1, 1], [], []>, transpose_lhs_hint = false} : vector<1000x128xf32>, vector<128x128xf32>, vector<1000x128xf32> -> vector<1000x128xf32>
    %swap3A_189 = arith.constant 13 : index
    %swap3A_190 = arith.constant 0 : index
    %swap3A_191 = arith.constant 0 : index
    %swap3A_192 = vector.load %arg7[%swap3A_189, %swap3A_190, %swap3A_191] : memref<16x1000x128xf32, #tpu.memory_space<vmem>>, vector<1x1000x128xf32>
    %swap3A_193 = vector.shape_cast %swap3A_192 : vector<1x1000x128xf32> to vector<1000x128xf32>
    %swap3A_194 = vector.shape_cast %dot_general3A_188 : vector<1000x128xf32> to vector<1x1000x128xf32>
    tpu.vector_store %arg7[%swap3A_189, %swap3A_190, %swap3A_191], %swap3A_194 {strides = array<i32>} : memref<16x1000x128xf32, #tpu.memory_space<vmem>>, vector<1x1000x128xf32>,
    %get3A_195 = arith.constant 14 : index
    %get3A_196 = arith.constant 0 : index
    %get3A_197 = arith.constant 0 : index
    %get3A_198 = vector.load %arg4[%get3A_195, %get3A_196, %get3A_197] : memref<16x128x128xf32, #tpu.memory_space<vmem>>, vector<1x128x128xf32>
    %get3A_199 = vector.shape_cast %get3A_198 : vector<1x128x128xf32> to vector<128x128xf32>
    %dot_general3A_200 = arith.constant dense<0.000000e+00> : vector<1000x128xf32>
    %dot_general3A_201 = tpu.matmul %max3A_14, %get3A_199, %dot_general3A_200 {dimension_numbers = #tpu.dot_dimension_numbers<[1], [0], [0], [1], [0, 0, 1, 1], [], []>, transpose_lhs_hint = false} : vector<1000x128xf32>, vector<128x128xf32>, vector<1000x128xf32> -> vector<1000x128xf32>
    %swap3A_202 = arith.constant 14 : index
    %swap3A_203 = arith.constant 0 : index
    %swap3A_204 = arith.constant 0 : index
    %swap3A_205 = vector.load %arg7[%swap3A_202, %swap3A_203, %swap3A_204] : memref<16x1000x128xf32, #tpu.memory_space<vmem>>, vector<1x1000x128xf32>
    %swap3A_206 = vector.shape_cast %swap3A_205 : vector<1x1000x128xf32> to vector<1000x128xf32>
    %swap3A_207 = vector.shape_cast %dot_general3A_201 : vector<1000x128xf32> to vector<1x1000x128xf32>
    tpu.vector_store %arg7[%swap3A_202, %swap3A_203, %swap3A_204], %swap3A_207 {strides = array<i32>} : memref<16x1000x128xf32, #tpu.memory_space<vmem>>, vector<1x1000x128xf32>,
    %get3A_208 = arith.constant 15 : index
    %get3A_209 = arith.constant 0 : index
    %get3A_210 = arith.constant 0 : index
    %get3A_211 = vector.load %arg4[%get3A_208, %get3A_209, %get3A_210] : memref<16x128x128xf32, #tpu.memory_space<vmem>>, vector<1x128x128xf32>
    %get3A_212 = vector.shape_cast %get3A_211 : vector<1x128x128xf32> to vector<128x128xf32>
    %dot_general3A_213 = arith.constant dense<0.000000e+00> : vector<1000x128xf32>
    %dot_general3A_214 = tpu.matmul %max3A_14, %get3A_212, %dot_general3A_213 {dimension_numbers = #tpu.dot_dimension_numbers<[1], [0], [0], [1], [0, 0, 1, 1], [], []>, transpose_lhs_hint = false} : vector<1000x128xf32>, vector<128x128xf32>, vector<1000x128xf32> -> vector<1000x128xf32>
    %swap3A_215 = arith.constant 15 : index
    %swap3A_216 = arith.constant 0 : index
    %swap3A_217 = arith.constant 0 : index
    %swap3A_218 = vector.load %arg7[%swap3A_215, %swap3A_216, %swap3A_217] : memref<16x1000x128xf32, #tpu.memory_space<vmem>>, vector<1x1000x128xf32>
    %swap3A_219 = vector.shape_cast %swap3A_218 : vector<1x1000x128xf32> to vector<1000x128xf32>
    %swap3A_220 = vector.shape_cast %dot_general3A_214 : vector<1000x128xf32> to vector<1x1000x128xf32>
    tpu.vector_store %arg7[%swap3A_215, %swap3A_216, %swap3A_217], %swap3A_220 {strides = array<i32>} : memref<16x1000x128xf32, #tpu.memory_space<vmem>>, vector<1x1000x128xf32>,
    %get3A_221 = arith.constant 0 : index
    %get3A_222 = arith.constant 0 : index
    %get3A_223 = vector.load %arg5[%get3A_221, %get3A_222] : memref<128x128xf32, #tpu.memory_space<vmem>>, vector<128x128xf32>
    %dot_general3A_224 = arith.constant dense<0.000000e+00> : vector<1000x128xf32>
    %dot_general3A_225 = tpu.matmul %max3A_14, %get3A_223, %dot_general3A_224 {dimension_numbers = #tpu.dot_dimension_numbers<[1], [0], [0], [1], [0, 0, 1, 1], [], []>, transpose_lhs_hint = false} : vector<1000x128xf32>, vector<128x128xf32>, vector<1000x128xf32> -> vector<1000x128xf32>
    %get3A_226 = arith.constant 0 : index
    %get3A_227 = arith.constant 0 : index
    %get3A_228 = vector.load %arg6[%get3A_226, %get3A_227] : memref<1x128xf32, #tpu.memory_space<vmem>>, vector<1x128xf32>
    %add3A_229 = vector.broadcast %get3A_228 : vector<1x128xf32> to vector<1000x128xf32>
    %add3A_230 = arith.addf %dot_general3A_225, %add3A_229 : vector<1000x128xf32>
    %swap3A_231 = arith.constant 0 : index
    %swap3A_232 = arith.constant 0 : index
    %swap3A_233 = vector.load %arg8[%swap3A_231, %swap3A_232] : memref<1000x128xf32, #tpu.memory_space<vmem>>, vector<1000x128xf32>
    tpu.vector_store %arg8[%swap3A_231, %swap3A_232], %add3A_230 {strides = array<i32>} : memref<1000x128xf32, #tpu.memory_space<vmem>>, vector<1000x128xf32>,
    return
  }
  func.func @transform_0(%arg0: i32) -> (i32, i32, i32) {
    %c0_i32 = arith.constant 0 : i32
    %c0_i32_0 = arith.constant 0 : i32
    %c0_i32_1 = arith.constant 0 : i32
    return %c0_i32, %arg0, %c0_i32_0 : i32, i32, i32
  }
  func.func @transform_1(%arg0: i32) -> (i32, i32, i32) {
    %c1_i32 = arith.constant 1 : i32
    %c0_i32 = arith.constant 0 : i32
    %c0_i32_0 = arith.constant 0 : i32
    return %c1_i32, %arg0, %c0_i32 : i32, i32, i32
  }
  func.func @transform_2(%arg0: i32) -> (i32, i32) {
    %c0_i32 = arith.constant 0 : i32
    %c0_i32_0 = arith.constant 0 : i32
    return %arg0, %c0_i32 : i32, i32
  }
  func.func @transform_3(%arg0: i32) -> (i32, i32, i32) {
    %c0_i32 = arith.constant 0 : i32
    %c0_i32_0 = arith.constant 0 : i32
    %c0_i32_1 = arith.constant 0 : i32
    %c0_i32_2 = arith.constant 0 : i32
    return %c0_i32, %c0_i32_0, %c0_i32_1 : i32, i32, i32
  }
  func.func @transform_4(%arg0: i32) -> (i32, i32) {
    %c0_i32 = arith.constant 0 : i32
    %c0_i32_0 = arith.constant 0 : i32
    %c0_i32_1 = arith.constant 0 : i32
    return %c0_i32, %c0_i32_0 : i32, i32
  }
  func.func @transform_5(%arg0: i32) -> (i32, i32) {
    %c0_i32 = arith.constant 0 : i32
    %c0_i32_0 = arith.constant 0 : i32
    %c0_i32_1 = arith.constant 0 : i32
    return %c0_i32, %c0_i32_0 : i32, i32
  }
  func.func @transform_6(%arg0: i32) -> (i32, i32, i32) {
    %c0_i32 = arith.constant 0 : i32
    %c0_i32_0 = arith.constant 0 : i32
    %c0_i32_1 = arith.constant 0 : i32
    return %c0_i32, %arg0, %c0_i32_0 : i32, i32, i32
  }
  func.func @transform_7(%arg0: i32) -> (i32, i32) {
    %c0_i32 = arith.constant 0 : i32
    %c0_i32_0 = arith.constant 0 : i32
    return %arg0, %c0_i32 : i32, i32
  }
}

module attributes {stable_mosaic.version = 14 : i64} {
  func.func @_final_body(%arg0: i32, %arg1: memref<1x1000x128xf32, #tpu.memory_space<vmem>>, %arg2: memref<1x1000x128xf32, #tpu.memory_space<vmem>>, %arg3: memref<1000x128xf32, #tpu.memory_space<vmem>>, %arg4: memref<1000x128xf32, #tpu.memory_space<vmem>>) attributes {dimension_semantics = [#tpu.dimension_semantics<arbitrary>], iteration_bounds = array<i64: 10>, scalar_prefetch = 0 : i64, scratch_operands = 0 : i64, tpu.core_type = #tpu.core_type<tc>, window_params = [{transform_indices = @transform_0, window_bounds = array<i64: 1, 1000, 128>}, {transform_indices = @transform_1, window_bounds = array<i64: 1, 1000, 128>}, {transform_indices = @transform_2, window_bounds = array<i64: 1000, 128>}, {transform_indices = @transform_3, window_bounds = array<i64: 1000, 128>}]} {
    %get3A = arith.constant 0 : index
    %get3A_0 = arith.constant 0 : index
    %get3A_1 = arith.constant 0 : index
    %get3A_2 = vector.load %arg1[%get3A, %get3A_0, %get3A_1] : memref<1x1000x128xf32, #tpu.memory_space<vmem>>, vector<1x1000x128xf32>
    %get3A_3 = vector.shape_cast %get3A_2 : vector<1x1000x128xf32> to vector<1000x128xf32>
    %get3A_4 = arith.constant 0 : index
    %get3A_5 = arith.constant 0 : index
    %get3A_6 = arith.constant 0 : index
    %get3A_7 = vector.load %arg2[%get3A_4, %get3A_5, %get3A_6] : memref<1x1000x128xf32, #tpu.memory_space<vmem>>, vector<1x1000x128xf32>
    %get3A_8 = vector.shape_cast %get3A_7 : vector<1x1000x128xf32> to vector<1000x128xf32>
    %add3A = arith.addf %get3A_3, %get3A_8 : vector<1000x128xf32>
    %get3A_9 = arith.constant 0 : index
    %get3A_10 = arith.constant 0 : index
    %get3A_11 = vector.load %arg3[%get3A_9, %get3A_10] : memref<1000x128xf32, #tpu.memory_space<vmem>>, vector<1000x128xf32>
    %add3A_12 = arith.addf %add3A, %get3A_11 : vector<1000x128xf32>
    %swap3A = arith.constant 0 : index
    %swap3A_13 = arith.constant 0 : index
    %swap3A_14 = vector.load %arg4[%swap3A, %swap3A_13] : memref<1000x128xf32, #tpu.memory_space<vmem>>, vector<1000x128xf32>
    tpu.vector_store %arg4[%swap3A, %swap3A_13], %add3A_12 {strides = array<i32>} : memref<1000x128xf32, #tpu.memory_space<vmem>>, vector<1000x128xf32>,
    return
  }
  func.func @transform_0(%arg0: i32) -> (i32, i32, i32) {
    %c0_i32 = arith.constant 0 : i32
    %c0_i32_0 = arith.constant 0 : i32
    %c0_i32_1 = arith.constant 0 : i32
    return %c0_i32, %arg0, %c0_i32_0 : i32, i32, i32
  }
  func.func @transform_1(%arg0: i32) -> (i32, i32, i32) {
    %c1_i32 = arith.constant 1 : i32
    %c0_i32 = arith.constant 0 : i32
    %c0_i32_0 = arith.constant 0 : i32
    return %c1_i32, %arg0, %c0_i32 : i32, i32, i32
  }
  func.func @transform_2(%arg0: i32) -> (i32, i32) {
    %c0_i32 = arith.constant 0 : i32
    %c0_i32_0 = arith.constant 0 : i32
    return %arg0, %c0_i32 : i32, i32
  }
  func.func @transform_3(%arg0: i32) -> (i32, i32) {
    %c0_i32 = arith.constant 0 : i32
    %c0_i32_0 = arith.constant 0 : i32
    return %arg0, %c0_i32 : i32, i32
  }
}

</mosaic_0001>

<sc_bundles>
// kernel: kernel.10.cloned.1.call-start
scs
__scs_entry_jumppad:
0x0: {  	(pc) =	sbr.rel $0x88, $3  }
0x1: {  	(tag) =	ssettag $0x0;
	lr =	simm.s32 $0x1  }
0x2: {  	[smem:$0x3F93] =	sst lr;
	_ =	strace $0xD0000000  }
0x3: {  	_ = 	snop  }
0x4: {  	_ = 	snop  }
0x5: {  	_ = 	snop  }
0x6: {  	_ = 	snop  }
0x7: {  	_ = 	snop  }
__scs_overlays_trampoline_lowered:
0x8: {  	[smem:$0x3FA2] =	sst s0  }
0x9: {  	[smem:$0x3FA3] =	sst s1  }
0xa: {  	[smem:$0x3FA4] =	sst s2  }
0xb: {  	[smem:$0x3FA5] =	sst s3  }
0xc: {  	[smem:$0x3FA6] =	sst s4  }
0xd: {  	[smem:$0x3FA7] =	sst s5  }
0xe: {  	[smem:$0x3FA8] =	sst s6  }
0xf: {  	[smem:$0x3FA9] =	sst s7  }
0x10: {  	[smem:$0x3FAA] =	sst s8  }
0x11: {  	[smem:$0x3FAB] =	sst s9;
	s0 =	simm.s32 @!p0 $0x0  }
0x12: {  	s1 =	sld [smem:$0x3F91];
	s0 =	simm.s32 @p0 $0x1  }
0x13: {  	[smem:$0x3FAC] =	sst s0;
	s0 =	simm.s32 @!p1 $0x0  }
0x14: {  	s2 =	sld [smem:$0x3F90];
	s0 =	simm.s32 @p1 $0x1  }
0x15: {  	[smem:$0x3FAD] =	sst s0;
	s0 =	simm.s32 @!p2 $0x0  }
0x16: {  	s3 =	sld [smem:$0x3FDB];
	s0 =	simm.s32 @p2 $0x1  }
0x17: {  	s4 =	simm.s32 $0x1BF5;
	[smem:$0x3FAF] =	sst s0  }
0x18: {  	s0 =	sld [smem:$0x3F92];
	_ =	swait.ge [sflag:s4], $0x0  }
0x19: {  	s7 =	sld [smem:$0x3F93]  }
0x1a: {  	s8 =	sadd.s32 $0xFFFFE003, lr  }
0x1b: {  	s9 =	sadd.s32 $0xFFFFFEF7, lr;
	s5 =	simm.s32 $0xFFFFFFFF;
	p2 =	slt.u32 s8, $0xFFFFF086  }
0x1c: {  	p1 =	slt.u32 s9, $0xF7A;
	s5 =	simm.s32 @!p2 $0x0  }
0x1d: {  	s5 =	simm.s32 @p1 $0x1;
	p0 =	seq.s32 s7, s2  }
0x1e: {  	s7 =	smul.u32 @!p0 $0xF7A, s2;
	p2 =	seq.s32 @!p0 s5, $0x0  }
0x1f: {  	s9 =	smul.u32 $0xF7A, s1;
	s8 =	simm.s32 @!p0 $0x1BF5;
	p2 =	por !p2, p0  }
0x20: {  	[sflag:s8] =	ssyncset.s32 @!p0 $0xFFFFF086;
	s6 =	sadd.s32 @!p0 s3, s7;
	s7 =	simm.s32 @!p0 $0x108  }
0x21: {  	s3 =	sadd.s32 s3, s9;
	s6 =	sadd.s32 @!p0 $0x88, s6;
	s7 =	simm.s32 @p2 $0x1082  }
0x22: {  	[simem:s7], [sflag:s8] =	dma.local @!p0 [hbm:s6], $0xF7A  }
0x23: {  	s9 =	sor.u32 $0xD0000000, s2;
	s6 =	simm.s32 $0x108;
	_ =	swait.ge @!p0 [sflag:s8], $0x0  }
0x24: {  	s3 =	sadd.s32 $0x88, s3;
	s6 =	simm.s32 @!p1 $0x1082;
	[sflag:s4] =	ssyncset.s32 $0xFFFFF086  }
0x25: {  	[simem:s6], [sflag:s4] =	dma.local [hbm:s3], $0xF7A  }
0x26: {  	[smem:$0x3F93] =	sst s1;
	(tag) =	ssettag s2;
	_ =	strace s9  }
0x27: {  	s1 =	sld [smem:$0x3FA3]  }
0x28: {  	s2 =	sld [smem:$0x3FA4]  }
0x29: {  	s4 =	sld [smem:$0x3FA6]  }
0x2a: {  	p0 =	seq.s32 s5, $0x0;
	s5 =	sld [smem:$0x3FA7]  }
0x2b: {  	s6 =	sld [smem:$0x3FA8]  }
0x2c: {  	s7 =	sld [smem:$0x3FA9]  }
0x2d: {  	s3 =	simm.s32 $0x108;
	s8 =	sld [smem:$0x3FAA]  }
0x2e: {  	s3 =	simm.s32 @!p0 $0x1082;
	s9 =	sld [smem:$0x3FAB]  }
0x2f: {  	lr =	sadd.s32 s0, s3;
	s0 =	sld [smem:$0x3FA2]  }
0x30: {  	s3 =	sld [smem:$0x3FA5]  }
0x31: {  	[smem:$0x3FAE] =	sst s10  }
0x32: {  	s10 =	sld [smem:$0x3FAC];
	_ =	sdelay $0x3  }
0x33: {  	p0 =	seq.s32 s10, $0x1;
	s10 =	sld [smem:$0x3FAE];
	_ =	sdelay $0x3  }
0x34: {  	[smem:$0x3FAE] =	sst s10  }
0x35: {  	s10 =	sld [smem:$0x3FAD];
	_ =	sdelay $0x3  }
0x36: {  	p1 =	seq.s32 s10, $0x1;
	s10 =	sld [smem:$0x3FAE];
	_ =	sdelay $0x3  }
0x37: {  	[smem:$0x3FAE] =	sst s10  }
0x38: {  	s10 =	sld [smem:$0x3FAF]  }
0x39: {  	_ = 	snop;
	(pc) =	sbr.ind lr, $3  }
0x3a: {  	_ = 	snop  }
0x3b: {  	_ = 	snop  }
0x3c: {  	p2 =	seq.s32 s10, $0x1;
	s10 =	sld [smem:$0x3FAE]  }
0x3d: {  	_ =	shalt  }
0x3e: {  	_ =	shalt  }
0x3f: {  	_ =	shalt  }
0x40: {  	_ =	shalt  }
0x41: {  	_ =	shalt  }
0x42: {  	_ =	shalt  }
0x43: {  	_ =	shalt  }
0x44: {  	_ =	shalt  }
0x45: {  	_ =	shalt  }
0x46: {  	_ =	shalt  }
0x47: {  	_ =	shalt  }
0x48: {  	_ =	shalt  }
0x49: {  	_ =	shalt  }
0x4a: {  	_ =	shalt  }
0x4b: {  	_ =	shalt  }
0x4c: {  	_ =	shalt  }
0x4d: {  	_ =	shalt  }
0x4e: {  	_ =	shalt  }
0x4f: {  	_ =	shalt  }
0x50: {  	_ =	shalt  }
0x51: {  	_ =	shalt  }
0x52: {  	_ =	shalt  }
0x53: {  	_ =	shalt  }
0x54: {  	_ =	shalt  }
0x55: {  	_ =	shalt  }
0x56: {  	_ =	shalt  }
0x57: {  	_ =	shalt  }
0x58: {  	_ =	shalt  }
0x59: {  	_ =	shalt  }
0x5a: {  	_ =	shalt  }
0x5b: {  	_ =	shalt  }
0x5c: {  	_ =	shalt  }
0x5d: {  	_ =	shalt  }
0x5e: {  	_ =	shalt  }
0x5f: {  	_ =	shalt  }
0x60: {  	_ =	shalt  }
0x61: {  	_ =	shalt  }
0x62: {  	_ =	shalt  }
0x63: {  	_ =	shalt  }
0x64: {  	_ =	shalt  }
0x65: {  	_ =	shalt  }
0x66: {  	_ =	shalt  }
0x67: {  	_ =	shalt  }
0x68: {  	_ =	shalt  }
0x69: {  	_ =	shalt  }
0x6a: {  	_ =	shalt  }
0x6b: {  	_ =	shalt  }
0x6c: {  	_ =	shalt  }
0x6d: {  	_ =	shalt  }
0x6e: {  	_ =	shalt  }
0x6f: {  	_ =	shalt  }
0x70: {  	_ =	shalt  }
0x71: {  	_ =	shalt  }
0x72: {  	_ =	shalt  }
0x73: {  	_ =	shalt  }
0x74: {  	_ =	shalt  }
0x75: {  	_ =	shalt  }
0x76: {  	_ =	shalt  }
0x77: {  	_ =	shalt  }
0x78: {  	_ =	shalt  }
0x79: {  	_ =	shalt  }
0x7a: {  	_ =	shalt  }
0x7b: {  	_ =	shalt  }
0x7c: {  	_ =	shalt  }
0x7d: {  	_ =	shalt  }
0x7e: {  	_ =	shalt  }
0x7f: {  	_ =	shalt  }
0x80: {  	_ =	shalt  }
0x81: {  	_ =	shalt  }
0x82: {  	_ =	shalt  }
0x83: {  	_ =	shalt  }
0x84: {  	_ =	shalt  }
0x85: {  	_ =	shalt  }
0x86: {  	_ =	shalt  }
0x87: {  	_ =	shalt  }
.Lfunc_end0:
.L_simem_size_0:
called_computation.1_lowered:
.L_overlay_start_0:
0x88: {  	s2 =	sld [smem:$0x3FD9]  }
0x89: {  	s3 =	sld [smem:$0x3FFE];
	_ =	sdelay $0x1  }
0x8a: {  	s1 =	srdreg.scid  }
0x8b: {  	s0 =	sand.u32 $0x1, s1  }
0x8c: {  	s17 =	sshll.u32 s0, $0xA;
	s2 =	sadd.s32 s3, s2  }
0x8d: {  	s2 =	sadd.s32 s2, s17  }
0x8e: {  	[smem:$0x3FBA] =	sst s2  }
0x8f: {  	_ = 	snop  }
0x90: {  	s2 =	sld [smem:$0x3FD0];
	(tm) =	ssettm $0x1  }
0x91: {  	s18 =	sld [smem:$0x3FFB];
	_ =	sdelay $0x3  }
0x92: {  	_ =	strace s18  }
0x93: {  	s3 =	sld [smem:$0x3FFC];
	_ =	sdelay $0x3  }
0x94: {  	_ =	strace s3  }
0x95: {  	s3 =	sld [smem:$0x3FFD];
	_ =	sdelay $0x3  }
0x96: {  	_ =	strace s3  }
0x97: {  	_ =	strace $0x8FFFFFFF  }
0x98: {  	s19 =	sld [smem:$0x3FDB];
	_ =	sdelay $0x1  }
0x99: {  	s4 =	simm.s32 $_scs_section_size  }
0x9a: {  	s5 =	simm.s32 $_size__tile_overlayer_lowered;
	s6 =	simm.s32 $_tile_overlayer_lowered  }
0x9b: {  	s22 =	simm.s32 $0x1BFF;
	s21 =	sshll.u32 s6, $0x1;
	s3 =	sadd.s32 s4, s19  }
0x9c: {  	s7 =	simm.s32 $0x0;
	s20 =	sshll.u32 s5, $0x1;
	s5 =	sadd.s32 s21, s3  }
0x9d: {  	[timem:s7], [sflag:s22] =	dma.local [hbm:s5], s20  }
0x9e: {  	_ =	swait.ge [sflag:s22], s20  }
0x9f: {  	s4 =	ssub.s32 $0x0, s20;
	[sflag:s22] =	ssyncset.done $0x0  }
0xa0: {  	[sflag:s22] =	ssyncadd.s32 s4;
	_ =	sdelay $0x1  }
0xa1: {  	s23 =	simm.s32 $0x1B8B  }
0xa2: {  	_ =	swait.ge [sflag:s23], $0x1  }
0xa3: {  	[sflag:s23] =	ssyncset.done $0x0  }
0xa4: {  	s25 =	simm.s32 $0x1B8E;
	s24 =	sld [smem:$0x3FFE];
	[sflag:s23] =	ssyncadd.s32 $0xFFFFFFFF  }
0xa5: {  	s26 =	simm.s32 $execute0_lowered;
	[smem:$0x3FD2] =	sst s25  }
0xa6: {  	s5 =	sshll.u32 s26, $0x1;
	_ =	strace $0x80000049;
	[dreg:$0x1] =	wrdreg $0xFFFFFFFF  }
0xa7: {  	s28 =	simm.s32 $_size_execute0_lowered;
	s3 =	sadd.s32 s3, s5;
	[dreg:$0x0] =	wrdreg $0x0  }
0xa8: {  	s5 =	sshll.u32 s28, $0x1;
	[dreg:$0x2] =	wrdreg s3  }
0xa9: {  	[dreg:$0x3] =	wrdreg s5  }
0xaa: {  	[dreg:$0x4] =	wrdreg $0xC0  }
0xab: {  	_ =	task [dreg:s7], $0x5FFFF  }
0xac: {  	[dreg:$0x1] =	wrdreg $0xFFFFFFFF  }
0xad: {  	[dreg:$0x0] =	wrdreg $0x60  }
0xae: {  	[dreg:$0x2] =	wrdreg s24  }
0xaf: {  	[dreg:$0x3] =	wrdreg s2  }
0xb0: {  	[dreg:$0x4] =	wrdreg $0x7E000  }
0xb1: {  	[dreg:$0x5] =	wrdreg $0x9  }
0xb2: {  	_ =	task.clear_ibuf [dreg:s7], $0x6FFFF;
	_ =	strace $0x90000049  }
0xb3: {  	s29 =	simm.s32 $0x9;
	_ =	strace $0x8000004B  }
0xb4: {  	_ =	swait.ge [sflag:s29], $0x1  }
0xb5: {  	[sflag:s29] =	ssyncadd.s32 $0xFFFFFFFF  }
0xb6: {  	_ =	strace $0x9000004B  }
0xb7: {  	_ =	sfence  }
0xb8: {  	s30 =	sld [smem:$0x0];
	_ =	sdelay $0x2  }
0xb9: {  	s31 =	sshll.u32 s1, $0xD;
	s1 =	sshrl.u32 s1, $0x2  }
0xba: {  	s3 =	sand.u32 $0x4000, s31;
	s1 =	sadd.s32 s1, s30  }
0xbb: {  	s0 =	sor.u32 s3, s0;
	s1 =	sshll.u32 s1, $0x11  }
0xbc: {  	s0 =	sor.u32 s1, s0  }
0xbd: {  	s0 =	sadd.s32 $0x8F2B, s0  }
0xbe: {  	[sflag:s0] =	ssyncadd.remote.s32 $0x1  }
0xbf: {  	_ =	sfence.sel $0xFFFF  }
0xc0: {  	[dreg:$0x0] =	wrdreg $0xFFFFFFFF;
	(pc) =	sbr.abs _section_cstart, $3  }
0xc1: {  	[dreg:$0x1] =	wrdreg $0xFFFFFFFF  }
0xc2: {  	_ =	task.clear_ibuf [dreg:s7], $0x2FFFF;
	_ =	strace $0x9FFFFFFF  }
0xc3: {  	(tm) =	ssettm $0x7FFFFFFF  }
tec
execute0_lowered:
.L_overlay_start_1:
0x0: {  	(tag) =	ssettag $0x1  }
0x1: {  	s6 =	rddreg [dreg:$0x0]  }
0x2: {  	s1 =	rddreg [dreg:$0x1]  }
0x3: {  	s2 =	rddreg [dreg:$0x2];
	s3 =	srdreg.scid;
	s4 =	simm.s32 $0x0  }
0x4: {  	s0 =	stileid.u32;
	s19 =	simm.s32 $0x200;
	s20 =	simm.s32 $0x2E00  }
0x5: {  	s28 =	simm.s32 $0x3;
	s29 =	simm.s32 $0x480;
	s9 =	smul.u32 $0x14000, s0  }
0x6: {  	s30 =	simm.s32 $0x0;
	s8 =	sand.u32 $0x1, s3;
	s13 =	smul.u32 $0x50000, s0  }
0x7: {  	[smem:$0x7FF] =	sst s4;
	s5 =	sadd.s32 $0x2800, s6;
	s17 =	smul.u32 $0x1F40, s0  }
0x8: {  	s12 =	sadd.s32 $0x273800, s6;
	s24 =	sshll.u32 s0, $0x6;
	s7 =	smul.u32 $0x140000, s8  }
0x9: {  	_ =	strace $0x8000004A;
	s21 =	ssub.s32 $0x2, s8;
	s10 =	sshll.u32 s8, $0x4  }
0xa: {  	s31 =	smul.u32 $0x1F400, s8;
	s11 =	sshrl.u32 s21, $0x1;
	s10 =	sor.u32 s0, s10  }
0xb: {  	s23 =	sshrl.u32 s13, $0x2;
	s7 =	sadd.s32 s9, s7;
	s22 =	smul.u32 $0xFA00, s10  }
0xc: {  	s15 =	ssub.s32 s21, s11;
	s10 =	smul.u32 $0x1F40, s10;
	s16 =	sadd.s32 s23, s2  }
0xd: {  	s18 =	sadd.s32 s31, s12;
	s21 =	simm.s32 $0x1;
	s23 =	simm.s32 $0x5600  }
0xe: {  	s7 =	sshrl.u32 s7, $0x3;
	s13 =	smax.u32 s15, $0x1;
	s15 =	sshrl.u32 s16, $0x3  }
0xf: {  	s16 =	simm.s32 $0x4;
	s14 =	sadd.s32 s7, s6;
	s6 =	sor.u32 $0x1C04, s24  }
0x10: {  	s25 =	sshrl.u32 s22, $0x3;
	s7 =	sadd.s32 s12, s10;
	s22 =	simm.s32 $0x400  }
0x11: {  	s24 =	simm.s32 $0x80;
	s26 =	sadd.s32 s12, s25;
	s12 =	sadd.s32 $0x2B2000, s14  }
0x12: {  	s14 =	sadd.s32 s17, s18;
	s17 =	simm.s32 $0x50;
	s18 =	simm.s32 $0x600  }
0x13: {  	s25 =	simm.s32 $0x2;
	s8 =	sadd.s32 $0x40, s26;
	s9 =	sadd.s32 $0x80, s26  }
0x14: {  	s10 =	sadd.s32 $0xC0, s26;
	s11 =	sadd.s32 $0x100, s26;
	s26 =	simm.s32 $0x280  }
.LBB2_1:
0x15: {  	[spmem:s15], [sflag:s6] =	dma.local [hbm:s1], $0x2800  }
0x16: {  	_ =	swait.ge [sflag:s16], $0x2800  }
0x17: {  	[sflag:s16] =	ssyncset.done $0x0  }
0x18: {  	[sflag:s16] =	ssyncadd.s32 $0xFFFFD800  }
0x19: {  	[bflag:$0x0] =	sbarrier.arrive $0xFFFF  }
0x1a: {  	[tilespmem:s4], [sflag:$0x4] =	stream.linear.gather [hbm4b:s7+s4], $0x180, $0x38;
	[tilespmem:$0x1BE00] =	vst v63  }
0x1b: {  	_ =	swait.ge [sflag:s16], $0x180  }
0x1c: {  	[sflag:s16] =	ssyncset.done $0x0  }
0x1d: {  	[sflag:s16] =	ssyncadd.s32 $0xFFFFFE80  }
0x1e: {  	[tilespmem:s18], [sflag:$0x1] =	stream.indirect.gather [hbm4b:s5+s17], $0x80, s4, s17, $0xb8;
	[tilespmem:$0x1BE00] =	vst v63  }
0x1f: {  	_ = 	snop  }
0x20: {  	[tilespmem:s19], [sflag:$0x4] =	stream.linear.gather [hbm4b:s8+s4], $0x180, $0x38;
	[tilespmem:$0x1BE00] =	vst v63  }
0x21: {  	_ =	swait.ge [sflag:s16], $0x180  }
0x22: {  	[sflag:s16] =	ssyncset.done $0x0  }
0x23: {  	[sflag:s16] =	ssyncadd.s32 $0xFFFFFE80  }
0x24: {  	[tilespmem:s20], [sflag:$0x2] =	stream.indirect.gather [hbm4b:s5+s17], $0x80, s19, s17, $0xb8;
	[tilespmem:$0x1BE00] =	vst v63  }
0x25: {  	_ =	swait.ge [sflag:s21], $0x2800  }
0x26: {  	[sflag:s21] =	ssyncset.done $0x0  }
0x27: {  	[sflag:s21] =	ssyncadd.s32 $0xFFFFD800  }
0x28: {  	[tilespmem:s22], [sflag:$0x4] =	stream.linear.gather [hbm4b:s9+s4], $0x180, $0x38;
	[tilespmem:$0x1BE00] =	vst v63  }
0x29: {  	_ =	swait.ge [sflag:s16], $0x180  }
0x2a: {  	[sflag:s16] =	ssyncset.done $0x0  }
0x2b: {  	[sflag:s16] =	ssyncadd.s32 $0xFFFFFE80  }
0x2c: {  	[tilespmem:s23], [sflag:$0x3] =	stream.indirect.gather [hbm4b:s5+s17], $0x80, s22, s17, $0xb8;
	[tilespmem:$0x1BE00] =	vst v63  }
0x2d: {  	_ = 	snop  }
0x2e: {  	[spmem:s2] =	stream.indirect.scatter.add.f32 [tilespmem:s18], [sflag:$0x1], $0x80, s24, s17, $0xb8;
	[tilespmem:$0x1BE00] =	vst v63  }
0x2f: {  	_ =	swait.ge [sflag:s25], $0x2800  }
0x30: {  	[sflag:s25] =	ssyncset.done $0x0  }
0x31: {  	[sflag:s25] =	ssyncadd.s32 $0xFFFFD800  }
0x32: {  	_ =	swait.ge [sflag:s21], $0x2800  }
0x33: {  	[sflag:s21] =	ssyncset.done $0x0  }
0x34: {  	[sflag:s21] =	ssyncadd.s32 $0xFFFFD800  }
0x35: {  	[tilespmem:s4], [sflag:$0x4] =	stream.linear.gather [hbm4b:s10+s4], $0x180, $0x38;
	[tilespmem:$0x1BE00] =	vst v63  }
0x36: {  	_ =	swait.ge [sflag:s16], $0x180  }
0x37: {  	[sflag:s16] =	ssyncset.done $0x0  }
0x38: {  	[sflag:s16] =	ssyncadd.s32 $0xFFFFFE80  }
0x39: {  	[tilespmem:s18], [sflag:$0x1] =	stream.indirect.gather [hbm4b:s5+s17], $0x80, s4, s17, $0xb8;
	[tilespmem:$0x1BE00] =	vst v63  }
0x3a: {  	_ = 	snop  }
0x3b: {  	[spmem:s2] =	stream.indirect.scatter.add.f32 [tilespmem:s20], [sflag:$0x2], $0x80, s26, s17, $0xb8;
	[tilespmem:$0x1BE00] =	vst v63  }
0x3c: {  	_ =	swait.ge [sflag:s28], $0x2800  }
0x3d: {  	[sflag:s28] =	ssyncset.done $0x0  }
0x3e: {  	[sflag:s28] =	ssyncadd.s32 $0xFFFFD800  }
0x3f: {  	_ =	swait.ge [sflag:s25], $0x2800  }
0x40: {  	[sflag:s25] =	ssyncset.done $0x0  }
0x41: {  	[sflag:s25] =	ssyncadd.s32 $0xFFFFD800  }
0x42: {  	[tilespmem:s19], [sflag:$0x4] =	stream.linear.gather [hbm4b:s11+s4], $0x180, $0x38;
	[tilespmem:$0x1BE00] =	vst v63  }
0x43: {  	_ =	swait.ge [sflag:s16], $0x180  }
0x44: {  	[sflag:s16] =	ssyncset.done $0x0  }
0x45: {  	[sflag:s16] =	ssyncadd.s32 $0xFFFFFE80  }
0x46: {  	[tilespmem:s20], [sflag:$0x2] =	stream.indirect.gather [hbm4b:s5+s17], $0x80, s19, s17, $0xb8;
	[tilespmem:$0x1BE00] =	vst v63  }
0x47: {  	_ = 	snop  }
0x48: {  	[spmem:s2] =	stream.indirect.scatter.add.f32 [tilespmem:s23], [sflag:$0x3], $0x80, s29, s17, $0xb8;
	[tilespmem:$0x1BE00] =	vst v63  }
0x49: {  	_ =	swait.ge [sflag:s21], $0x2800  }
0x4a: {  	[sflag:s21] =	ssyncset.done $0x0  }
0x4b: {  	[sflag:s21] =	ssyncadd.s32 $0xFFFFD800  }
0x4c: {  	_ =	swait.ge [sflag:s28], $0x2800  }
0x4d: {  	s31 =	sadd.s32 $0xFFFFE200, s14;
	[sflag:s28] =	ssyncset.done $0x0  }
0x4e: {  	s0 =	sadd.s32 $0x1F40, s31;
	[sflag:s28] =	ssyncadd.s32 $0xFFFFD800  }
0x4f: {  	[tilespmem:s22], [sflag:$0x4] =	stream.linear.gather [hbm4b:s0+s4], $0x180, $0x38;
	[tilespmem:$0x1BE00] =	vst v63  }
0x50: {  	_ =	swait.ge [sflag:s16], $0x180  }
0x51: {  	[sflag:s16] =	ssyncset.done $0x0  }
0x52: {  	[sflag:s16] =	ssyncadd.s32 $0xFFFFFE80  }
0x53: {  	[tilespmem:s23], [sflag:$0x3] =	stream.indirect.gather [hbm4b:s5+s17], $0x80, s22, s17, $0xb8;
	[tilespmem:$0x1BE00] =	vst v63  }
0x54: {  	_ = 	snop  }
0x55: {  	[spmem:s2] =	stream.indirect.scatter.add.f32 [tilespmem:s18], [sflag:$0x1], $0x80, s24, s17, $0xb8;
	[tilespmem:$0x1BE00] =	vst v63  }
0x56: {  	_ =	swait.ge [sflag:s25], $0x2800  }
0x57: {  	[sflag:s25] =	ssyncset.done $0x0  }
0x58: {  	[sflag:s25] =	ssyncadd.s32 $0xFFFFD800  }
0x59: {  	_ =	swait.ge [sflag:s21], $0x2800  }
0x5a: {  	[sflag:s21] =	ssyncset.done $0x0  }
0x5b: {  	s3 =	sadd.s32 $0x1F80, s31;
	[sflag:s21] =	ssyncadd.s32 $0xFFFFD800  }
0x5c: {  	[tilespmem:s4], [sflag:$0x4] =	stream.linear.gather [hbm4b:s3+s4], $0x180, $0x38;
	[tilespmem:$0x1BE00] =	vst v63  }
0x5d: {  	_ =	swait.ge [sflag:s16], $0x180  }
0x5e: {  	[sflag:s16] =	ssyncset.done $0x0  }
0x5f: {  	[sflag:s16] =	ssyncadd.s32 $0xFFFFFE80  }
0x60: {  	[tilespmem:s18], [sflag:$0x1] =	stream.indirect.gather [hbm4b:s5+s17], $0x80, s4, s17, $0xb8;
	[tilespmem:$0x1BE00] =	vst v63  }
0x61: {  	_ = 	snop  }
0x62: {  	[spmem:s2] =	stream.indirect.scatter.add.f32 [tilespmem:s20], [sflag:$0x2], $0x80, s26, s17, $0xb8;
	[tilespmem:$0x1BE00] =	vst v63  }
0x63: {  	_ =	swait.ge [sflag:s28], $0x2800  }
0x64: {  	[sflag:s28] =	ssyncset.done $0x0  }
0x65: {  	[sflag:s28] =	ssyncadd.s32 $0xFFFFD800  }
0x66: {  	_ =	swait.ge [sflag:s25], $0x2800  }
0x67: {  	[sflag:s25] =	ssyncset.done $0x0  }
0x68: {  	s3 =	sadd.s32 $0x1FC0, s31;
	[sflag:s25] =	ssyncadd.s32 $0xFFFFD800  }
0x69: {  	[tilespmem:s19], [sflag:$0x4] =	stream.linear.gather [hbm4b:s3+s4], $0x180, $0x38;
	[tilespmem:$0x1BE00] =	vst v63  }
0x6a: {  	_ =	swait.ge [sflag:s16], $0x180  }
0x6b: {  	[sflag:s16] =	ssyncset.done $0x0  }
0x6c: {  	s31 =	simm.s32 $0xFFFFE2C0;
	[sflag:s16] =	ssyncadd.s32 $0xFFFFFE80  }
0x6d: {  	[tilespmem:s20], [sflag:$0x2] =	stream.indirect.gather [hbm4b:s5+s17], $0x80, s19, s17, $0xb8;
	[tilespmem:$0x1BE00] =	vst v63  }
.LBB2_2:
0x6e: {  	[spmem:s2] =	stream.indirect.scatter.add.f32 [tilespmem:s23], [sflag:$0x3], $0x80, s29, s17, $0xb8;
	[tilespmem:$0x1BE00] =	vst v63  }
0x6f: {  	s0 =	smov.u32 s31  }
0x70: {  	p0 =	sne.s32 s31, $0xFFFFFF40;
	s31 =	sadd.s32 $0xC0, s31;
	_ =	swait.ge [sflag:s21], $0x2800  }
0x71: {  	[sflag:s21] =	ssyncset.done $0x0  }
0x72: {  	[sflag:s21] =	ssyncadd.s32 $0xFFFFD800  }
0x73: {  	_ =	swait.ge [sflag:s28], $0x2800  }
0x74: {  	s0 =	sadd.s32 s0, s14;
	[sflag:s28] =	ssyncset.done $0x0  }
0x75: {  	s3 =	sadd.s32 $0x1F40, s0;
	[sflag:s28] =	ssyncadd.s32 $0xFFFFD800  }
0x76: {  	[tilespmem:s22], [sflag:$0x4] =	stream.linear.gather [hbm4b:s3+s4], $0x180, $0x38;
	[tilespmem:$0x1BE00] =	vst v63  }
0x77: {  	_ =	swait.ge [sflag:s16], $0x180  }
0x78: {  	[sflag:s16] =	ssyncset.done $0x0  }
0x79: {  	[sflag:s16] =	ssyncadd.s32 $0xFFFFFE80  }
0x7a: {  	[tilespmem:s23], [sflag:$0x3] =	stream.indirect.gather [hbm4b:s5+s17], $0x80, s22, s17, $0xb8;
	[tilespmem:$0x1BE00] =	vst v63  }
0x7b: {  	_ = 	snop  }
0x7c: {  	[spmem:s2] =	stream.indirect.scatter.add.f32 [tilespmem:s18], [sflag:$0x1], $0x80, s24, s17, $0xb8;
	[tilespmem:$0x1BE00] =	vst v63  }
0x7d: {  	_ =	swait.ge [sflag:s25], $0x2800  }
0x7e: {  	[sflag:s25] =	ssyncset.done $0x0  }
0x7f: {  	[sflag:s25] =	ssyncadd.s32 $0xFFFFD800  }
0x80: {  	_ =	swait.ge [sflag:s21], $0x2800  }
0x81: {  	[sflag:s21] =	ssyncset.done $0x0  }
0x82: {  	s3 =	sadd.s32 $0x1F80, s0;
	[sflag:s21] =	ssyncadd.s32 $0xFFFFD800  }
0x83: {  	[tilespmem:s4], [sflag:$0x4] =	stream.linear.gather [hbm4b:s3+s4], $0x180, $0x38;
	[tilespmem:$0x1BE00] =	vst v63  }
0x84: {  	_ =	swait.ge [sflag:s16], $0x180  }
0x85: {  	[sflag:s16] =	ssyncset.done $0x0  }
0x86: {  	[sflag:s16] =	ssyncadd.s32 $0xFFFFFE80  }
0x87: {  	[tilespmem:s18], [sflag:$0x1] =	stream.indirect.gather [hbm4b:s5+s17], $0x80, s4, s17, $0xb8;
	[tilespmem:$0x1BE00] =	vst v63  }
0x88: {  	_ = 	snop  }
0x89: {  	[spmem:s2] =	stream.indirect.scatter.add.f32 [tilespmem:s20], [sflag:$0x2], $0x80, s26, s17, $0xb8;
	[tilespmem:$0x1BE00] =	vst v63  }
0x8a: {  	_ =	swait.ge [sflag:s28], $0x2800  }
0x8b: {  	[sflag:s28] =	ssyncset.done $0x0  }
0x8c: {  	[sflag:s28] =	ssyncadd.s32 $0xFFFFD800  }
0x8d: {  	_ =	swait.ge [sflag:s25], $0x2800  }
0x8e: {  	[sflag:s25] =	ssyncset.done $0x0  }
0x8f: {  	s0 =	sadd.s32 $0x1FC0, s0;
	[sflag:s25] =	ssyncadd.s32 $0xFFFFD800  }
0x90: {  	[tilespmem:s19], [sflag:$0x4] =	stream.linear.gather [hbm4b:s0+s4], $0x180, $0x38;
	[tilespmem:$0x1BE00] =	vst v63  }
.Ltmp0:
0x91: {  	_ = 	snop;
	(pc) =	sbr.rel @p0 .LBB2_2-.Ltmp0, $4  }
0x92: {  	_ =	swait.ge [sflag:s16], $0x180  }
0x93: {  	[sflag:s16] =	ssyncset.done $0x0  }
0x94: {  	[sflag:s16] =	ssyncadd.s32 $0xFFFFFE80  }
0x95: {  	[tilespmem:s20], [sflag:$0x2] =	stream.indirect.gather [hbm4b:s5+s17], $0x80, s19, s17, $0xb8;
	[tilespmem:$0x1BE00] =	vst v63  }
0x96: {  	[spmem:s2] =	stream.indirect.scatter.add.f32 [tilespmem:s23], [sflag:$0x3], $0x80, s29, s17, $0xb8;
	[tilespmem:$0x1BE00] =	vst v63  }
0x97: {  	_ =	swait.ge [sflag:s21], $0x2800  }
0x98: {  	[sflag:s21] =	ssyncset.done $0x0  }
0x99: {  	[sflag:s21] =	ssyncadd.s32 $0xFFFFD800  }
0x9a: {  	_ =	swait.ge [sflag:s28], $0x2800  }
0x9b: {  	[sflag:s28] =	ssyncset.done $0x0  }
0x9c: {  	[sflag:s28] =	ssyncadd.s32 $0xFFFFD800  }
0x9d: {  	[spmem:s2] =	stream.indirect.scatter.add.f32 [tilespmem:s18], [sflag:$0x1], $0x80, s24, s17, $0xb8;
	[tilespmem:$0x1BE00] =	vst v63  }
0x9e: {  	_ =	swait.ge [sflag:s25], $0x2800  }
0x9f: {  	[sflag:s25] =	ssyncset.done $0x0  }
0xa0: {  	[sflag:s25] =	ssyncadd.s32 $0xFFFFD800  }
0xa1: {  	_ =	swait.ge [sflag:s21], $0x2800  }
0xa2: {  	[sflag:s21] =	ssyncset.done $0x0  }
0xa3: {  	[sflag:s21] =	ssyncadd.s32 $0xFFFFD800  }
0xa4: {  	[spmem:s2] =	stream.indirect.scatter.add.f32 [tilespmem:s20], [sflag:$0x2], $0x80, s26, s17, $0xb8;
	[tilespmem:$0x1BE00] =	vst v63  }
0xa5: {  	_ =	swait.ge [sflag:s25], $0x2800  }
0xa6: {  	s30 =	sadd.s32 $0x1, s30;
	[sflag:s25] =	ssyncset.done $0x0  }
0xa7: {  	p0 =	sne.s32 s30, s13;
	[sflag:s25] =	ssyncadd.s32 $0xFFFFD800  }
.Ltmp1:
0xa8: {  	[bflag:$0x0] =	sbarrier.arrive $0xFFFF;
	(pc) =	sbr.rel @p0 .LBB2_1-.Ltmp1, $4  }
0xa9: {  	[hbm:s12], [sflag:s6] =	dma.local [spmem:s15], $0x2800  }
0xaa: {  	_ =	swait.ge [sflag:s16], $0x2800  }
0xab: {  	[sflag:s16] =	ssyncset.done $0x0  }
0xac: {  	[sflag:s16] =	ssyncadd.s32 $0xFFFFD800  }
0xad: {  	_ =	sfence.sel $0x180000  }
0xae: {  	[bflag:$0x0] =	sbarrier.arrive $0xFFFF  }
0xaf: {  	_ =	strace $0x9000004A  }
0xb0: {  	s0 =	stileid.u32;
	[bflag:$0x2] =	sbarrier.arrive $0xFFFF  }
0xb1: {  	p0 =	sne.s32 s0, $0x0;
	s0 =	rddreg [dreg:$0x3]  }
0xb2: {  	s0 =	sadd.s32 @!p0 $0x100000, s0  }
0xb3: {  	[sflag:s0] =	ssyncadd.tile.s32 @!p0 $0x1;
	_ =	shalt  }
.Lfunc_end2:
_tile_overlayer_lowered:
.L_overlay_start_2:
0xb4: {  	(tag) =	ssettag $0x2  }
0xb5: {  	s0 =	rddreg [dreg:$0x0];
	s2 =	stileid.u32  }
0xb6: {  	s1 =	rddreg [dreg:$0x1];
	p0 =	sne.s32 s2, $0x0  }
0xb7: {  	s3 =	rddreg [dreg:$0x2];
	[bflag:$0x3] =	sbarrier.arrive $0xFFFF;
	s2 =	simm.s32 @!p0 $0x1C04  }
0xb8: {  	[timem:s3], [sflag:s2] =	dma.local @!p0 [hbm:s0], s1  }
0xb9: {  	s0 =	simm.s32 @!p0 $0x4  }
0xba: {  	_ =	swait.ge @!p0 [sflag:s0], s1  }
0xbb: {  	s1 =	ssub.s32 @!p0 $0x0, s1;
	[sflag:s0] =	ssyncset.done @!p0 $0x0  }
0xbc: {  	[sflag:s0] =	ssyncadd.s32 @!p0 s1  }
0xbd: {  	[bflag:$0x3] =	sbarrier.arrive $0xFFFF  }
0xbe: {  	_ =	shalt  }

// kernel: kernel.7.cloned.1.call-start
scs
__scs_entry_jumppad:
0x0: {  	(pc) =	sbr.rel $0x88, $3  }
0x1: {  	(tag) =	ssettag $0x0;
	lr =	simm.s32 $0x1  }
0x2: {  	[smem:$0x3F93] =	sst lr;
	_ =	strace $0xD0000000  }
0x3: {  	_ = 	snop  }
0x4: {  	_ = 	snop  }
0x5: {  	_ = 	snop  }
0x6: {  	_ = 	snop  }
0x7: {  	_ = 	snop  }
__scs_overlays_trampoline_lowered:
0x8: {  	[smem:$0x3FA2] =	sst s0  }
0x9: {  	[smem:$0x3FA3] =	sst s1  }
0xa: {  	[smem:$0x3FA4] =	sst s2  }
0xb: {  	[smem:$0x3FA5] =	sst s3  }
0xc: {  	[smem:$0x3FA6] =	sst s4  }
0xd: {  	[smem:$0x3FA7] =	sst s5  }
0xe: {  	[smem:$0x3FA8] =	sst s6  }
0xf: {  	[smem:$0x3FA9] =	sst s7  }
0x10: {  	[smem:$0x3FAA] =	sst s8  }
0x11: {  	[smem:$0x3FAB] =	sst s9;
	s0 =	simm.s32 @!p0 $0x0  }
0x12: {  	s1 =	sld [smem:$0x3F91];
	s0 =	simm.s32 @p0 $0x1  }
0x13: {  	[smem:$0x3FAC] =	sst s0;
	s0 =	simm.s32 @!p1 $0x0  }
0x14: {  	s2 =	sld [smem:$0x3F90];
	s0 =	simm.s32 @p1 $0x1  }
0x15: {  	[smem:$0x3FAD] =	sst s0;
	s0 =	simm.s32 @!p2 $0x0  }
0x16: {  	s3 =	sld [smem:$0x3FDB];
	s0 =	simm.s32 @p2 $0x1  }
0x17: {  	s4 =	simm.s32 $0x1BF5;
	[smem:$0x3FAF] =	sst s0  }
0x18: {  	s0 =	sld [smem:$0x3F92];
	_ =	swait.ge [sflag:s4], $0x0  }
0x19: {  	s7 =	sld [smem:$0x3F93]  }
0x1a: {  	s8 =	sadd.s32 $0xFFFFE003, lr  }
0x1b: {  	s9 =	sadd.s32 $0xFFFFFEF7, lr;
	s5 =	simm.s32 $0xFFFFFFFF;
	p2 =	slt.u32 s8, $0xFFFFF086  }
0x1c: {  	p1 =	slt.u32 s9, $0xF7A;
	s5 =	simm.s32 @!p2 $0x0  }
0x1d: {  	s5 =	simm.s32 @p1 $0x1;
	p0 =	seq.s32 s7, s2  }
0x1e: {  	s7 =	smul.u32 @!p0 $0xF7A, s2;
	p2 =	seq.s32 @!p0 s5, $0x0  }
0x1f: {  	s9 =	smul.u32 $0xF7A, s1;
	s8 =	simm.s32 @!p0 $0x1BF5;
	p2 =	por !p2, p0  }
0x20: {  	[sflag:s8] =	ssyncset.s32 @!p0 $0xFFFFF086;
	s6 =	sadd.s32 @!p0 s3, s7;
	s7 =	simm.s32 @!p0 $0x108  }
0x21: {  	s3 =	sadd.s32 s3, s9;
	s6 =	sadd.s32 @!p0 $0x88, s6;
	s7 =	simm.s32 @p2 $0x1082  }
0x22: {  	[simem:s7], [sflag:s8] =	dma.local @!p0 [hbm:s6], $0xF7A  }
0x23: {  	s9 =	sor.u32 $0xD0000000, s2;
	s6 =	simm.s32 $0x108;
	_ =	swait.ge @!p0 [sflag:s8], $0x0  }
0x24: {  	s3 =	sadd.s32 $0x88, s3;
	s6 =	simm.s32 @!p1 $0x1082;
	[sflag:s4] =	ssyncset.s32 $0xFFFFF086  }
0x25: {  	[simem:s6], [sflag:s4] =	dma.local [hbm:s3], $0xF7A  }
0x26: {  	[smem:$0x3F93] =	sst s1;
	(tag) =	ssettag s2;
	_ =	strace s9  }
0x27: {  	s1 =	sld [smem:$0x3FA3]  }
0x28: {  	s2 =	sld [smem:$0x3FA4]  }
0x29: {  	s4 =	sld [smem:$0x3FA6]  }
0x2a: {  	p0 =	seq.s32 s5, $0x0;
	s5 =	sld [smem:$0x3FA7]  }
0x2b: {  	s6 =	sld [smem:$0x3FA8]  }
0x2c: {  	s7 =	sld [smem:$0x3FA9]  }
0x2d: {  	s3 =	simm.s32 $0x108;
	s8 =	sld [smem:$0x3FAA]  }
0x2e: {  	s3 =	simm.s32 @!p0 $0x1082;
	s9 =	sld [smem:$0x3FAB]  }
0x2f: {  	lr =	sadd.s32 s0, s3;
	s0 =	sld [smem:$0x3FA2]  }
0x30: {  	s3 =	sld [smem:$0x3FA5]  }
0x31: {  	[smem:$0x3FAE] =	sst s10  }
0x32: {  	s10 =	sld [smem:$0x3FAC];
	_ =	sdelay $0x3  }
0x33: {  	p0 =	seq.s32 s10, $0x1;
	s10 =	sld [smem:$0x3FAE];
	_ =	sdelay $0x3  }
0x34: {  	[smem:$0x3FAE] =	sst s10  }
0x35: {  	s10 =	sld [smem:$0x3FAD];
	_ =	sdelay $0x3  }
0x36: {  	p1 =	seq.s32 s10, $0x1;
	s10 =	sld [smem:$0x3FAE];
	_ =	sdelay $0x3  }
0x37: {  	[smem:$0x3FAE] =	sst s10  }
0x38: {  	s10 =	sld [smem:$0x3FAF]  }
0x39: {  	_ = 	snop;
	(pc) =	sbr.ind lr, $3  }
0x3a: {  	_ = 	snop  }
0x3b: {  	_ = 	snop  }
0x3c: {  	p2 =	seq.s32 s10, $0x1;
	s10 =	sld [smem:$0x3FAE]  }
0x3d: {  	_ =	shalt  }
0x3e: {  	_ =	shalt  }
0x3f: {  	_ =	shalt  }
0x40: {  	_ =	shalt  }
0x41: {  	_ =	shalt  }
0x42: {  	_ =	shalt  }
0x43: {  	_ =	shalt  }
0x44: {  	_ =	shalt  }
0x45: {  	_ =	shalt  }
0x46: {  	_ =	shalt  }
0x47: {  	_ =	shalt  }
0x48: {  	_ =	shalt  }
0x49: {  	_ =	shalt  }
0x4a: {  	_ =	shalt  }
0x4b: {  	_ =	shalt  }
0x4c: {  	_ =	shalt  }
0x4d: {  	_ =	shalt  }
0x4e: {  	_ =	shalt  }
0x4f: {  	_ =	shalt  }
0x50: {  	_ =	shalt  }
0x51: {  	_ =	shalt  }
0x52: {  	_ =	shalt  }
0x53: {  	_ =	shalt  }
0x54: {  	_ =	shalt  }
0x55: {  	_ =	shalt  }
0x56: {  	_ =	shalt  }
0x57: {  	_ =	shalt  }
0x58: {  	_ =	shalt  }
0x59: {  	_ =	shalt  }
0x5a: {  	_ =	shalt  }
0x5b: {  	_ =	shalt  }
0x5c: {  	_ =	shalt  }
0x5d: {  	_ =	shalt  }
0x5e: {  	_ =	shalt  }
0x5f: {  	_ =	shalt  }
0x60: {  	_ =	shalt  }
0x61: {  	_ =	shalt  }
0x62: {  	_ =	shalt  }
0x63: {  	_ =	shalt  }
0x64: {  	_ =	shalt  }
0x65: {  	_ =	shalt  }
0x66: {  	_ =	shalt  }
0x67: {  	_ =	shalt  }
0x68: {  	_ =	shalt  }
0x69: {  	_ =	shalt  }
0x6a: {  	_ =	shalt  }
0x6b: {  	_ =	shalt  }
0x6c: {  	_ =	shalt  }
0x6d: {  	_ =	shalt  }
0x6e: {  	_ =	shalt  }
0x6f: {  	_ =	shalt  }
0x70: {  	_ =	shalt  }
0x71: {  	_ =	shalt  }
0x72: {  	_ =	shalt  }
0x73: {  	_ =	shalt  }
0x74: {  	_ =	shalt  }
0x75: {  	_ =	shalt  }
0x76: {  	_ =	shalt  }
0x77: {  	_ =	shalt  }
0x78: {  	_ =	shalt  }
0x79: {  	_ =	shalt  }
0x7a: {  	_ =	shalt  }
0x7b: {  	_ =	shalt  }
0x7c: {  	_ =	shalt  }
0x7d: {  	_ =	shalt  }
0x7e: {  	_ =	shalt  }
0x7f: {  	_ =	shalt  }
0x80: {  	_ =	shalt  }
0x81: {  	_ =	shalt  }
0x82: {  	_ =	shalt  }
0x83: {  	_ =	shalt  }
0x84: {  	_ =	shalt  }
0x85: {  	_ =	shalt  }
0x86: {  	_ =	shalt  }
0x87: {  	_ =	shalt  }
.Lfunc_end0:
.L_simem_size_0:
called_computation_lowered:
.L_overlay_start_0:
0x88: {  	s2 =	sld [smem:$0x3FD9]  }
0x89: {  	s3 =	sld [smem:$0x3FFE];
	_ =	sdelay $0x1  }
0x8a: {  	s1 =	srdreg.scid  }
0x8b: {  	s0 =	sand.u32 $0x1, s1  }
0x8c: {  	s17 =	sshll.u32 s0, $0xA;
	s2 =	sadd.s32 s3, s2  }
0x8d: {  	s2 =	sadd.s32 s2, s17  }
0x8e: {  	[smem:$0x3FBA] =	sst s2  }
0x8f: {  	_ = 	snop  }
0x90: {  	s2 =	sld [smem:$0x3FD0];
	(tm) =	ssettm $0x1  }
0x91: {  	s18 =	sld [smem:$0x3FFB];
	_ =	sdelay $0x3  }
0x92: {  	_ =	strace s18  }
0x93: {  	s3 =	sld [smem:$0x3FFC];
	_ =	sdelay $0x3  }
0x94: {  	_ =	strace s3  }
0x95: {  	s3 =	sld [smem:$0x3FFD];
	_ =	sdelay $0x3  }
0x96: {  	_ =	strace s3  }
0x97: {  	_ =	strace $0x8FFFFFFF  }
0x98: {  	s19 =	sld [smem:$0x3FDB];
	_ =	sdelay $0x1  }
0x99: {  	s4 =	simm.s32 $_scs_section_size  }
0x9a: {  	s5 =	simm.s32 $_size__tile_overlayer_lowered;
	s6 =	simm.s32 $_tile_overlayer_lowered  }
0x9b: {  	s22 =	simm.s32 $0x1BFF;
	s21 =	sshll.u32 s6, $0x1;
	s3 =	sadd.s32 s4, s19  }
0x9c: {  	s7 =	simm.s32 $0x0;
	s20 =	sshll.u32 s5, $0x1;
	s5 =	sadd.s32 s21, s3  }
0x9d: {  	[timem:s7], [sflag:s22] =	dma.local [hbm:s5], s20  }
0x9e: {  	_ =	swait.ge [sflag:s22], s20  }
0x9f: {  	s4 =	ssub.s32 $0x0, s20;
	[sflag:s22] =	ssyncset.done $0x0  }
0xa0: {  	[sflag:s22] =	ssyncadd.s32 s4;
	_ =	sdelay $0x1  }
0xa1: {  	s23 =	simm.s32 $0x1B8B  }
0xa2: {  	_ =	swait.ge [sflag:s23], $0x1  }
0xa3: {  	[sflag:s23] =	ssyncset.done $0x0  }
0xa4: {  	s25 =	simm.s32 $0x1B8E;
	s24 =	sld [smem:$0x3FFE];
	[sflag:s23] =	ssyncadd.s32 $0xFFFFFFFF  }
0xa5: {  	s26 =	simm.s32 $execute0_lowered;
	[smem:$0x3FD2] =	sst s25  }
0xa6: {  	s5 =	sshll.u32 s26, $0x1;
	_ =	strace $0x80000046;
	[dreg:$0x1] =	wrdreg $0xFFFFFFFF  }
0xa7: {  	s28 =	simm.s32 $_size_execute0_lowered;
	s3 =	sadd.s32 s3, s5;
	[dreg:$0x0] =	wrdreg $0x0  }
0xa8: {  	s5 =	sshll.u32 s28, $0x1;
	[dreg:$0x2] =	wrdreg s3  }
0xa9: {  	[dreg:$0x3] =	wrdreg s5  }
0xaa: {  	[dreg:$0x4] =	wrdreg $0xC0  }
0xab: {  	_ =	task [dreg:s7], $0x5FFFF  }
0xac: {  	[dreg:$0x1] =	wrdreg $0xFFFFFFFF  }
0xad: {  	[dreg:$0x0] =	wrdreg $0x60  }
0xae: {  	[dreg:$0x2] =	wrdreg s24  }
0xaf: {  	[dreg:$0x3] =	wrdreg s2  }
0xb0: {  	[dreg:$0x4] =	wrdreg $0x7E000  }
0xb1: {  	[dreg:$0x5] =	wrdreg $0x9  }
0xb2: {  	_ =	task.clear_ibuf [dreg:s7], $0x6FFFF;
	_ =	strace $0x90000046  }
0xb3: {  	s29 =	simm.s32 $0x9;
	_ =	strace $0x80000048  }
0xb4: {  	_ =	swait.ge [sflag:s29], $0x1  }
0xb5: {  	[sflag:s29] =	ssyncadd.s32 $0xFFFFFFFF  }
0xb6: {  	_ =	strace $0x90000048  }
0xb7: {  	_ =	sfence  }
0xb8: {  	s30 =	sld [smem:$0x0];
	_ =	sdelay $0x2  }
0xb9: {  	s31 =	sshll.u32 s1, $0xD;
	s1 =	sshrl.u32 s1, $0x2  }
0xba: {  	s3 =	sand.u32 $0x4000, s31;
	s1 =	sadd.s32 s1, s30  }
0xbb: {  	s0 =	sor.u32 s3, s0;
	s1 =	sshll.u32 s1, $0x11  }
0xbc: {  	s0 =	sor.u32 s1, s0  }
0xbd: {  	s0 =	sadd.s32 $0x8F2B, s0  }
0xbe: {  	[sflag:s0] =	ssyncadd.remote.s32 $0x1  }
0xbf: {  	_ =	sfence.sel $0xFFFF  }
0xc0: {  	[dreg:$0x0] =	wrdreg $0xFFFFFFFF;
	(pc) =	sbr.abs _section_cstart, $3  }
0xc1: {  	[dreg:$0x1] =	wrdreg $0xFFFFFFFF  }
0xc2: {  	_ =	task.clear_ibuf [dreg:s7], $0x2FFFF;
	_ =	strace $0x9FFFFFFF  }
0xc3: {  	(tm) =	ssettm $0x7FFFFFFF  }
tec
execute0_lowered:
.L_overlay_start_1:
0x0: {  	(tag) =	ssettag $0x1  }
0x1: {  	s6 =	rddreg [dreg:$0x0]  }
0x2: {  	s1 =	rddreg [dreg:$0x1]  }
0x3: {  	s2 =	rddreg [dreg:$0x2];
	s3 =	srdreg.scid;
	s4 =	simm.s32 $0x0  }
0x4: {  	s0 =	stileid.u32;
	s19 =	simm.s32 $0x200;
	s20 =	simm.s32 $0x2E00  }
0x5: {  	s28 =	simm.s32 $0x3;
	s29 =	simm.s32 $0x480;
	s9 =	smul.u32 $0x14000, s0  }
0x6: {  	s30 =	simm.s32 $0x0;
	s8 =	sand.u32 $0x1, s3;
	s13 =	smul.u32 $0x50000, s0  }
0x7: {  	[smem:$0x7FF] =	sst s4;
	s5 =	sadd.s32 $0x2800, s6;
	s17 =	smul.u32 $0x1F40, s0  }
0x8: {  	s12 =	sadd.s32 $0x273800, s6;
	s24 =	sshll.u32 s0, $0x6;
	s7 =	smul.u32 $0x140000, s8  }
0x9: {  	_ =	strace $0x80000047;
	s21 =	ssub.s32 $0x2, s8;
	s10 =	sshll.u32 s8, $0x4  }
0xa: {  	s31 =	smul.u32 $0x1F400, s8;
	s11 =	sshrl.u32 s21, $0x1;
	s10 =	sor.u32 s0, s10  }
0xb: {  	s23 =	sshrl.u32 s13, $0x2;
	s7 =	sadd.s32 s9, s7;
	s22 =	smul.u32 $0xFA00, s10  }
0xc: {  	s15 =	ssub.s32 s21, s11;
	s10 =	smul.u32 $0x1F40, s10;
	s16 =	sadd.s32 s23, s2  }
0xd: {  	s18 =	sadd.s32 s31, s12;
	s21 =	simm.s32 $0x1;
	s23 =	simm.s32 $0x5600  }
0xe: {  	s7 =	sshrl.u32 s7, $0x3;
	s13 =	smax.u32 s15, $0x1;
	s15 =	sshrl.u32 s16, $0x3  }
0xf: {  	s16 =	simm.s32 $0x4;
	s14 =	sadd.s32 s7, s6;
	s6 =	sor.u32 $0x1C04, s24  }
0x10: {  	s25 =	sshrl.u32 s22, $0x3;
	s7 =	sadd.s32 s12, s10;
	s22 =	simm.s32 $0x400  }
0x11: {  	s24 =	simm.s32 $0x80;
	s26 =	sadd.s32 s12, s25;
	s12 =	sadd.s32 $0x2B2000, s14  }
0x12: {  	s14 =	sadd.s32 s17, s18;
	s17 =	simm.s32 $0x50;
	s18 =	simm.s32 $0x600  }
0x13: {  	s25 =	simm.s32 $0x2;
	s8 =	sadd.s32 $0x40, s26;
	s9 =	sadd.s32 $0x80, s26  }
0x14: {  	s10 =	sadd.s32 $0xC0, s26;
	s11 =	sadd.s32 $0x100, s26;
	s26 =	simm.s32 $0x280  }
.LBB2_1:
0x15: {  	[spmem:s15], [sflag:s6] =	dma.local [hbm:s1], $0x2800  }
0x16: {  	_ =	swait.ge [sflag:s16], $0x2800  }
0x17: {  	[sflag:s16] =	ssyncset.done $0x0  }
0x18: {  	[sflag:s16] =	ssyncadd.s32 $0xFFFFD800  }
0x19: {  	[bflag:$0x0] =	sbarrier.arrive $0xFFFF  }
0x1a: {  	[tilespmem:s4], [sflag:$0x4] =	stream.linear.gather [hbm4b:s7+s4], $0x180, $0x38;
	[tilespmem:$0x1BE00] =	vst v63  }
0x1b: {  	_ =	swait.ge [sflag:s16], $0x180  }
0x1c: {  	[sflag:s16] =	ssyncset.done $0x0  }
0x1d: {  	[sflag:s16] =	ssyncadd.s32 $0xFFFFFE80  }
0x1e: {  	[tilespmem:s18], [sflag:$0x1] =	stream.indirect.gather [hbm4b:s5+s17], $0x80, s4, s17, $0xb8;
	[tilespmem:$0x1BE00] =	vst v63  }
0x1f: {  	_ = 	snop  }
0x20: {  	[tilespmem:s19], [sflag:$0x4] =	stream.linear.gather [hbm4b:s8+s4], $0x180, $0x38;
	[tilespmem:$0x1BE00] =	vst v63  }
0x21: {  	_ =	swait.ge [sflag:s16], $0x180  }
0x22: {  	[sflag:s16] =	ssyncset.done $0x0  }
0x23: {  	[sflag:s16] =	ssyncadd.s32 $0xFFFFFE80  }
0x24: {  	[tilespmem:s20], [sflag:$0x2] =	stream.indirect.gather [hbm4b:s5+s17], $0x80, s19, s17, $0xb8;
	[tilespmem:$0x1BE00] =	vst v63  }
0x25: {  	_ =	swait.ge [sflag:s21], $0x2800  }
0x26: {  	[sflag:s21] =	ssyncset.done $0x0  }
0x27: {  	[sflag:s21] =	ssyncadd.s32 $0xFFFFD800  }
0x28: {  	[tilespmem:s22], [sflag:$0x4] =	stream.linear.gather [hbm4b:s9+s4], $0x180, $0x38;
	[tilespmem:$0x1BE00] =	vst v63  }
0x29: {  	_ =	swait.ge [sflag:s16], $0x180  }
0x2a: {  	[sflag:s16] =	ssyncset.done $0x0  }
0x2b: {  	[sflag:s16] =	ssyncadd.s32 $0xFFFFFE80  }
0x2c: {  	[tilespmem:s23], [sflag:$0x3] =	stream.indirect.gather [hbm4b:s5+s17], $0x80, s22, s17, $0xb8;
	[tilespmem:$0x1BE00] =	vst v63  }
0x2d: {  	_ = 	snop  }
0x2e: {  	[spmem:s2] =	stream.indirect.scatter.add.f32 [tilespmem:s18], [sflag:$0x1], $0x80, s24, s17, $0xb8;
	[tilespmem:$0x1BE00] =	vst v63  }
0x2f: {  	_ =	swait.ge [sflag:s25], $0x2800  }
0x30: {  	[sflag:s25] =	ssyncset.done $0x0  }
0x31: {  	[sflag:s25] =	ssyncadd.s32 $0xFFFFD800  }
0x32: {  	_ =	swait.ge [sflag:s21], $0x2800  }
0x33: {  	[sflag:s21] =	ssyncset.done $0x0  }
0x34: {  	[sflag:s21] =	ssyncadd.s32 $0xFFFFD800  }
0x35: {  	[tilespmem:s4], [sflag:$0x4] =	stream.linear.gather [hbm4b:s10+s4], $0x180, $0x38;
	[tilespmem:$0x1BE00] =	vst v63  }
0x36: {  	_ =	swait.ge [sflag:s16], $0x180  }
0x37: {  	[sflag:s16] =	ssyncset.done $0x0  }
0x38: {  	[sflag:s16] =	ssyncadd.s32 $0xFFFFFE80  }
0x39: {  	[tilespmem:s18], [sflag:$0x1] =	stream.indirect.gather [hbm4b:s5+s17], $0x80, s4, s17, $0xb8;
	[tilespmem:$0x1BE00] =	vst v63  }
0x3a: {  	_ = 	snop  }
0x3b: {  	[spmem:s2] =	stream.indirect.scatter.add.f32 [tilespmem:s20], [sflag:$0x2], $0x80, s26, s17, $0xb8;
	[tilespmem:$0x1BE00] =	vst v63  }
0x3c: {  	_ =	swait.ge [sflag:s28], $0x2800  }
0x3d: {  	[sflag:s28] =	ssyncset.done $0x0  }
0x3e: {  	[sflag:s28] =	ssyncadd.s32 $0xFFFFD800  }
0x3f: {  	_ =	swait.ge [sflag:s25], $0x2800  }
0x40: {  	[sflag:s25] =	ssyncset.done $0x0  }
0x41: {  	[sflag:s25] =	ssyncadd.s32 $0xFFFFD800  }
0x42: {  	[tilespmem:s19], [sflag:$0x4] =	stream.linear.gather [hbm4b:s11+s4], $0x180, $0x38;
	[tilespmem:$0x1BE00] =	vst v63  }
0x43: {  	_ =	swait.ge [sflag:s16], $0x180  }
0x44: {  	[sflag:s16] =	ssyncset.done $0x0  }
0x45: {  	[sflag:s16] =	ssyncadd.s32 $0xFFFFFE80  }
0x46: {  	[tilespmem:s20], [sflag:$0x2] =	stream.indirect.gather [hbm4b:s5+s17], $0x80, s19, s17, $0xb8;
	[tilespmem:$0x1BE00] =	vst v63  }
0x47: {  	_ = 	snop  }
0x48: {  	[spmem:s2] =	stream.indirect.scatter.add.f32 [tilespmem:s23], [sflag:$0x3], $0x80, s29, s17, $0xb8;
	[tilespmem:$0x1BE00] =	vst v63  }
0x49: {  	_ =	swait.ge [sflag:s21], $0x2800  }
0x4a: {  	[sflag:s21] =	ssyncset.done $0x0  }
0x4b: {  	[sflag:s21] =	ssyncadd.s32 $0xFFFFD800  }
0x4c: {  	_ =	swait.ge [sflag:s28], $0x2800  }
0x4d: {  	s31 =	sadd.s32 $0xFFFFE200, s14;
	[sflag:s28] =	ssyncset.done $0x0  }
0x4e: {  	s0 =	sadd.s32 $0x1F40, s31;
	[sflag:s28] =	ssyncadd.s32 $0xFFFFD800  }
0x4f: {  	[tilespmem:s22], [sflag:$0x4] =	stream.linear.gather [hbm4b:s0+s4], $0x180, $0x38;
	[tilespmem:$0x1BE00] =	vst v63  }
0x50: {  	_ =	swait.ge [sflag:s16], $0x180  }
0x51: {  	[sflag:s16] =	ssyncset.done $0x0  }
0x52: {  	[sflag:s16] =	ssyncadd.s32 $0xFFFFFE80  }
0x53: {  	[tilespmem:s23], [sflag:$0x3] =	stream.indirect.gather [hbm4b:s5+s17], $0x80, s22, s17, $0xb8;
	[tilespmem:$0x1BE00] =	vst v63  }
0x54: {  	_ = 	snop  }
0x55: {  	[spmem:s2] =	stream.indirect.scatter.add.f32 [tilespmem:s18], [sflag:$0x1], $0x80, s24, s17, $0xb8;
	[tilespmem:$0x1BE00] =	vst v63  }
0x56: {  	_ =	swait.ge [sflag:s25], $0x2800  }
0x57: {  	[sflag:s25] =	ssyncset.done $0x0  }
0x58: {  	[sflag:s25] =	ssyncadd.s32 $0xFFFFD800  }
0x59: {  	_ =	swait.ge [sflag:s21], $0x2800  }
0x5a: {  	[sflag:s21] =	ssyncset.done $0x0  }
0x5b: {  	s3 =	sadd.s32 $0x1F80, s31;
	[sflag:s21] =	ssyncadd.s32 $0xFFFFD800  }
0x5c: {  	[tilespmem:s4], [sflag:$0x4] =	stream.linear.gather [hbm4b:s3+s4], $0x180, $0x38;
	[tilespmem:$0x1BE00] =	vst v63  }
0x5d: {  	_ =	swait.ge [sflag:s16], $0x180  }
0x5e: {  	[sflag:s16] =	ssyncset.done $0x0  }
0x5f: {  	[sflag:s16] =	ssyncadd.s32 $0xFFFFFE80  }
0x60: {  	[tilespmem:s18], [sflag:$0x1] =	stream.indirect.gather [hbm4b:s5+s17], $0x80, s4, s17, $0xb8;
	[tilespmem:$0x1BE00] =	vst v63  }
0x61: {  	_ = 	snop  }
0x62: {  	[spmem:s2] =	stream.indirect.scatter.add.f32 [tilespmem:s20], [sflag:$0x2], $0x80, s26, s17, $0xb8;
	[tilespmem:$0x1BE00] =	vst v63  }
0x63: {  	_ =	swait.ge [sflag:s28], $0x2800  }
0x64: {  	[sflag:s28] =	ssyncset.done $0x0  }
0x65: {  	[sflag:s28] =	ssyncadd.s32 $0xFFFFD800  }
0x66: {  	_ =	swait.ge [sflag:s25], $0x2800  }
0x67: {  	[sflag:s25] =	ssyncset.done $0x0  }
0x68: {  	s3 =	sadd.s32 $0x1FC0, s31;
	[sflag:s25] =	ssyncadd.s32 $0xFFFFD800  }
0x69: {  	[tilespmem:s19], [sflag:$0x4] =	stream.linear.gather [hbm4b:s3+s4], $0x180, $0x38;
	[tilespmem:$0x1BE00] =	vst v63  }
0x6a: {  	_ =	swait.ge [sflag:s16], $0x180  }
0x6b: {  	[sflag:s16] =	ssyncset.done $0x0  }
0x6c: {  	s31 =	simm.s32 $0xFFFFE2C0;
	[sflag:s16] =	ssyncadd.s32 $0xFFFFFE80  }
0x6d: {  	[tilespmem:s20], [sflag:$0x2] =	stream.indirect.gather [hbm4b:s5+s17], $0x80, s19, s17, $0xb8;
	[tilespmem:$0x1BE00] =	vst v63  }
.LBB2_2:
0x6e: {  	[spmem:s2] =	stream.indirect.scatter.add.f32 [tilespmem:s23], [sflag:$0x3], $0x80, s29, s17, $0xb8;
	[tilespmem:$0x1BE00] =	vst v63  }
0x6f: {  	s0 =	smov.u32 s31  }
0x70: {  	p0 =	sne.s32 s31, $0xFFFFFF40;
	s31 =	sadd.s32 $0xC0, s31;
	_ =	swait.ge [sflag:s21], $0x2800  }
0x71: {  	[sflag:s21] =	ssyncset.done $0x0  }
0x72: {  	[sflag:s21] =	ssyncadd.s32 $0xFFFFD800  }
0x73: {  	_ =	swait.ge [sflag:s28], $0x2800  }
0x74: {  	s0 =	sadd.s32 s0, s14;
	[sflag:s28] =	ssyncset.done $0x0  }
0x75: {  	s3 =	sadd.s32 $0x1F40, s0;
	[sflag:s28] =	ssyncadd.s32 $0xFFFFD800  }
0x76: {  	[tilespmem:s22], [sflag:$0x4] =	stream.linear.gather [hbm4b:s3+s4], $0x180, $0x38;
	[tilespmem:$0x1BE00] =	vst v63  }
0x77: {  	_ =	swait.ge [sflag:s16], $0x180  }
0x78: {  	[sflag:s16] =	ssyncset.done $0x0  }
0x79: {  	[sflag:s16] =	ssyncadd.s32 $0xFFFFFE80  }
0x7a: {  	[tilespmem:s23], [sflag:$0x3] =	stream.indirect.gather [hbm4b:s5+s17], $0x80, s22, s17, $0xb8;
	[tilespmem:$0x1BE00] =	vst v63  }
0x7b: {  	_ = 	snop  }
0x7c: {  	[spmem:s2] =	stream.indirect.scatter.add.f32 [tilespmem:s18], [sflag:$0x1], $0x80, s24, s17, $0xb8;
	[tilespmem:$0x1BE00] =	vst v63  }
0x7d: {  	_ =	swait.ge [sflag:s25], $0x2800  }
0x7e: {  	[sflag:s25] =	ssyncset.done $0x0  }
0x7f: {  	[sflag:s25] =	ssyncadd.s32 $0xFFFFD800  }
0x80: {  	_ =	swait.ge [sflag:s21], $0x2800  }
0x81: {  	[sflag:s21] =	ssyncset.done $0x0  }
0x82: {  	s3 =	sadd.s32 $0x1F80, s0;
	[sflag:s21] =	ssyncadd.s32 $0xFFFFD800  }
0x83: {  	[tilespmem:s4], [sflag:$0x4] =	stream.linear.gather [hbm4b:s3+s4], $0x180, $0x38;
	[tilespmem:$0x1BE00] =	vst v63  }
0x84: {  	_ =	swait.ge [sflag:s16], $0x180  }
0x85: {  	[sflag:s16] =	ssyncset.done $0x0  }
0x86: {  	[sflag:s16] =	ssyncadd.s32 $0xFFFFFE80  }
0x87: {  	[tilespmem:s18], [sflag:$0x1] =	stream.indirect.gather [hbm4b:s5+s17], $0x80, s4, s17, $0xb8;
	[tilespmem:$0x1BE00] =	vst v63  }
0x88: {  	_ = 	snop  }
0x89: {  	[spmem:s2] =	stream.indirect.scatter.add.f32 [tilespmem:s20], [sflag:$0x2], $0x80, s26, s17, $0xb8;
	[tilespmem:$0x1BE00] =	vst v63  }
0x8a: {  	_ =	swait.ge [sflag:s28], $0x2800  }
0x8b: {  	[sflag:s28] =	ssyncset.done $0x0  }
0x8c: {  	[sflag:s28] =	ssyncadd.s32 $0xFFFFD800  }
0x8d: {  	_ =	swait.ge [sflag:s25], $0x2800  }
0x8e: {  	[sflag:s25] =	ssyncset.done $0x0  }
0x8f: {  	s0 =	sadd.s32 $0x1FC0, s0;
	[sflag:s25] =	ssyncadd.s32 $0xFFFFD800  }
0x90: {  	[tilespmem:s19], [sflag:$0x4] =	stream.linear.gather [hbm4b:s0+s4], $0x180, $0x38;
	[tilespmem:$0x1BE00] =	vst v63  }
.Ltmp0:
0x91: {  	_ = 	snop;
	(pc) =	sbr.rel @p0 .LBB2_2-.Ltmp0, $4  }
0x92: {  	_ =	swait.ge [sflag:s16], $0x180  }
0x93: {  	[sflag:s16] =	ssyncset.done $0x0  }
0x94: {  	[sflag:s16] =	ssyncadd.s32 $0xFFFFFE80  }
0x95: {  	[tilespmem:s20], [sflag:$0x2] =	stream.indirect.gather [hbm4b:s5+s17], $0x80, s19, s17, $0xb8;
	[tilespmem:$0x1BE00] =	vst v63  }
0x96: {  	[spmem:s2] =	stream.indirect.scatter.add.f32 [tilespmem:s23], [sflag:$0x3], $0x80, s29, s17, $0xb8;
	[tilespmem:$0x1BE00] =	vst v63  }
0x97: {  	_ =	swait.ge [sflag:s21], $0x2800  }
0x98: {  	[sflag:s21] =	ssyncset.done $0x0  }
0x99: {  	[sflag:s21] =	ssyncadd.s32 $0xFFFFD800  }
0x9a: {  	_ =	swait.ge [sflag:s28], $0x2800  }
0x9b: {  	[sflag:s28] =	ssyncset.done $0x0  }
0x9c: {  	[sflag:s28] =	ssyncadd.s32 $0xFFFFD800  }
0x9d: {  	[spmem:s2] =	stream.indirect.scatter.add.f32 [tilespmem:s18], [sflag:$0x1], $0x80, s24, s17, $0xb8;
	[tilespmem:$0x1BE00] =	vst v63  }
0x9e: {  	_ =	swait.ge [sflag:s25], $0x2800  }
0x9f: {  	[sflag:s25] =	ssyncset.done $0x0  }
0xa0: {  	[sflag:s25] =	ssyncadd.s32 $0xFFFFD800  }
0xa1: {  	_ =	swait.ge [sflag:s21], $0x2800  }
0xa2: {  	[sflag:s21] =	ssyncset.done $0x0  }
0xa3: {  	[sflag:s21] =	ssyncadd.s32 $0xFFFFD800  }
0xa4: {  	[spmem:s2] =	stream.indirect.scatter.add.f32 [tilespmem:s20], [sflag:$0x2], $0x80, s26, s17, $0xb8;
	[tilespmem:$0x1BE00] =	vst v63  }
0xa5: {  	_ =	swait.ge [sflag:s25], $0x2800  }
0xa6: {  	s30 =	sadd.s32 $0x1, s30;
	[sflag:s25] =	ssyncset.done $0x0  }
0xa7: {  	p0 =	sne.s32 s30, s13;
	[sflag:s25] =	ssyncadd.s32 $0xFFFFD800  }
.Ltmp1:
0xa8: {  	[bflag:$0x0] =	sbarrier.arrive $0xFFFF;
	(pc) =	sbr.rel @p0 .LBB2_1-.Ltmp1, $4  }
0xa9: {  	[hbm:s12], [sflag:s6] =	dma.local [spmem:s15], $0x2800  }
0xaa: {  	_ =	swait.ge [sflag:s16], $0x2800  }
0xab: {  	[sflag:s16] =	ssyncset.done $0x0  }
0xac: {  	[sflag:s16] =	ssyncadd.s32 $0xFFFFD800  }
0xad: {  	_ =	sfence.sel $0x180000  }
0xae: {  	[bflag:$0x0] =	sbarrier.arrive $0xFFFF  }
0xaf: {  	_ =	strace $0x90000047  }
0xb0: {  	s0 =	stileid.u32;
	[bflag:$0x2] =	sbarrier.arrive $0xFFFF  }
0xb1: {  	p0 =	sne.s32 s0, $0x0;
	s0 =	rddreg [dreg:$0x3]  }
0xb2: {  	s0 =	sadd.s32 @!p0 $0x100000, s0  }
0xb3: {  	[sflag:s0] =	ssyncadd.tile.s32 @!p0 $0x1;
	_ =	shalt  }
.Lfunc_end2:
_tile_overlayer_lowered:
.L_overlay_start_2:
0xb4: {  	(tag) =	ssettag $0x2  }
0xb5: {  	s0 =	rddreg [dreg:$0x0];
	s2 =	stileid.u32  }
0xb6: {  	s1 =	rddreg [dreg:$0x1];
	p0 =	sne.s32 s2, $0x0  }
0xb7: {  	s3 =	rddreg [dreg:$0x2];
	[bflag:$0x3] =	sbarrier.arrive $0xFFFF;
	s2 =	simm.s32 @!p0 $0x1C04  }
0xb8: {  	[timem:s3], [sflag:s2] =	dma.local @!p0 [hbm:s0], s1  }
0xb9: {  	s0 =	simm.s32 @!p0 $0x4  }
0xba: {  	_ =	swait.ge @!p0 [sflag:s0], s1  }
0xbb: {  	s1 =	ssub.s32 @!p0 $0x0, s1;
	[sflag:s0] =	ssyncset.done @!p0 $0x0  }
0xbc: {  	[sflag:s0] =	ssyncadd.s32 @!p0 s1  }
0xbd: {  	[bflag:$0x3] =	sbarrier.arrive $0xFFFF  }
0xbe: {  	_ =	shalt  }

</sc_bundles>
